<compile_context>
chip_gen: v7x
topology: tpu7x:2x2x1
jax: 0.10.2.dev20260603
libtpu: 0.0.44.dev20260713+nightly
codegen_flags: <defaults>
</compile_context>

<pallas_src>
import functools

import jax
import jax.numpy as jnp
from jax import lax
from jax.experimental import pallas as pl
from jax.experimental.pallas import tpu as pltpu
from jax.experimental.pallas import tpu_sc as plsc

NC = 2
NS = 16
L = 16
C = 128


def _mm_tanh_kernel(x_ref, w_ref, o_ref):
    o_ref[...] = jnp.tanh(
        jnp.dot(x_ref[...], w_ref[...], preferred_element_type=jnp.float32))


def _finish_kernel(p_ref, b_ref, o_ref):
    o_ref[...] = jnp.tanh(p_ref[0] + p_ref[1]) + b_ref[...]


def _sc_spmm(n_rows, chunks_per_tile, h, src, dst, val, zeros):
    d = h.shape[1]
    rows_per_tile = n_rows // NS
    mesh = plsc.VectorSubcoreMesh(core_axis_name="c", subcore_axis_name="s")

    @functools.partial(
        pl.kernel,
        out_type=jax.ShapeDtypeStruct((NC, n_rows, d), jnp.float32),
        mesh=mesh,
        scratch_types=[
            [pltpu.VMEM((C,), jnp.int32)] * 3,
            [pltpu.VMEM((C,), jnp.int32)] * 3,
            [pltpu.VMEM((C * L,), jnp.float32)] * 3,
            [pltpu.VMEM((C, d), jnp.float32)] * 2,
            pltpu.VMEM_SHARED((n_rows, d), jnp.float32),
            [pltpu.SemaphoreType.DMA] * 3,
            [pltpu.SemaphoreType.DMA] * 2,
            [pltpu.SemaphoreType.DMA] * 2,
        ],
    )
    def spmm(h_hbm, src_hbm, dst_hbm, val_hbm, z_hbm, out_hbm,
             src_v, dst_v, val_v, rows_v, agg_sh, isem, gsem, ssem):
        cid = lax.axis_index("c")
        sid = lax.axis_index("s")
        wid = cid * NS + sid

        row0 = sid * rows_per_tile
        pltpu.sync_copy(z_hbm, agg_sh.at[pl.ds(row0, rows_per_tile)])
        plsc.subcore_barrier()

        edge0 = wid * (chunks_per_tile * C)

        cpt = chunks_per_tile

        def idx_base(i):
            return edge0 + jnp.minimum(i, cpt) * C

        def idx_copies(i, t):
            base = idx_base(i)
            return (
                pltpu.make_async_copy(
                    src_hbm.at[pl.ds(base, C)], src_v[t], isem[t]),
                pltpu.make_async_copy(
                    dst_hbm.at[pl.ds(base, C)], dst_v[t], isem[t]),
                pltpu.make_async_copy(
                    val_hbm.at[pl.ds(base * L, C * L)], val_v[t], isem[t]),
            )

        def prefetch_idx(i, t):
            for c in idx_copies(i, t):
                c.start()

        def wait_idx(i, t):
            for c in idx_copies(i, t):
                c.wait()

        def start_gather(i, b, t):
            pltpu.async_copy(h_hbm.at[src_v[t]], rows_v[b], gsem[b])

        def wait_gather(b, t):
            pltpu.make_async_copy(h_hbm.at[src_v[t]], rows_v[b],
                                  gsem[b]).wait()

        def wait_scatter(b, t):
            pltpu.make_async_copy(rows_v[b], agg_sh.at[dst_v[t]],
                                  ssem[b]).wait()

        def scale_scatter(b, t):
            @plsc.parallel_loop(0, C, step=1, unroll=2)
            def scale_body(e):
                vsplat = val_v[t][pl.ds(e * L, L)]
                for j in range(d // L):
                    sl = pl.ds(j * L, L)
                    rows_v[b][e, sl] = rows_v[b][e, sl] * vsplat

            pltpu.async_copy(rows_v[b], agg_sh.at[dst_v[t]], ssem[b],
                             add=True)

        def step(i, b, t):
            wait_scatter(b ^ 1, (t + 2) % 3)
            prefetch_idx(i + 2, (t + 2) % 3)
            wait_idx(i + 1, (t + 1) % 3)
            start_gather(i + 1, b ^ 1, (t + 1) % 3)
            wait_gather(b, t)
            scale_scatter(b, t)

        prefetch_idx(0, 0)
        wait_idx(0, 0)
        start_gather(0, 0, 0)
        prefetch_idx(1, 1)
        wait_idx(1, 1)
        start_gather(1, 1, 1)
        prefetch_idx(2, 2)
        wait_gather(0, 0)
        scale_scatter(0, 0)
        step(1, 1, 1)

        def six_body(p, carry):
            for q in range(6):
                i = 6 * p + 2 + q
                step(i, q % 2, (2 + q) % 3)
            return carry

        lax.fori_loop(0, (cpt - 2) // 6, six_body, 0)
        wait_scatter((cpt - 1) % 2, (cpt - 1) % 3)
        wait_gather(cpt % 2, cpt % 3)
        wait_idx(cpt, (cpt + 1) % 3)
        plsc.subcore_barrier()
        pltpu.sync_copy(agg_sh.at[pl.ds(row0, rows_per_tile)],
                        out_hbm.at[cid, pl.ds(row0, rows_per_tile)])

    return spmm(h, src, dst, val, zeros)


def kernel(inputs, adj_indices, adj_values, W, b):
    n, d = inputs.shape
    e = adj_values.shape[0]

    blk = 1000
    h = pl.pallas_call(
        _mm_tanh_kernel,
        grid=(n // blk,),
        in_specs=[
            pl.BlockSpec((blk, d), lambda i: (i, 0)),
            pl.BlockSpec((d, d), lambda i: (0, 0)),
        ],
        out_specs=pl.BlockSpec((blk, d), lambda i: (i, 0)),
        out_shape=jax.ShapeDtypeStruct((n, d), jnp.float32),
    )(inputs, W)

    tile_quota = 2 * NC * NS * C
    ep = ((e + tile_quota - 1) // tile_quota) * tile_quota
    pad = ep + C - e
    n_pad = ((n + NS * 8 - 1) // (NS * 8)) * (NS * 8)
    pad_base, pad_mod = (n, n_pad - n) if n_pad > n else (0, n)
    src = jnp.concatenate(
        [adj_indices[1], jnp.arange(pad, dtype=jnp.int32) % n])
    dst = jnp.concatenate(
        [adj_indices[0], pad_base + jnp.arange(pad, dtype=jnp.int32) % pad_mod])
    val = jnp.broadcast_to(
        jnp.concatenate([adj_values, jnp.zeros((pad,), jnp.float32)])[:, None],
        (ep + C, L)).reshape(-1)
    zeros = jnp.zeros((n_pad // NS, d), jnp.float32)
    partials = _sc_spmm(n_pad, ep // (NC * NS * C), h, src, dst, val, zeros)

    out = pl.pallas_call(
        _finish_kernel,
        grid=(n // blk,),
        in_specs=[
            pl.BlockSpec((NC, blk, d), lambda i: (0, i, 0)),
            pl.BlockSpec((d,), lambda i: (0,)),
        ],
        out_specs=pl.BlockSpec((blk, d), lambda i: (i, 0)),
        out_shape=jax.ShapeDtypeStruct((n, d), jnp.float32),
    )(partials, b)
    return out

# --- scband reference (transcript-rebuilt; emitter-appended) ---
"""Pipeline reference for scband-gcn-764504178704 (READ-ONLY COPY).

The authoritative reference and input builder live on the scoring server;
editing this copy changes nothing except your own understanding.
"""

import jax, jax.numpy as jnp
import numpy as np
import math

N = 10000
E = 320000
D = 128


def setup_inputs(seed: int = 0) -> dict:
    key = jax.random.key(seed)
    k1, k2, k3, k4, k5 = jax.random.split(key, 5)
    inputs = jax.random.normal(k1, (N, D), dtype=jnp.float32)
    adj_indices = jax.random.randint(k2, (2, E), 0, N, dtype=jnp.int64 if jax.config.jax_enable_x64 else jnp.int32).astype(jnp.int32)
    adj_values = jax.random.uniform(k3, (E,), dtype=jnp.float32)
    stdv = 1.0 / math.sqrt(D)
    W = jax.random.uniform(k4, (D, D), dtype=jnp.float32, minval=-stdv, maxval=stdv)
    b = jax.random.uniform(k5, (D,), dtype=jnp.float32, minval=-stdv, maxval=stdv)
    return {"inputs": inputs, "adj_indices": adj_indices, "adj_values": adj_values, "W": W, "b": b}


def reference(inputs, adj_indices, adj_values, W, b):
    # h = tanh(spmm(inputs, W))  (dense mm since inputs is dense)
    h = jnp.tanh(inputs @ W)
    # spmm(adj, h): adj is COO sparse [N, N] with rows=dst, cols=src
    dst = adj_indices[0]
    src = adj_indices[1]
    msg = adj_values[:, None] * jnp.take(h, src, axis=0)
    agg = jax.ops.segment_sum(msg, dst, num_segments=inputs.shape[0])
    out = jnp.tanh(agg) + b
    return out

if __name__ == "__main__":
    import jax
    _d = setup_inputs()
    print(jax.jit(kernel)(*tuple(_d.values())))

</pallas_src>

<mosaic_0001>
#map = affine_map<(d0, d1) -> (0, 0)>
#map1 = affine_map<(d0, d1) -> (0)>
#map2 = affine_map<(d0, d1) -> (0, 0, 0)>
module attributes {stable_mosaic.version = 14 : i64} {
  func.func @spmm(%arg0: i32, %arg1: i32, %arg2: memref<10000x128xf32, #tpu.memory_space<hbm>>, %arg3: memref<327808xi32, #tpu.memory_space<hbm>>, %arg4: memref<327808xi32, #tpu.memory_space<hbm>>, %arg5: memref<5244928xf32, #tpu.memory_space<hbm>>, %arg6: memref<632x128xf32, #tpu.memory_space<hbm>>, %arg7: memref<2x10112x128xf32, #tpu.memory_space<hbm>>, %arg8: memref<128xi32, #tpu.memory_space<vmem>>, %arg9: memref<128xi32, #tpu.memory_space<vmem>>, %arg10: memref<128xi32, #tpu.memory_space<vmem>>, %arg11: memref<128xi32, #tpu.memory_space<vmem>>, %arg12: memref<128xi32, #tpu.memory_space<vmem>>, %arg13: memref<128xi32, #tpu.memory_space<vmem>>, %arg14: memref<2048xf32, #tpu.memory_space<vmem>>, %arg15: memref<2048xf32, #tpu.memory_space<vmem>>, %arg16: memref<2048xf32, #tpu.memory_space<vmem>>, %arg17: memref<128x128xf32, #tpu.memory_space<vmem>>, %arg18: memref<128x128xf32, #tpu.memory_space<vmem>>, %arg19: memref<10112x128xf32, #tpu.memory_space<vmem_shared>>, %arg20: memref<!tpu.dma_semaphore, #tpu.memory_space<semaphore_mem>>, %arg21: memref<!tpu.dma_semaphore, #tpu.memory_space<semaphore_mem>>, %arg22: memref<!tpu.dma_semaphore, #tpu.memory_space<semaphore_mem>>, %arg23: memref<!tpu.dma_semaphore, #tpu.memory_space<semaphore_mem>>, %arg24: memref<!tpu.dma_semaphore, #tpu.memory_space<semaphore_mem>>, %arg25: memref<!tpu.dma_semaphore, #tpu.memory_space<semaphore_mem>>, %arg26: memref<!tpu.dma_semaphore, #tpu.memory_space<semaphore_mem>>) attributes {dimension_semantics = [#tpu.dimension_semantics<core_parallel>, #tpu.dimension_semantics<subcore_parallel>], iteration_bounds = array<i64: 2, 16>, scalar_prefetch = 0 : i64, scratch_operands = 19 : i64, tpu.core_type = #tpu.core_type<sc_vector_subcore>, window_params = [{transform_indices = #map}, {transform_indices = #map1}, {transform_indices = #map1}, {transform_indices = #map1}, {transform_indices = #map}, {transform_indices = #map2}]} {
    %mul3A = arith.constant 16 : i32
    %mul3A_0 = arith.muli %arg0, %mul3A : i32
    %add3A = arith.addi %mul3A_0, %arg1 : i32
    %mul3A_1 = arith.constant 632 : i32
    %mul3A_2 = arith.muli %arg1, %mul3A_1 : i32
    "tpu.region"() ({
      %run_scoped3A = tpu.sem_alloc : memref<!tpu.dma_semaphore, #tpu.memory_space<semaphore_mem>>
      %dma_start3A_155 = arith.constant 0 : i32
      %dma_start3A_156 = tpu.memref_slice %arg19[%mul3A_2, %dma_start3A_155] : memref<10112x128xf32, #tpu.memory_space<vmem_shared>> -> memref<632x128xf32, #tpu.memory_space<vmem_shared>>
      tpu.enqueue_dma source(%arg6 : memref<632x128xf32, #tpu.memory_space<hbm>>) target(%dma_start3A_156 : memref<632x128xf32, #tpu.memory_space<vmem_shared>>) target_semaphore(%run_scoped3A : memref<!tpu.dma_semaphore, #tpu.memory_space<semaphore_mem>>)
      %dma_wait3A_157 = arith.constant 0 : i32
      %dma_wait3A_158 = tpu.memref_slice %arg19[%mul3A_2, %dma_wait3A_157] : memref<10112x128xf32, #tpu.memory_space<vmem_shared>> -> memref<632x128xf32, #tpu.memory_space<vmem_shared>>
      tpu.wait_dma2 semaphore(%run_scoped3A : memref<!tpu.dma_semaphore, #tpu.memory_space<semaphore_mem>>) src(%arg6 : memref<632x128xf32, #tpu.memory_space<hbm>>) dst(%dma_wait3A_158 : memref<632x128xf32, #tpu.memory_space<vmem_shared>>)
      tpu.yield
    }) : () -> ()
    %barrier3A = arith.constant 0 : index
    tpu.barrier barrier_id(%barrier3A)
    %mul3A_3 = arith.constant 10240 : i32
    %mul3A_4 = arith.muli %add3A, %mul3A_3 : i32
    %min3A = arith.constant 0 : i32
    %min3A_5 = arith.constant 80 : i32
    %min3A_6 = arith.minsi %min3A, %min3A_5 : i32
    %mul3A_7 = arith.constant 128 : i32
    %mul3A_8 = arith.muli %min3A_6, %mul3A_7 : i32
    %add3A_9 = arith.addi %mul3A_4, %mul3A_8 : i32
    %mul3A_10 = arith.constant 16 : i32
    %mul3A_11 = arith.muli %add3A_9, %mul3A_10 : i32
    %dma_start3A = tpu.memref_slice %arg3[%add3A_9] : memref<327808xi32, #tpu.memory_space<hbm>> -> memref<128xi32, #tpu.memory_space<hbm>>
    %dma_start3A_12 = tpu.memref_slice %arg3[%add3A_9] : memref<327808xi32, #tpu.memory_space<hbm>> -> memref<128xi32, #tpu.memory_space<hbm>>
    tpu.enqueue_dma source(%dma_start3A_12 : memref<128xi32, #tpu.memory_space<hbm>>) target(%arg8 : memref<128xi32, #tpu.memory_space<vmem>>) target_semaphore(%arg20 : memref<!tpu.dma_semaphore, #tpu.memory_space<semaphore_mem>>)
    %dma_start3A_13 = tpu.memref_slice %arg4[%add3A_9] : memref<327808xi32, #tpu.memory_space<hbm>> -> memref<128xi32, #tpu.memory_space<hbm>>
    %dma_start3A_14 = tpu.memref_slice %arg4[%add3A_9] : memref<327808xi32, #tpu.memory_space<hbm>> -> memref<128xi32, #tpu.memory_space<hbm>>
    tpu.enqueue_dma source(%dma_start3A_14 : memref<128xi32, #tpu.memory_space<hbm>>) target(%arg11 : memref<128xi32, #tpu.memory_space<vmem>>) target_semaphore(%arg20 : memref<!tpu.dma_semaphore, #tpu.memory_space<semaphore_mem>>)
    %dma_start3A_15 = tpu.memref_slice %arg5[%mul3A_11] : memref<5244928xf32, #tpu.memory_space<hbm>> -> memref<2048xf32, #tpu.memory_space<hbm>>
    %dma_start3A_16 = tpu.memref_slice %arg5[%mul3A_11] : memref<5244928xf32, #tpu.memory_space<hbm>> -> memref<2048xf32, #tpu.memory_space<hbm>>
    tpu.enqueue_dma source(%dma_start3A_16 : memref<2048xf32, #tpu.memory_space<hbm>>) target(%arg14 : memref<2048xf32, #tpu.memory_space<vmem>>) target_semaphore(%arg20 : memref<!tpu.dma_semaphore, #tpu.memory_space<semaphore_mem>>)
    %min3A_17 = arith.constant 0 : i32
    %min3A_18 = arith.constant 80 : i32
    %min3A_19 = arith.minsi %min3A_17, %min3A_18 : i32
    %mul3A_20 = arith.constant 128 : i32
    %mul3A_21 = arith.muli %min3A_19, %mul3A_20 : i32
    %add3A_22 = arith.addi %mul3A_4, %mul3A_21 : i32
    %mul3A_23 = arith.constant 16 : i32
    %mul3A_24 = arith.muli %add3A_22, %mul3A_23 : i32
    %dma_wait3A = tpu.memref_slice %arg3[%add3A_22] : memref<327808xi32, #tpu.memory_space<hbm>> -> memref<128xi32, #tpu.memory_space<hbm>>
    %dma_wait3A_25 = tpu.memref_slice %arg3[%add3A_22] : memref<327808xi32, #tpu.memory_space<hbm>> -> memref<128xi32, #tpu.memory_space<hbm>>
    tpu.wait_dma2 semaphore(%arg20 : memref<!tpu.dma_semaphore, #tpu.memory_space<semaphore_mem>>) src(%dma_wait3A_25 : memref<128xi32, #tpu.memory_space<hbm>>) dst(%arg8 : memref<128xi32, #tpu.memory_space<vmem>>)
    %dma_wait3A_26 = tpu.memref_slice %arg4[%add3A_22] : memref<327808xi32, #tpu.memory_space<hbm>> -> memref<128xi32, #tpu.memory_space<hbm>>
    %dma_wait3A_27 = tpu.memref_slice %arg4[%add3A_22] : memref<327808xi32, #tpu.memory_space<hbm>> -> memref<128xi32, #tpu.memory_space<hbm>>
    tpu.wait_dma2 semaphore(%arg20 : memref<!tpu.dma_semaphore, #tpu.memory_space<semaphore_mem>>) src(%dma_wait3A_27 : memref<128xi32, #tpu.memory_space<hbm>>) dst(%arg11 : memref<128xi32, #tpu.memory_space<vmem>>)
    %dma_wait3A_28 = tpu.memref_slice %arg5[%mul3A_24] : memref<5244928xf32, #tpu.memory_space<hbm>> -> memref<2048xf32, #tpu.memory_space<hbm>>
    %dma_wait3A_29 = tpu.memref_slice %arg5[%mul3A_24] : memref<5244928xf32, #tpu.memory_space<hbm>> -> memref<2048xf32, #tpu.memory_space<hbm>>
    tpu.wait_dma2 semaphore(%arg20 : memref<!tpu.dma_semaphore, #tpu.memory_space<semaphore_mem>>) src(%dma_wait3A_29 : memref<2048xf32, #tpu.memory_space<hbm>>) dst(%arg14 : memref<2048xf32, #tpu.memory_space<vmem>>)
    %dma_start3A_30 = arith.constant 0 : i32
    %dma_start3A_31 = arith.constant 0 : i32
    %dma_start3A_32 = tpu.memref_slice %arg2[%dma_start3A_30, %dma_start3A_31] : memref<10000x128xf32, #tpu.memory_space<hbm>> -> memref<10000x128xf32, #tpu.memory_space<hbm>>
    tpu.enqueue_indirect_dma source(%dma_start3A_32 : memref<10000x128xf32, #tpu.memory_space<hbm>>) target(%arg17 : memref<128x128xf32, #tpu.memory_space<vmem>>) offsets(%arg8 : memref<128xi32, #tpu.memory_space<vmem>>) semaphore(%arg23 : memref<!tpu.dma_semaphore, #tpu.memory_space<semaphore_mem>>)
    %min3A_33 = arith.constant 1 : i32
    %min3A_34 = arith.constant 80 : i32
    %min3A_35 = arith.minsi %min3A_33, %min3A_34 : i32
    %mul3A_36 = arith.constant 128 : i32
    %mul3A_37 = arith.muli %min3A_35, %mul3A_36 : i32
    %add3A_38 = arith.addi %mul3A_4, %mul3A_37 : i32
    %mul3A_39 = arith.constant 16 : i32
    %mul3A_40 = arith.muli %add3A_38, %mul3A_39 : i32
    %dma_start3A_41 = tpu.memref_slice %arg3[%add3A_38] : memref<327808xi32, #tpu.memory_space<hbm>> -> memref<128xi32, #tpu.memory_space<hbm>>
    %dma_start3A_42 = tpu.memref_slice %arg3[%add3A_38] : memref<327808xi32, #tpu.memory_space<hbm>> -> memref<128xi32, #tpu.memory_space<hbm>>
    tpu.enqueue_dma source(%dma_start3A_42 : memref<128xi32, #tpu.memory_space<hbm>>) target(%arg9 : memref<128xi32, #tpu.memory_space<vmem>>) target_semaphore(%arg21 : memref<!tpu.dma_semaphore, #tpu.memory_space<semaphore_mem>>)
    %dma_start3A_43 = tpu.memref_slice %arg4[%add3A_38] : memref<327808xi32, #tpu.memory_space<hbm>> -> memref<128xi32, #tpu.memory_space<hbm>>
    %dma_start3A_44 = tpu.memref_slice %arg4[%add3A_38] : memref<327808xi32, #tpu.memory_space<hbm>> -> memref<128xi32, #tpu.memory_space<hbm>>
    tpu.enqueue_dma source(%dma_start3A_44 : memref<128xi32, #tpu.memory_space<hbm>>) target(%arg12 : memref<128xi32, #tpu.memory_space<vmem>>) target_semaphore(%arg21 : memref<!tpu.dma_semaphore, #tpu.memory_space<semaphore_mem>>)
    %dma_start3A_45 = tpu.memref_slice %arg5[%mul3A_40] : memref<5244928xf32, #tpu.memory_space<hbm>> -> memref<2048xf32, #tpu.memory_space<hbm>>
    %dma_start3A_46 = tpu.memref_slice %arg5[%mul3A_40] : memref<5244928xf32, #tpu.memory_space<hbm>> -> memref<2048xf32, #tpu.memory_space<hbm>>
    tpu.enqueue_dma source(%dma_start3A_46 : memref<2048xf32, #tpu.memory_space<hbm>>) target(%arg15 : memref<2048xf32, #tpu.memory_space<vmem>>) target_semaphore(%arg21 : memref<!tpu.dma_semaphore, #tpu.memory_space<semaphore_mem>>)
    %min3A_47 = arith.constant 1 : i32
    %min3A_48 = arith.constant 80 : i32
    %min3A_49 = arith.minsi %min3A_47, %min3A_48 : i32
    %mul3A_50 = arith.constant 128 : i32
    %mul3A_51 = arith.muli %min3A_49, %mul3A_50 : i32
    %add3A_52 = arith.addi %mul3A_4, %mul3A_51 : i32
    %mul3A_53 = arith.constant 16 : i32
    %mul3A_54 = arith.muli %add3A_52, %mul3A_53 : i32
    %dma_wait3A_55 = tpu.memref_slice %arg3[%add3A_52] : memref<327808xi32, #tpu.memory_space<hbm>> -> memref<128xi32, #tpu.memory_space<hbm>>
    %dma_wait3A_56 = tpu.memref_slice %arg3[%add3A_52] : memref<327808xi32, #tpu.memory_space<hbm>> -> memref<128xi32, #tpu.memory_space<hbm>>
    tpu.wait_dma2 semaphore(%arg21 : memref<!tpu.dma_semaphore, #tpu.memory_space<semaphore_mem>>) src(%dma_wait3A_56 : memref<128xi32, #tpu.memory_space<hbm>>) dst(%arg9 : memref<128xi32, #tpu.memory_space<vmem>>)
    %dma_wait3A_57 = tpu.memref_slice %arg4[%add3A_52] : memref<327808xi32, #tpu.memory_space<hbm>> -> memref<128xi32, #tpu.memory_space<hbm>>
    %dma_wait3A_58 = tpu.memref_slice %arg4[%add3A_52] : memref<327808xi32, #tpu.memory_space<hbm>> -> memref<128xi32, #tpu.memory_space<hbm>>
    tpu.wait_dma2 semaphore(%arg21 : memref<!tpu.dma_semaphore, #tpu.memory_space<semaphore_mem>>) src(%dma_wait3A_58 : memref<128xi32, #tpu.memory_space<hbm>>) dst(%arg12 : memref<128xi32, #tpu.memory_space<vmem>>)
    %dma_wait3A_59 = tpu.memref_slice %arg5[%mul3A_54] : memref<5244928xf32, #tpu.memory_space<hbm>> -> memref<2048xf32, #tpu.memory_space<hbm>>
    %dma_wait3A_60 = tpu.memref_slice %arg5[%mul3A_54] : memref<5244928xf32, #tpu.memory_space<hbm>> -> memref<2048xf32, #tpu.memory_space<hbm>>
    tpu.wait_dma2 semaphore(%arg21 : memref<!tpu.dma_semaphore, #tpu.memory_space<semaphore_mem>>) src(%dma_wait3A_60 : memref<2048xf32, #tpu.memory_space<hbm>>) dst(%arg15 : memref<2048xf32, #tpu.memory_space<vmem>>)
    %dma_start3A_61 = arith.constant 0 : i32
    %dma_start3A_62 = arith.constant 0 : i32
    %dma_start3A_63 = tpu.memref_slice %arg2[%dma_start3A_61, %dma_start3A_62] : memref<10000x128xf32, #tpu.memory_space<hbm>> -> memref<10000x128xf32, #tpu.memory_space<hbm>>
    tpu.enqueue_indirect_dma source(%dma_start3A_63 : memref<10000x128xf32, #tpu.memory_space<hbm>>) target(%arg18 : memref<128x128xf32, #tpu.memory_space<vmem>>) offsets(%arg9 : memref<128xi32, #tpu.memory_space<vmem>>) semaphore(%arg24 : memref<!tpu.dma_semaphore, #tpu.memory_space<semaphore_mem>>)
    %min3A_64 = arith.constant 2 : i32
    %min3A_65 = arith.constant 80 : i32
    %min3A_66 = arith.minsi %min3A_64, %min3A_65 : i32
    %mul3A_67 = arith.constant 128 : i32
    %mul3A_68 = arith.muli %min3A_66, %mul3A_67 : i32
    %add3A_69 = arith.addi %mul3A_4, %mul3A_68 : i32
    %mul3A_70 = arith.constant 16 : i32
    %mul3A_71 = arith.muli %add3A_69, %mul3A_70 : i32
    %dma_start3A_72 = tpu.memref_slice %arg3[%add3A_69] : memref<327808xi32, #tpu.memory_space<hbm>> -> memref<128xi32, #tpu.memory_space<hbm>>
    %dma_start3A_73 = tpu.memref_slice %arg3[%add3A_69] : memref<327808xi32, #tpu.memory_space<hbm>> -> memref<128xi32, #tpu.memory_space<hbm>>
    tpu.enqueue_dma source(%dma_start3A_73 : memref<128xi32, #tpu.memory_space<hbm>>) target(%arg10 : memref<128xi32, #tpu.memory_space<vmem>>) target_semaphore(%arg22 : memref<!tpu.dma_semaphore, #tpu.memory_space<semaphore_mem>>)
    %dma_start3A_74 = tpu.memref_slice %arg4[%add3A_69] : memref<327808xi32, #tpu.memory_space<hbm>> -> memref<128xi32, #tpu.memory_space<hbm>>
    %dma_start3A_75 = tpu.memref_slice %arg4[%add3A_69] : memref<327808xi32, #tpu.memory_space<hbm>> -> memref<128xi32, #tpu.memory_space<hbm>>
    tpu.enqueue_dma source(%dma_start3A_75 : memref<128xi32, #tpu.memory_space<hbm>>) target(%arg13 : memref<128xi32, #tpu.memory_space<vmem>>) target_semaphore(%arg22 : memref<!tpu.dma_semaphore, #tpu.memory_space<semaphore_mem>>)
    %dma_start3A_76 = tpu.memref_slice %arg5[%mul3A_71] : memref<5244928xf32, #tpu.memory_space<hbm>> -> memref<2048xf32, #tpu.memory_space<hbm>>
    %dma_start3A_77 = tpu.memref_slice %arg5[%mul3A_71] : memref<5244928xf32, #tpu.memory_space<hbm>> -> memref<2048xf32, #tpu.memory_space<hbm>>
    tpu.enqueue_dma source(%dma_start3A_77 : memref<2048xf32, #tpu.memory_space<hbm>>) target(%arg16 : memref<2048xf32, #tpu.memory_space<vmem>>) target_semaphore(%arg22 : memref<!tpu.dma_semaphore, #tpu.memory_space<semaphore_mem>>)
    %dma_wait3A_78 = arith.constant 0 : i32
    %dma_wait3A_79 = arith.constant 0 : i32
    %dma_wait3A_80 = tpu.memref_slice %arg2[%dma_wait3A_78, %dma_wait3A_79] : memref<10000x128xf32, #tpu.memory_space<hbm>> -> memref<10000x128xf32, #tpu.memory_space<hbm>>
    tpu.wait_indirect_dma semaphore(%arg23 : memref<!tpu.dma_semaphore, #tpu.memory_space<semaphore_mem>>) src(%dma_wait3A_80 : memref<10000x128xf32, #tpu.memory_space<hbm>>) dst(%arg17 : memref<128x128xf32, #tpu.memory_space<vmem>>)
    %parallel_loop3A = arith.constant 0 : i32
    %parallel_loop3A_81 = arith.constant 128 : i32
    %parallel_loop3A_82 = arith.constant 1 : i32
    scf.for %parallel_loop3A_155 = %parallel_loop3A to %parallel_loop3A_81 step %parallel_loop3A_82  : i32 {
      %parallel_loop3A_156 = arith.constant 16 : i32
      %parallel_loop3A_157 = arith.muli %parallel_loop3A_155, %parallel_loop3A_156 : i32
      %parallel_loop3A_158 = arith.index_cast %parallel_loop3A_157 : i32 to index
      %parallel_loop3A_159 = tpu.vector_load %arg14[%parallel_loop3A_158] {strides = array<i32>} : memref<2048xf32, #tpu.memory_space<vmem>>, vector<16xf32>,
      %parallel_loop3A_160 = vector.shape_cast %parallel_loop3A_159 : vector<16xf32> to vector<16xf32>
      %parallel_loop3A_161 = arith.index_cast %parallel_loop3A_155 : i32 to index
      %parallel_loop3A_162 = arith.constant 0 : index
      %parallel_loop3A_163 = tpu.vector_load %arg17[%parallel_loop3A_161, %parallel_loop3A_162] {strides = array<i32>} : memref<128x128xf32, #tpu.memory_space<vmem>>, vector<1x16xf32>,
      %parallel_loop3A_164 = vector.shape_cast %parallel_loop3A_163 : vector<1x16xf32> to vector<16xf32>
      %parallel_loop3A_165 = arith.mulf %parallel_loop3A_164, %parallel_loop3A_160 : vector<16xf32>
      %parallel_loop3A_166 = arith.index_cast %parallel_loop3A_155 : i32 to index
      %parallel_loop3A_167 = arith.constant 0 : index
      %parallel_loop3A_168 = tpu.vector_load %arg17[%parallel_loop3A_166, %parallel_loop3A_167] {strides = array<i32>} : memref<128x128xf32, #tpu.memory_space<vmem>>, vector<1x16xf32>,
      %parallel_loop3A_169 = vector.shape_cast %parallel_loop3A_168 : vector<1x16xf32> to vector<16xf32>
      %parallel_loop3A_170 = vector.shape_cast %parallel_loop3A_165 : vector<16xf32> to vector<1x16xf32>
      tpu.vector_store %arg17[%parallel_loop3A_166, %parallel_loop3A_167], %parallel_loop3A_170 {strides = array<i32>} : memref<128x128xf32, #tpu.memory_space<vmem>>, vector<1x16xf32>,
      %parallel_loop3A_171 = arith.index_cast %parallel_loop3A_155 : i32 to index
      %parallel_loop3A_172 = arith.constant 16 : index
      %parallel_loop3A_173 = tpu.vector_load %arg17[%parallel_loop3A_171, %parallel_loop3A_172] {strides = array<i32>} : memref<128x128xf32, #tpu.memory_space<vmem>>, vector<1x16xf32>,
      %parallel_loop3A_174 = vector.shape_cast %parallel_loop3A_173 : vector<1x16xf32> to vector<16xf32>
      %parallel_loop3A_175 = arith.mulf %parallel_loop3A_174, %parallel_loop3A_160 : vector<16xf32>
      %parallel_loop3A_176 = arith.index_cast %parallel_loop3A_155 : i32 to index
      %parallel_loop3A_177 = arith.constant 16 : index
      %parallel_loop3A_178 = tpu.vector_load %arg17[%parallel_loop3A_176, %parallel_loop3A_177] {strides = array<i32>} : memref<128x128xf32, #tpu.memory_space<vmem>>, vector<1x16xf32>,
      %parallel_loop3A_179 = vector.shape_cast %parallel_loop3A_178 : vector<1x16xf32> to vector<16xf32>
      %parallel_loop3A_180 = vector.shape_cast %parallel_loop3A_175 : vector<16xf32> to vector<1x16xf32>
      tpu.vector_store %arg17[%parallel_loop3A_176, %parallel_loop3A_177], %parallel_loop3A_180 {strides = array<i32>} : memref<128x128xf32, #tpu.memory_space<vmem>>, vector<1x16xf32>,
      %parallel_loop3A_181 = arith.index_cast %parallel_loop3A_155 : i32 to index
      %parallel_loop3A_182 = arith.constant 32 : index
      %parallel_loop3A_183 = tpu.vector_load %arg17[%parallel_loop3A_181, %parallel_loop3A_182] {strides = array<i32>} : memref<128x128xf32, #tpu.memory_space<vmem>>, vector<1x16xf32>,
      %parallel_loop3A_184 = vector.shape_cast %parallel_loop3A_183 : vector<1x16xf32> to vector<16xf32>
      %parallel_loop3A_185 = arith.mulf %parallel_loop3A_184, %parallel_loop3A_160 : vector<16xf32>
      %parallel_loop3A_186 = arith.index_cast %parallel_loop3A_155 : i32 to index
      %parallel_loop3A_187 = arith.constant 32 : index
      %parallel_loop3A_188 = tpu.vector_load %arg17[%parallel_loop3A_186, %parallel_loop3A_187] {strides = array<i32>} : memref<128x128xf32, #tpu.memory_space<vmem>>, vector<1x16xf32>,
      %parallel_loop3A_189 = vector.shape_cast %parallel_loop3A_188 : vector<1x16xf32> to vector<16xf32>
      %parallel_loop3A_190 = vector.shape_cast %parallel_loop3A_185 : vector<16xf32> to vector<1x16xf32>
      tpu.vector_store %arg17[%parallel_loop3A_186, %parallel_loop3A_187], %parallel_loop3A_190 {strides = array<i32>} : memref<128x128xf32, #tpu.memory_space<vmem>>, vector<1x16xf32>,
      %parallel_loop3A_191 = arith.index_cast %parallel_loop3A_155 : i32 to index
      %parallel_loop3A_192 = arith.constant 48 : index
      %parallel_loop3A_193 = tpu.vector_load %arg17[%parallel_loop3A_191, %parallel_loop3A_192] {strides = array<i32>} : memref<128x128xf32, #tpu.memory_space<vmem>>, vector<1x16xf32>,
      %parallel_loop3A_194 = vector.shape_cast %parallel_loop3A_193 : vector<1x16xf32> to vector<16xf32>
      %parallel_loop3A_195 = arith.mulf %parallel_loop3A_194, %parallel_loop3A_160 : vector<16xf32>
      %parallel_loop3A_196 = arith.index_cast %parallel_loop3A_155 : i32 to index
      %parallel_loop3A_197 = arith.constant 48 : index
      %parallel_loop3A_198 = tpu.vector_load %arg17[%parallel_loop3A_196, %parallel_loop3A_197] {strides = array<i32>} : memref<128x128xf32, #tpu.memory_space<vmem>>, vector<1x16xf32>,
      %parallel_loop3A_199 = vector.shape_cast %parallel_loop3A_198 : vector<1x16xf32> to vector<16xf32>
      %parallel_loop3A_200 = vector.shape_cast %parallel_loop3A_195 : vector<16xf32> to vector<1x16xf32>
      tpu.vector_store %arg17[%parallel_loop3A_196, %parallel_loop3A_197], %parallel_loop3A_200 {strides = array<i32>} : memref<128x128xf32, #tpu.memory_space<vmem>>, vector<1x16xf32>,
      %parallel_loop3A_201 = arith.index_cast %parallel_loop3A_155 : i32 to index
      %parallel_loop3A_202 = arith.constant 64 : index
      %parallel_loop3A_203 = tpu.vector_load %arg17[%parallel_loop3A_201, %parallel_loop3A_202] {strides = array<i32>} : memref<128x128xf32, #tpu.memory_space<vmem>>, vector<1x16xf32>,
      %parallel_loop3A_204 = vector.shape_cast %parallel_loop3A_203 : vector<1x16xf32> to vector<16xf32>
      %parallel_loop3A_205 = arith.mulf %parallel_loop3A_204, %parallel_loop3A_160 : vector<16xf32>
      %parallel_loop3A_206 = arith.index_cast %parallel_loop3A_155 : i32 to index
      %parallel_loop3A_207 = arith.constant 64 : index
      %parallel_loop3A_208 = tpu.vector_load %arg17[%parallel_loop3A_206, %parallel_loop3A_207] {strides = array<i32>} : memref<128x128xf32, #tpu.memory_space<vmem>>, vector<1x16xf32>,
      %parallel_loop3A_209 = vector.shape_cast %parallel_loop3A_208 : vector<1x16xf32> to vector<16xf32>
      %parallel_loop3A_210 = vector.shape_cast %parallel_loop3A_205 : vector<16xf32> to vector<1x16xf32>
      tpu.vector_store %arg17[%parallel_loop3A_206, %parallel_loop3A_207], %parallel_loop3A_210 {strides = array<i32>} : memref<128x128xf32, #tpu.memory_space<vmem>>, vector<1x16xf32>,
      %parallel_loop3A_211 = arith.index_cast %parallel_loop3A_155 : i32 to index
      %parallel_loop3A_212 = arith.constant 80 : index
      %parallel_loop3A_213 = tpu.vector_load %arg17[%parallel_loop3A_211, %parallel_loop3A_212] {strides = array<i32>} : memref<128x128xf32, #tpu.memory_space<vmem>>, vector<1x16xf32>,
      %parallel_loop3A_214 = vector.shape_cast %parallel_loop3A_213 : vector<1x16xf32> to vector<16xf32>
      %parallel_loop3A_215 = arith.mulf %parallel_loop3A_214, %parallel_loop3A_160 : vector<16xf32>
      %parallel_loop3A_216 = arith.index_cast %parallel_loop3A_155 : i32 to index
      %parallel_loop3A_217 = arith.constant 80 : index
      %parallel_loop3A_218 = tpu.vector_load %arg17[%parallel_loop3A_216, %parallel_loop3A_217] {strides = array<i32>} : memref<128x128xf32, #tpu.memory_space<vmem>>, vector<1x16xf32>,
      %parallel_loop3A_219 = vector.shape_cast %parallel_loop3A_218 : vector<1x16xf32> to vector<16xf32>
      %parallel_loop3A_220 = vector.shape_cast %parallel_loop3A_215 : vector<16xf32> to vector<1x16xf32>
      tpu.vector_store %arg17[%parallel_loop3A_216, %parallel_loop3A_217], %parallel_loop3A_220 {strides = array<i32>} : memref<128x128xf32, #tpu.memory_space<vmem>>, vector<1x16xf32>,
      %parallel_loop3A_221 = arith.index_cast %parallel_loop3A_155 : i32 to index
      %parallel_loop3A_222 = arith.constant 96 : index
      %parallel_loop3A_223 = tpu.vector_load %arg17[%parallel_loop3A_221, %parallel_loop3A_222] {strides = array<i32>} : memref<128x128xf32, #tpu.memory_space<vmem>>, vector<1x16xf32>,
      %parallel_loop3A_224 = vector.shape_cast %parallel_loop3A_223 : vector<1x16xf32> to vector<16xf32>
      %parallel_loop3A_225 = arith.mulf %parallel_loop3A_224, %parallel_loop3A_160 : vector<16xf32>
      %parallel_loop3A_226 = arith.index_cast %parallel_loop3A_155 : i32 to index
      %parallel_loop3A_227 = arith.constant 96 : index
      %parallel_loop3A_228 = tpu.vector_load %arg17[%parallel_loop3A_226, %parallel_loop3A_227] {strides = array<i32>} : memref<128x128xf32, #tpu.memory_space<vmem>>, vector<1x16xf32>,
      %parallel_loop3A_229 = vector.shape_cast %parallel_loop3A_228 : vector<1x16xf32> to vector<16xf32>
      %parallel_loop3A_230 = vector.shape_cast %parallel_loop3A_225 : vector<16xf32> to vector<1x16xf32>
      tpu.vector_store %arg17[%parallel_loop3A_226, %parallel_loop3A_227], %parallel_loop3A_230 {strides = array<i32>} : memref<128x128xf32, #tpu.memory_space<vmem>>, vector<1x16xf32>,
      %parallel_loop3A_231 = arith.index_cast %parallel_loop3A_155 : i32 to index
      %parallel_loop3A_232 = arith.constant 112 : index
      %parallel_loop3A_233 = tpu.vector_load %arg17[%parallel_loop3A_231, %parallel_loop3A_232] {strides = array<i32>} : memref<128x128xf32, #tpu.memory_space<vmem>>, vector<1x16xf32>,
      %parallel_loop3A_234 = vector.shape_cast %parallel_loop3A_233 : vector<1x16xf32> to vector<16xf32>
      %parallel_loop3A_235 = arith.mulf %parallel_loop3A_234, %parallel_loop3A_160 : vector<16xf32>
      %parallel_loop3A_236 = arith.index_cast %parallel_loop3A_155 : i32 to index
      %parallel_loop3A_237 = arith.constant 112 : index
      %parallel_loop3A_238 = tpu.vector_load %arg17[%parallel_loop3A_236, %parallel_loop3A_237] {strides = array<i32>} : memref<128x128xf32, #tpu.memory_space<vmem>>, vector<1x16xf32>,
      %parallel_loop3A_239 = vector.shape_cast %parallel_loop3A_238 : vector<1x16xf32> to vector<16xf32>
      %parallel_loop3A_240 = vector.shape_cast %parallel_loop3A_235 : vector<16xf32> to vector<1x16xf32>
      tpu.vector_store %arg17[%parallel_loop3A_236, %parallel_loop3A_237], %parallel_loop3A_240 {strides = array<i32>} : memref<128x128xf32, #tpu.memory_space<vmem>>, vector<1x16xf32>,
    } {sc.loop_unroll_factor = 2 : i64, sc.parallel_access}
    %dma_start3A_83 = arith.constant 0 : i32
    %dma_start3A_84 = arith.constant 0 : i32
    %dma_start3A_85 = tpu.memref_slice %arg19[%dma_start3A_83, %dma_start3A_84] : memref<10112x128xf32, #tpu.memory_space<vmem_shared>> -> memref<10112x128xf32, #tpu.memory_space<vmem_shared>>
    tpu.enqueue_indirect_dma source(%arg17 : memref<128x128xf32, #tpu.memory_space<vmem>>) target(%dma_start3A_85 : memref<10112x128xf32, #tpu.memory_space<vmem_shared>>) offsets(%arg11 : memref<128xi32, #tpu.memory_space<vmem>>) semaphore(%arg25 : memref<!tpu.dma_semaphore, #tpu.memory_space<semaphore_mem>>) {add = true}
    %dma_wait3A_86 = arith.constant 0 : i32
    %dma_wait3A_87 = arith.constant 0 : i32
    %dma_wait3A_88 = tpu.memref_slice %arg19[%dma_wait3A_86, %dma_wait3A_87] : memref<10112x128xf32, #tpu.memory_space<vmem_shared>> -> memref<10112x128xf32, #tpu.memory_space<vmem_shared>>
    tpu.wait_indirect_dma semaphore(%arg25 : memref<!tpu.dma_semaphore, #tpu.memory_space<semaphore_mem>>) src(%arg17 : memref<128x128xf32, #tpu.memory_space<vmem>>) dst(%dma_wait3A_88 : memref<10112x128xf32, #tpu.memory_space<vmem_shared>>)
    %min3A_89 = arith.constant 3 : i32
    %min3A_90 = arith.constant 80 : i32
    %min3A_91 = arith.minsi %min3A_89, %min3A_90 : i32
    %mul3A_92 = arith.constant 128 : i32
    %mul3A_93 = arith.muli %min3A_91, %mul3A_92 : i32
    %add3A_94 = arith.addi %mul3A_4, %mul3A_93 : i32
    %mul3A_95 = arith.constant 16 : i32
    %mul3A_96 = arith.muli %add3A_94, %mul3A_95 : i32
    %dma_start3A_97 = tpu.memref_slice %arg3[%add3A_94] : memref<327808xi32, #tpu.memory_space<hbm>> -> memref<128xi32, #tpu.memory_space<hbm>>
    %dma_start3A_98 = tpu.memref_slice %arg3[%add3A_94] : memref<327808xi32, #tpu.memory_space<hbm>> -> memref<128xi32, #tpu.memory_space<hbm>>
    tpu.enqueue_dma source(%dma_start3A_98 : memref<128xi32, #tpu.memory_space<hbm>>) target(%arg8 : memref<128xi32, #tpu.memory_space<vmem>>) target_semaphore(%arg20 : memref<!tpu.dma_semaphore, #tpu.memory_space<semaphore_mem>>)
    %dma_start3A_99 = tpu.memref_slice %arg4[%add3A_94] : memref<327808xi32, #tpu.memory_space<hbm>> -> memref<128xi32, #tpu.memory_space<hbm>>
    %dma_start3A_100 = tpu.memref_slice %arg4[%add3A_94] : memref<327808xi32, #tpu.memory_space<hbm>> -> memref<128xi32, #tpu.memory_space<hbm>>
    tpu.enqueue_dma source(%dma_start3A_100 : memref<128xi32, #tpu.memory_space<hbm>>) target(%arg11 : memref<128xi32, #tpu.memory_space<vmem>>) target_semaphore(%arg20 : memref<!tpu.dma_semaphore, #tpu.memory_space<semaphore_mem>>)
    %dma_start3A_101 = tpu.memref_slice %arg5[%mul3A_96] : memref<5244928xf32, #tpu.memory_space<hbm>> -> memref<2048xf32, #tpu.memory_space<hbm>>
    %dma_start3A_102 = tpu.memref_slice %arg5[%mul3A_96] : memref<5244928xf32, #tpu.memory_space<hbm>> -> memref<2048xf32, #tpu.memory_space<hbm>>
    tpu.enqueue_dma source(%dma_start3A_102 : memref<2048xf32, #tpu.memory_space<hbm>>) target(%arg14 : memref<2048xf32, #tpu.memory_space<vmem>>) target_semaphore(%arg20 : memref<!tpu.dma_semaphore, #tpu.memory_space<semaphore_mem>>)
    %min3A_103 = arith.constant 2 : i32
    %min3A_104 = arith.constant 80 : i32
    %min3A_105 = arith.minsi %min3A_103, %min3A_104 : i32
    %mul3A_106 = arith.constant 128 : i32
    %mul3A_107 = arith.muli %min3A_105, %mul3A_106 : i32
    %add3A_108 = arith.addi %mul3A_4, %mul3A_107 : i32
    %mul3A_109 = arith.constant 16 : i32
    %mul3A_110 = arith.muli %add3A_108, %mul3A_109 : i32
    %dma_wait3A_111 = tpu.memref_slice %arg3[%add3A_108] : memref<327808xi32, #tpu.memory_space<hbm>> -> memref<128xi32, #tpu.memory_space<hbm>>
    %dma_wait3A_112 = tpu.memref_slice %arg3[%add3A_108] : memref<327808xi32, #tpu.memory_space<hbm>> -> memref<128xi32, #tpu.memory_space<hbm>>
    tpu.wait_dma2 semaphore(%arg22 : memref<!tpu.dma_semaphore, #tpu.memory_space<semaphore_mem>>) src(%dma_wait3A_112 : memref<128xi32, #tpu.memory_space<hbm>>) dst(%arg10 : memref<128xi32, #tpu.memory_space<vmem>>)
    %dma_wait3A_113 = tpu.memref_slice %arg4[%add3A_108] : memref<327808xi32, #tpu.memory_space<hbm>> -> memref<128xi32, #tpu.memory_space<hbm>>
    %dma_wait3A_114 = tpu.memref_slice %arg4[%add3A_108] : memref<327808xi32, #tpu.memory_space<hbm>> -> memref<128xi32, #tpu.memory_space<hbm>>
    tpu.wait_dma2 semaphore(%arg22 : memref<!tpu.dma_semaphore, #tpu.memory_space<semaphore_mem>>) src(%dma_wait3A_114 : memref<128xi32, #tpu.memory_space<hbm>>) dst(%arg13 : memref<128xi32, #tpu.memory_space<vmem>>)
    %dma_wait3A_115 = tpu.memref_slice %arg5[%mul3A_110] : memref<5244928xf32, #tpu.memory_space<hbm>> -> memref<2048xf32, #tpu.memory_space<hbm>>
    %dma_wait3A_116 = tpu.memref_slice %arg5[%mul3A_110] : memref<5244928xf32, #tpu.memory_space<hbm>> -> memref<2048xf32, #tpu.memory_space<hbm>>
    tpu.wait_dma2 semaphore(%arg22 : memref<!tpu.dma_semaphore, #tpu.memory_space<semaphore_mem>>) src(%dma_wait3A_116 : memref<2048xf32, #tpu.memory_space<hbm>>) dst(%arg16 : memref<2048xf32, #tpu.memory_space<vmem>>)
    %dma_start3A_117 = arith.constant 0 : i32
    %dma_start3A_118 = arith.constant 0 : i32
    %dma_start3A_119 = tpu.memref_slice %arg2[%dma_start3A_117, %dma_start3A_118] : memref<10000x128xf32, #tpu.memory_space<hbm>> -> memref<10000x128xf32, #tpu.memory_space<hbm>>
    tpu.enqueue_indirect_dma source(%dma_start3A_119 : memref<10000x128xf32, #tpu.memory_space<hbm>>) target(%arg17 : memref<128x128xf32, #tpu.memory_space<vmem>>) offsets(%arg10 : memref<128xi32, #tpu.memory_space<vmem>>) semaphore(%arg23 : memref<!tpu.dma_semaphore, #tpu.memory_space<semaphore_mem>>)
    %dma_wait3A_120 = arith.constant 0 : i32
    %dma_wait3A_121 = arith.constant 0 : i32
    %dma_wait3A_122 = tpu.memref_slice %arg2[%dma_wait3A_120, %dma_wait3A_121] : memref<10000x128xf32, #tpu.memory_space<hbm>> -> memref<10000x128xf32, #tpu.memory_space<hbm>>
    tpu.wait_indirect_dma semaphore(%arg24 : memref<!tpu.dma_semaphore, #tpu.memory_space<semaphore_mem>>) src(%dma_wait3A_122 : memref<10000x128xf32, #tpu.memory_space<hbm>>) dst(%arg18 : memref<128x128xf32, #tpu.memory_space<vmem>>)
    %parallel_loop3A_123 = arith.constant 0 : i32
    %parallel_loop3A_124 = arith.constant 128 : i32
    %parallel_loop3A_125 = arith.constant 1 : i32
    scf.for %parallel_loop3A_155 = %parallel_loop3A_123 to %parallel_loop3A_124 step %parallel_loop3A_125  : i32 {
      %parallel_loop3A_156 = arith.constant 16 : i32
      %parallel_loop3A_157 = arith.muli %parallel_loop3A_155, %parallel_loop3A_156 : i32
      %parallel_loop3A_158 = arith.index_cast %parallel_loop3A_157 : i32 to index
      %parallel_loop3A_159 = tpu.vector_load %arg15[%parallel_loop3A_158] {strides = array<i32>} : memref<2048xf32, #tpu.memory_space<vmem>>, vector<16xf32>,
      %parallel_loop3A_160 = vector.shape_cast %parallel_loop3A_159 : vector<16xf32> to vector<16xf32>
      %parallel_loop3A_161 = arith.index_cast %parallel_loop3A_155 : i32 to index
      %parallel_loop3A_162 = arith.constant 0 : index
      %parallel_loop3A_163 = tpu.vector_load %arg18[%parallel_loop3A_161, %parallel_loop3A_162] {strides = array<i32>} : memref<128x128xf32, #tpu.memory_space<vmem>>, vector<1x16xf32>,
      %parallel_loop3A_164 = vector.shape_cast %parallel_loop3A_163 : vector<1x16xf32> to vector<16xf32>
      %parallel_loop3A_165 = arith.mulf %parallel_loop3A_164, %parallel_loop3A_160 : vector<16xf32>
      %parallel_loop3A_166 = arith.index_cast %parallel_loop3A_155 : i32 to index
      %parallel_loop3A_167 = arith.constant 0 : index
      %parallel_loop3A_168 = tpu.vector_load %arg18[%parallel_loop3A_166, %parallel_loop3A_167] {strides = array<i32>} : memref<128x128xf32, #tpu.memory_space<vmem>>, vector<1x16xf32>,
      %parallel_loop3A_169 = vector.shape_cast %parallel_loop3A_168 : vector<1x16xf32> to vector<16xf32>
      %parallel_loop3A_170 = vector.shape_cast %parallel_loop3A_165 : vector<16xf32> to vector<1x16xf32>
      tpu.vector_store %arg18[%parallel_loop3A_166, %parallel_loop3A_167], %parallel_loop3A_170 {strides = array<i32>} : memref<128x128xf32, #tpu.memory_space<vmem>>, vector<1x16xf32>,
      %parallel_loop3A_171 = arith.index_cast %parallel_loop3A_155 : i32 to index
      %parallel_loop3A_172 = arith.constant 16 : index
      %parallel_loop3A_173 = tpu.vector_load %arg18[%parallel_loop3A_171, %parallel_loop3A_172] {strides = array<i32>} : memref<128x128xf32, #tpu.memory_space<vmem>>, vector<1x16xf32>,
      %parallel_loop3A_174 = vector.shape_cast %parallel_loop3A_173 : vector<1x16xf32> to vector<16xf32>
      %parallel_loop3A_175 = arith.mulf %parallel_loop3A_174, %parallel_loop3A_160 : vector<16xf32>
      %parallel_loop3A_176 = arith.index_cast %parallel_loop3A_155 : i32 to index
      %parallel_loop3A_177 = arith.constant 16 : index
      %parallel_loop3A_178 = tpu.vector_load %arg18[%parallel_loop3A_176, %parallel_loop3A_177] {strides = array<i32>} : memref<128x128xf32, #tpu.memory_space<vmem>>, vector<1x16xf32>,
      %parallel_loop3A_179 = vector.shape_cast %parallel_loop3A_178 : vector<1x16xf32> to vector<16xf32>
      %parallel_loop3A_180 = vector.shape_cast %parallel_loop3A_175 : vector<16xf32> to vector<1x16xf32>
      tpu.vector_store %arg18[%parallel_loop3A_176, %parallel_loop3A_177], %parallel_loop3A_180 {strides = array<i32>} : memref<128x128xf32, #tpu.memory_space<vmem>>, vector<1x16xf32>,
      %parallel_loop3A_181 = arith.index_cast %parallel_loop3A_155 : i32 to index
      %parallel_loop3A_182 = arith.constant 32 : index
      %parallel_loop3A_183 = tpu.vector_load %arg18[%parallel_loop3A_181, %parallel_loop3A_182] {strides = array<i32>} : memref<128x128xf32, #tpu.memory_space<vmem>>, vector<1x16xf32>,
      %parallel_loop3A_184 = vector.shape_cast %parallel_loop3A_183 : vector<1x16xf32> to vector<16xf32>
      %parallel_loop3A_185 = arith.mulf %parallel_loop3A_184, %parallel_loop3A_160 : vector<16xf32>
      %parallel_loop3A_186 = arith.index_cast %parallel_loop3A_155 : i32 to index
      %parallel_loop3A_187 = arith.constant 32 : index
      %parallel_loop3A_188 = tpu.vector_load %arg18[%parallel_loop3A_186, %parallel_loop3A_187] {strides = array<i32>} : memref<128x128xf32, #tpu.memory_space<vmem>>, vector<1x16xf32>,
      %parallel_loop3A_189 = vector.shape_cast %parallel_loop3A_188 : vector<1x16xf32> to vector<16xf32>
      %parallel_loop3A_190 = vector.shape_cast %parallel_loop3A_185 : vector<16xf32> to vector<1x16xf32>
      tpu.vector_store %arg18[%parallel_loop3A_186, %parallel_loop3A_187], %parallel_loop3A_190 {strides = array<i32>} : memref<128x128xf32, #tpu.memory_space<vmem>>, vector<1x16xf32>,
      %parallel_loop3A_191 = arith.index_cast %parallel_loop3A_155 : i32 to index
      %parallel_loop3A_192 = arith.constant 48 : index
      %parallel_loop3A_193 = tpu.vector_load %arg18[%parallel_loop3A_191, %parallel_loop3A_192] {strides = array<i32>} : memref<128x128xf32, #tpu.memory_space<vmem>>, vector<1x16xf32>,
      %parallel_loop3A_194 = vector.shape_cast %parallel_loop3A_193 : vector<1x16xf32> to vector<16xf32>
      %parallel_loop3A_195 = arith.mulf %parallel_loop3A_194, %parallel_loop3A_160 : vector<16xf32>
      %parallel_loop3A_196 = arith.index_cast %parallel_loop3A_155 : i32 to index
      %parallel_loop3A_197 = arith.constant 48 : index
      %parallel_loop3A_198 = tpu.vector_load %arg18[%parallel_loop3A_196, %parallel_loop3A_197] {strides = array<i32>} : memref<128x128xf32, #tpu.memory_space<vmem>>, vector<1x16xf32>,
      %parallel_loop3A_199 = vector.shape_cast %parallel_loop3A_198 : vector<1x16xf32> to vector<16xf32>
      %parallel_loop3A_200 = vector.shape_cast %parallel_loop3A_195 : vector<16xf32> to vector<1x16xf32>
      tpu.vector_store %arg18[%parallel_loop3A_196, %parallel_loop3A_197], %parallel_loop3A_200 {strides = array<i32>} : memref<128x128xf32, #tpu.memory_space<vmem>>, vector<1x16xf32>,
      %parallel_loop3A_201 = arith.index_cast %parallel_loop3A_155 : i32 to index
      %parallel_loop3A_202 = arith.constant 64 : index
      %parallel_loop3A_203 = tpu.vector_load %arg18[%parallel_loop3A_201, %parallel_loop3A_202] {strides = array<i32>} : memref<128x128xf32, #tpu.memory_space<vmem>>, vector<1x16xf32>,
      %parallel_loop3A_204 = vector.shape_cast %parallel_loop3A_203 : vector<1x16xf32> to vector<16xf32>
      %parallel_loop3A_205 = arith.mulf %parallel_loop3A_204, %parallel_loop3A_160 : vector<16xf32>
      %parallel_loop3A_206 = arith.index_cast %parallel_loop3A_155 : i32 to index
      %parallel_loop3A_207 = arith.constant 64 : index
      %parallel_loop3A_208 = tpu.vector_load %arg18[%parallel_loop3A_206, %parallel_loop3A_207] {strides = array<i32>} : memref<128x128xf32, #tpu.memory_space<vmem>>, vector<1x16xf32>,
      %parallel_loop3A_209 = vector.shape_cast %parallel_loop3A_208 : vector<1x16xf32> to vector<16xf32>
      %parallel_loop3A_210 = vector.shape_cast %parallel_loop3A_205 : vector<16xf32> to vector<1x16xf32>
      tpu.vector_store %arg18[%parallel_loop3A_206, %parallel_loop3A_207], %parallel_loop3A_210 {strides = array<i32>} : memref<128x128xf32, #tpu.memory_space<vmem>>, vector<1x16xf32>,
      %parallel_loop3A_211 = arith.index_cast %parallel_loop3A_155 : i32 to index
      %parallel_loop3A_212 = arith.constant 80 : index
      %parallel_loop3A_213 = tpu.vector_load %arg18[%parallel_loop3A_211, %parallel_loop3A_212] {strides = array<i32>} : memref<128x128xf32, #tpu.memory_space<vmem>>, vector<1x16xf32>,
      %parallel_loop3A_214 = vector.shape_cast %parallel_loop3A_213 : vector<1x16xf32> to vector<16xf32>
      %parallel_loop3A_215 = arith.mulf %parallel_loop3A_214, %parallel_loop3A_160 : vector<16xf32>
      %parallel_loop3A_216 = arith.index_cast %parallel_loop3A_155 : i32 to index
      %parallel_loop3A_217 = arith.constant 80 : index
      %parallel_loop3A_218 = tpu.vector_load %arg18[%parallel_loop3A_216, %parallel_loop3A_217] {strides = array<i32>} : memref<128x128xf32, #tpu.memory_space<vmem>>, vector<1x16xf32>,
      %parallel_loop3A_219 = vector.shape_cast %parallel_loop3A_218 : vector<1x16xf32> to vector<16xf32>
      %parallel_loop3A_220 = vector.shape_cast %parallel_loop3A_215 : vector<16xf32> to vector<1x16xf32>
      tpu.vector_store %arg18[%parallel_loop3A_216, %parallel_loop3A_217], %parallel_loop3A_220 {strides = array<i32>} : memref<128x128xf32, #tpu.memory_space<vmem>>, vector<1x16xf32>,
      %parallel_loop3A_221 = arith.index_cast %parallel_loop3A_155 : i32 to index
      %parallel_loop3A_222 = arith.constant 96 : index
      %parallel_loop3A_223 = tpu.vector_load %arg18[%parallel_loop3A_221, %parallel_loop3A_222] {strides = array<i32>} : memref<128x128xf32, #tpu.memory_space<vmem>>, vector<1x16xf32>,
      %parallel_loop3A_224 = vector.shape_cast %parallel_loop3A_223 : vector<1x16xf32> to vector<16xf32>
      %parallel_loop3A_225 = arith.mulf %parallel_loop3A_224, %parallel_loop3A_160 : vector<16xf32>
      %parallel_loop3A_226 = arith.index_cast %parallel_loop3A_155 : i32 to index
      %parallel_loop3A_227 = arith.constant 96 : index
      %parallel_loop3A_228 = tpu.vector_load %arg18[%parallel_loop3A_226, %parallel_loop3A_227] {strides = array<i32>} : memref<128x128xf32, #tpu.memory_space<vmem>>, vector<1x16xf32>,
      %parallel_loop3A_229 = vector.shape_cast %parallel_loop3A_228 : vector<1x16xf32> to vector<16xf32>
      %parallel_loop3A_230 = vector.shape_cast %parallel_loop3A_225 : vector<16xf32> to vector<1x16xf32>
      tpu.vector_store %arg18[%parallel_loop3A_226, %parallel_loop3A_227], %parallel_loop3A_230 {strides = array<i32>} : memref<128x128xf32, #tpu.memory_space<vmem>>, vector<1x16xf32>,
      %parallel_loop3A_231 = arith.index_cast %parallel_loop3A_155 : i32 to index
      %parallel_loop3A_232 = arith.constant 112 : index
      %parallel_loop3A_233 = tpu.vector_load %arg18[%parallel_loop3A_231, %parallel_loop3A_232] {strides = array<i32>} : memref<128x128xf32, #tpu.memory_space<vmem>>, vector<1x16xf32>,
      %parallel_loop3A_234 = vector.shape_cast %parallel_loop3A_233 : vector<1x16xf32> to vector<16xf32>
      %parallel_loop3A_235 = arith.mulf %parallel_loop3A_234, %parallel_loop3A_160 : vector<16xf32>
      %parallel_loop3A_236 = arith.index_cast %parallel_loop3A_155 : i32 to index
      %parallel_loop3A_237 = arith.constant 112 : index
      %parallel_loop3A_238 = tpu.vector_load %arg18[%parallel_loop3A_236, %parallel_loop3A_237] {strides = array<i32>} : memref<128x128xf32, #tpu.memory_space<vmem>>, vector<1x16xf32>,
      %parallel_loop3A_239 = vector.shape_cast %parallel_loop3A_238 : vector<1x16xf32> to vector<16xf32>
      %parallel_loop3A_240 = vector.shape_cast %parallel_loop3A_235 : vector<16xf32> to vector<1x16xf32>
      tpu.vector_store %arg18[%parallel_loop3A_236, %parallel_loop3A_237], %parallel_loop3A_240 {strides = array<i32>} : memref<128x128xf32, #tpu.memory_space<vmem>>, vector<1x16xf32>,
    } {sc.loop_unroll_factor = 2 : i64, sc.parallel_access}
    %dma_start3A_126 = arith.constant 0 : i32
    %dma_start3A_127 = arith.constant 0 : i32
    %dma_start3A_128 = tpu.memref_slice %arg19[%dma_start3A_126, %dma_start3A_127] : memref<10112x128xf32, #tpu.memory_space<vmem_shared>> -> memref<10112x128xf32, #tpu.memory_space<vmem_shared>>
    tpu.enqueue_indirect_dma source(%arg18 : memref<128x128xf32, #tpu.memory_space<vmem>>) target(%dma_start3A_128 : memref<10112x128xf32, #tpu.memory_space<vmem_shared>>) offsets(%arg12 : memref<128xi32, #tpu.memory_space<vmem>>) semaphore(%arg26 : memref<!tpu.dma_semaphore, #tpu.memory_space<semaphore_mem>>) {add = true}
    %scan3A = arith.constant 0 : i32
    %scan3A_129 = arith.constant 0 : i32
    %scan3A_130 = arith.constant 13 : i32
    %scan3A_131 = arith.addi %scan3A_129, %scan3A_130 : i32
    %scan3A_132 = arith.constant 1 : i32
    scf.for %scan3A_155 = %scan3A_129 to %scan3A_131 step %scan3A_132  : i32 {
      %mul3A_156 = arith.constant 6 : i32
      %mul3A_157 = arith.muli %mul3A_156, %scan3A_155 : i32
      %add3A_158 = arith.constant 2 : i32
      %add3A_159 = arith.addi %mul3A_157, %add3A_158 : i32
      %add3A_160 = arith.constant 0 : i32
      %add3A_161 = arith.addi %add3A_159, %add3A_160 : i32
      %dma_wait3A_162 = arith.constant 0 : i32
      %dma_wait3A_163 = arith.constant 0 : i32
      %dma_wait3A_164 = tpu.memref_slice %arg19[%dma_wait3A_162, %dma_wait3A_163] : memref<10112x128xf32, #tpu.memory_space<vmem_shared>> -> memref<10112x128xf32, #tpu.memory_space<vmem_shared>>
      tpu.wait_indirect_dma semaphore(%arg26 : memref<!tpu.dma_semaphore, #tpu.memory_space<semaphore_mem>>) src(%arg18 : memref<128x128xf32, #tpu.memory_space<vmem>>) dst(%dma_wait3A_164 : memref<10112x128xf32, #tpu.memory_space<vmem_shared>>)
      %add3A_165 = arith.constant 2 : i32
      %add3A_166 = arith.addi %add3A_161, %add3A_165 : i32
      %min3A_167 = arith.constant 80 : i32
      %min3A_168 = arith.minsi %add3A_166, %min3A_167 : i32
      %mul3A_169 = arith.constant 128 : i32
      %mul3A_170 = arith.muli %min3A_168, %mul3A_169 : i32
      %add3A_171 = arith.addi %mul3A_4, %mul3A_170 : i32
      %mul3A_172 = arith.constant 16 : i32
      %mul3A_173 = arith.muli %add3A_171, %mul3A_172 : i32
      %dma_start3A_174 = tpu.memref_slice %arg3[%add3A_171] : memref<327808xi32, #tpu.memory_space<hbm>> -> memref<128xi32, #tpu.memory_space<hbm>>
      %dma_start3A_175 = tpu.memref_slice %arg3[%add3A_171] : memref<327808xi32, #tpu.memory_space<hbm>> -> memref<128xi32, #tpu.memory_space<hbm>>
      tpu.enqueue_dma source(%dma_start3A_175 : memref<128xi32, #tpu.memory_space<hbm>>) target(%arg9 : memref<128xi32, #tpu.memory_space<vmem>>) target_semaphore(%arg21 : memref<!tpu.dma_semaphore, #tpu.memory_space<semaphore_mem>>)
      %dma_start3A_176 = tpu.memref_slice %arg4[%add3A_171] : memref<327808xi32, #tpu.memory_space<hbm>> -> memref<128xi32, #tpu.memory_space<hbm>>
      %dma_start3A_177 = tpu.memref_slice %arg4[%add3A_171] : memref<327808xi32, #tpu.memory_space<hbm>> -> memref<128xi32, #tpu.memory_space<hbm>>
      tpu.enqueue_dma source(%dma_start3A_177 : memref<128xi32, #tpu.memory_space<hbm>>) target(%arg12 : memref<128xi32, #tpu.memory_space<vmem>>) target_semaphore(%arg21 : memref<!tpu.dma_semaphore, #tpu.memory_space<semaphore_mem>>)
      %dma_start3A_178 = tpu.memref_slice %arg5[%mul3A_173] : memref<5244928xf32, #tpu.memory_space<hbm>> -> memref<2048xf32, #tpu.memory_space<hbm>>
      %dma_start3A_179 = tpu.memref_slice %arg5[%mul3A_173] : memref<5244928xf32, #tpu.memory_space<hbm>> -> memref<2048xf32, #tpu.memory_space<hbm>>
      tpu.enqueue_dma source(%dma_start3A_179 : memref<2048xf32, #tpu.memory_space<hbm>>) target(%arg15 : memref<2048xf32, #tpu.memory_space<vmem>>) target_semaphore(%arg21 : memref<!tpu.dma_semaphore, #tpu.memory_space<semaphore_mem>>)
      %add3A_180 = arith.constant 1 : i32
      %add3A_181 = arith.addi %add3A_161, %add3A_180 : i32
      %min3A_182 = arith.constant 80 : i32
      %min3A_183 = arith.minsi %add3A_181, %min3A_182 : i32
      %mul3A_184 = arith.constant 128 : i32
      %mul3A_185 = arith.muli %min3A_183, %mul3A_184 : i32
      %add3A_186 = arith.addi %mul3A_4, %mul3A_185 : i32
      %mul3A_187 = arith.constant 16 : i32
      %mul3A_188 = arith.muli %add3A_186, %mul3A_187 : i32
      %dma_wait3A_189 = tpu.memref_slice %arg3[%add3A_186] : memref<327808xi32, #tpu.memory_space<hbm>> -> memref<128xi32, #tpu.memory_space<hbm>>
      %dma_wait3A_190 = tpu.memref_slice %arg3[%add3A_186] : memref<327808xi32, #tpu.memory_space<hbm>> -> memref<128xi32, #tpu.memory_space<hbm>>
      tpu.wait_dma2 semaphore(%arg20 : memref<!tpu.dma_semaphore, #tpu.memory_space<semaphore_mem>>) src(%dma_wait3A_190 : memref<128xi32, #tpu.memory_space<hbm>>) dst(%arg8 : memref<128xi32, #tpu.memory_space<vmem>>)
      %dma_wait3A_191 = tpu.memref_slice %arg4[%add3A_186] : memref<327808xi32, #tpu.memory_space<hbm>> -> memref<128xi32, #tpu.memory_space<hbm>>
      %dma_wait3A_192 = tpu.memref_slice %arg4[%add3A_186] : memref<327808xi32, #tpu.memory_space<hbm>> -> memref<128xi32, #tpu.memory_space<hbm>>
      tpu.wait_dma2 semaphore(%arg20 : memref<!tpu.dma_semaphore, #tpu.memory_space<semaphore_mem>>) src(%dma_wait3A_192 : memref<128xi32, #tpu.memory_space<hbm>>) dst(%arg11 : memref<128xi32, #tpu.memory_space<vmem>>)
      %dma_wait3A_193 = tpu.memref_slice %arg5[%mul3A_188] : memref<5244928xf32, #tpu.memory_space<hbm>> -> memref<2048xf32, #tpu.memory_space<hbm>>
      %dma_wait3A_194 = tpu.memref_slice %arg5[%mul3A_188] : memref<5244928xf32, #tpu.memory_space<hbm>> -> memref<2048xf32, #tpu.memory_space<hbm>>
      tpu.wait_dma2 semaphore(%arg20 : memref<!tpu.dma_semaphore, #tpu.memory_space<semaphore_mem>>) src(%dma_wait3A_194 : memref<2048xf32, #tpu.memory_space<hbm>>) dst(%arg14 : memref<2048xf32, #tpu.memory_space<vmem>>)
      %add3A_195 = arith.constant 1 : i32
      %add3A_196 = arith.addi %add3A_161, %add3A_195 : i32
      %dma_start3A_197 = arith.constant 0 : i32
      %dma_start3A_198 = arith.constant 0 : i32
      %dma_start3A_199 = tpu.memref_slice %arg2[%dma_start3A_197, %dma_start3A_198] : memref<10000x128xf32, #tpu.memory_space<hbm>> -> memref<10000x128xf32, #tpu.memory_space<hbm>>
      tpu.enqueue_indirect_dma source(%dma_start3A_199 : memref<10000x128xf32, #tpu.memory_space<hbm>>) target(%arg18 : memref<128x128xf32, #tpu.memory_space<vmem>>) offsets(%arg8 : memref<128xi32, #tpu.memory_space<vmem>>) semaphore(%arg24 : memref<!tpu.dma_semaphore, #tpu.memory_space<semaphore_mem>>)
      %dma_wait3A_200 = arith.constant 0 : i32
      %dma_wait3A_201 = arith.constant 0 : i32
      %dma_wait3A_202 = tpu.memref_slice %arg2[%dma_wait3A_200, %dma_wait3A_201] : memref<10000x128xf32, #tpu.memory_space<hbm>> -> memref<10000x128xf32, #tpu.memory_space<hbm>>
      tpu.wait_indirect_dma semaphore(%arg23 : memref<!tpu.dma_semaphore, #tpu.memory_space<semaphore_mem>>) src(%dma_wait3A_202 : memref<10000x128xf32, #tpu.memory_space<hbm>>) dst(%arg17 : memref<128x128xf32, #tpu.memory_space<vmem>>)
      %parallel_loop3A_203 = arith.constant 0 : i32
      %parallel_loop3A_204 = arith.constant 128 : i32
      %parallel_loop3A_205 = arith.constant 1 : i32
      scf.for %parallel_loop3A_474 = %parallel_loop3A_203 to %parallel_loop3A_204 step %parallel_loop3A_205  : i32 {
        %parallel_loop3A_475 = arith.constant 16 : i32
        %parallel_loop3A_476 = arith.muli %parallel_loop3A_474, %parallel_loop3A_475 : i32
        %parallel_loop3A_477 = arith.index_cast %parallel_loop3A_476 : i32 to index
        %parallel_loop3A_478 = tpu.vector_load %arg16[%parallel_loop3A_477] {strides = array<i32>} : memref<2048xf32, #tpu.memory_space<vmem>>, vector<16xf32>,
        %parallel_loop3A_479 = vector.shape_cast %parallel_loop3A_478 : vector<16xf32> to vector<16xf32>
        %parallel_loop3A_480 = arith.index_cast %parallel_loop3A_474 : i32 to index
        %parallel_loop3A_481 = arith.constant 0 : index
        %parallel_loop3A_482 = tpu.vector_load %arg17[%parallel_loop3A_480, %parallel_loop3A_481] {strides = array<i32>} : memref<128x128xf32, #tpu.memory_space<vmem>>, vector<1x16xf32>,
        %parallel_loop3A_483 = vector.shape_cast %parallel_loop3A_482 : vector<1x16xf32> to vector<16xf32>
        %parallel_loop3A_484 = arith.mulf %parallel_loop3A_483, %parallel_loop3A_479 : vector<16xf32>
        %parallel_loop3A_485 = arith.index_cast %parallel_loop3A_474 : i32 to index
        %parallel_loop3A_486 = arith.constant 0 : index
        %parallel_loop3A_487 = tpu.vector_load %arg17[%parallel_loop3A_485, %parallel_loop3A_486] {strides = array<i32>} : memref<128x128xf32, #tpu.memory_space<vmem>>, vector<1x16xf32>,
        %parallel_loop3A_488 = vector.shape_cast %parallel_loop3A_487 : vector<1x16xf32> to vector<16xf32>
        %parallel_loop3A_489 = vector.shape_cast %parallel_loop3A_484 : vector<16xf32> to vector<1x16xf32>
        tpu.vector_store %arg17[%parallel_loop3A_485, %parallel_loop3A_486], %parallel_loop3A_489 {strides = array<i32>} : memref<128x128xf32, #tpu.memory_space<vmem>>, vector<1x16xf32>,
        %parallel_loop3A_490 = arith.index_cast %parallel_loop3A_474 : i32 to index
        %parallel_loop3A_491 = arith.constant 16 : index
        %parallel_loop3A_492 = tpu.vector_load %arg17[%parallel_loop3A_490, %parallel_loop3A_491] {strides = array<i32>} : memref<128x128xf32, #tpu.memory_space<vmem>>, vector<1x16xf32>,
        %parallel_loop3A_493 = vector.shape_cast %parallel_loop3A_492 : vector<1x16xf32> to vector<16xf32>
        %parallel_loop3A_494 = arith.mulf %parallel_loop3A_493, %parallel_loop3A_479 : vector<16xf32>
        %parallel_loop3A_495 = arith.index_cast %parallel_loop3A_474 : i32 to index
        %parallel_loop3A_496 = arith.constant 16 : index
        %parallel_loop3A_497 = tpu.vector_load %arg17[%parallel_loop3A_495, %parallel_loop3A_496] {strides = array<i32>} : memref<128x128xf32, #tpu.memory_space<vmem>>, vector<1x16xf32>,
        %parallel_loop3A_498 = vector.shape_cast %parallel_loop3A_497 : vector<1x16xf32> to vector<16xf32>
        %parallel_loop3A_499 = vector.shape_cast %parallel_loop3A_494 : vector<16xf32> to vector<1x16xf32>
        tpu.vector_store %arg17[%parallel_loop3A_495, %parallel_loop3A_496], %parallel_loop3A_499 {strides = array<i32>} : memref<128x128xf32, #tpu.memory_space<vmem>>, vector<1x16xf32>,
        %parallel_loop3A_500 = arith.index_cast %parallel_loop3A_474 : i32 to index
        %parallel_loop3A_501 = arith.constant 32 : index
        %parallel_loop3A_502 = tpu.vector_load %arg17[%parallel_loop3A_500, %parallel_loop3A_501] {strides = array<i32>} : memref<128x128xf32, #tpu.memory_space<vmem>>, vector<1x16xf32>,
        %parallel_loop3A_503 = vector.shape_cast %parallel_loop3A_502 : vector<1x16xf32> to vector<16xf32>
        %parallel_loop3A_504 = arith.mulf %parallel_loop3A_503, %parallel_loop3A_479 : vector<16xf32>
        %parallel_loop3A_505 = arith.index_cast %parallel_loop3A_474 : i32 to index
        %parallel_loop3A_506 = arith.constant 32 : index
        %parallel_loop3A_507 = tpu.vector_load %arg17[%parallel_loop3A_505, %parallel_loop3A_506] {strides = array<i32>} : memref<128x128xf32, #tpu.memory_space<vmem>>, vector<1x16xf32>,
        %parallel_loop3A_508 = vector.shape_cast %parallel_loop3A_507 : vector<1x16xf32> to vector<16xf32>
        %parallel_loop3A_509 = vector.shape_cast %parallel_loop3A_504 : vector<16xf32> to vector<1x16xf32>
        tpu.vector_store %arg17[%parallel_loop3A_505, %parallel_loop3A_506], %parallel_loop3A_509 {strides = array<i32>} : memref<128x128xf32, #tpu.memory_space<vmem>>, vector<1x16xf32>,
        %parallel_loop3A_510 = arith.index_cast %parallel_loop3A_474 : i32 to index
        %parallel_loop3A_511 = arith.constant 48 : index
        %parallel_loop3A_512 = tpu.vector_load %arg17[%parallel_loop3A_510, %parallel_loop3A_511] {strides = array<i32>} : memref<128x128xf32, #tpu.memory_space<vmem>>, vector<1x16xf32>,
        %parallel_loop3A_513 = vector.shape_cast %parallel_loop3A_512 : vector<1x16xf32> to vector<16xf32>
        %parallel_loop3A_514 = arith.mulf %parallel_loop3A_513, %parallel_loop3A_479 : vector<16xf32>
        %parallel_loop3A_515 = arith.index_cast %parallel_loop3A_474 : i32 to index
        %parallel_loop3A_516 = arith.constant 48 : index
        %parallel_loop3A_517 = tpu.vector_load %arg17[%parallel_loop3A_515, %parallel_loop3A_516] {strides = array<i32>} : memref<128x128xf32, #tpu.memory_space<vmem>>, vector<1x16xf32>,
        %parallel_loop3A_518 = vector.shape_cast %parallel_loop3A_517 : vector<1x16xf32> to vector<16xf32>
        %parallel_loop3A_519 = vector.shape_cast %parallel_loop3A_514 : vector<16xf32> to vector<1x16xf32>
        tpu.vector_store %arg17[%parallel_loop3A_515, %parallel_loop3A_516], %parallel_loop3A_519 {strides = array<i32>} : memref<128x128xf32, #tpu.memory_space<vmem>>, vector<1x16xf32>,
        %parallel_loop3A_520 = arith.index_cast %parallel_loop3A_474 : i32 to index
        %parallel_loop3A_521 = arith.constant 64 : index
        %parallel_loop3A_522 = tpu.vector_load %arg17[%parallel_loop3A_520, %parallel_loop3A_521] {strides = array<i32>} : memref<128x128xf32, #tpu.memory_space<vmem>>, vector<1x16xf32>,
        %parallel_loop3A_523 = vector.shape_cast %parallel_loop3A_522 : vector<1x16xf32> to vector<16xf32>
        %parallel_loop3A_524 = arith.mulf %parallel_loop3A_523, %parallel_loop3A_479 : vector<16xf32>
        %parallel_loop3A_525 = arith.index_cast %parallel_loop3A_474 : i32 to index
        %parallel_loop3A_526 = arith.constant 64 : index
        %parallel_loop3A_527 = tpu.vector_load %arg17[%parallel_loop3A_525, %parallel_loop3A_526] {strides = array<i32>} : memref<128x128xf32, #tpu.memory_space<vmem>>, vector<1x16xf32>,
        %parallel_loop3A_528 = vector.shape_cast %parallel_loop3A_527 : vector<1x16xf32> to vector<16xf32>
        %parallel_loop3A_529 = vector.shape_cast %parallel_loop3A_524 : vector<16xf32> to vector<1x16xf32>
        tpu.vector_store %arg17[%parallel_loop3A_525, %parallel_loop3A_526], %parallel_loop3A_529 {strides = array<i32>} : memref<128x128xf32, #tpu.memory_space<vmem>>, vector<1x16xf32>,
        %parallel_loop3A_530 = arith.index_cast %parallel_loop3A_474 : i32 to index
        %parallel_loop3A_531 = arith.constant 80 : index
        %parallel_loop3A_532 = tpu.vector_load %arg17[%parallel_loop3A_530, %parallel_loop3A_531] {strides = array<i32>} : memref<128x128xf32, #tpu.memory_space<vmem>>, vector<1x16xf32>,
        %parallel_loop3A_533 = vector.shape_cast %parallel_loop3A_532 : vector<1x16xf32> to vector<16xf32>
        %parallel_loop3A_534 = arith.mulf %parallel_loop3A_533, %parallel_loop3A_479 : vector<16xf32>
        %parallel_loop3A_535 = arith.index_cast %parallel_loop3A_474 : i32 to index
        %parallel_loop3A_536 = arith.constant 80 : index
        %parallel_loop3A_537 = tpu.vector_load %arg17[%parallel_loop3A_535, %parallel_loop3A_536] {strides = array<i32>} : memref<128x128xf32, #tpu.memory_space<vmem>>, vector<1x16xf32>,
        %parallel_loop3A_538 = vector.shape_cast %parallel_loop3A_537 : vector<1x16xf32> to vector<16xf32>
        %parallel_loop3A_539 = vector.shape_cast %parallel_loop3A_534 : vector<16xf32> to vector<1x16xf32>
        tpu.vector_store %arg17[%parallel_loop3A_535, %parallel_loop3A_536], %parallel_loop3A_539 {strides = array<i32>} : memref<128x128xf32, #tpu.memory_space<vmem>>, vector<1x16xf32>,
        %parallel_loop3A_540 = arith.index_cast %parallel_loop3A_474 : i32 to index
        %parallel_loop3A_541 = arith.constant 96 : index
        %parallel_loop3A_542 = tpu.vector_load %arg17[%parallel_loop3A_540, %parallel_loop3A_541] {strides = array<i32>} : memref<128x128xf32, #tpu.memory_space<vmem>>, vector<1x16xf32>,
        %parallel_loop3A_543 = vector.shape_cast %parallel_loop3A_542 : vector<1x16xf32> to vector<16xf32>
        %parallel_loop3A_544 = arith.mulf %parallel_loop3A_543, %parallel_loop3A_479 : vector<16xf32>
        %parallel_loop3A_545 = arith.index_cast %parallel_loop3A_474 : i32 to index
        %parallel_loop3A_546 = arith.constant 96 : index
        %parallel_loop3A_547 = tpu.vector_load %arg17[%parallel_loop3A_545, %parallel_loop3A_546] {strides = array<i32>} : memref<128x128xf32, #tpu.memory_space<vmem>>, vector<1x16xf32>,
        %parallel_loop3A_548 = vector.shape_cast %parallel_loop3A_547 : vector<1x16xf32> to vector<16xf32>
        %parallel_loop3A_549 = vector.shape_cast %parallel_loop3A_544 : vector<16xf32> to vector<1x16xf32>
        tpu.vector_store %arg17[%parallel_loop3A_545, %parallel_loop3A_546], %parallel_loop3A_549 {strides = array<i32>} : memref<128x128xf32, #tpu.memory_space<vmem>>, vector<1x16xf32>,
        %parallel_loop3A_550 = arith.index_cast %parallel_loop3A_474 : i32 to index
        %parallel_loop3A_551 = arith.constant 112 : index
        %parallel_loop3A_552 = tpu.vector_load %arg17[%parallel_loop3A_550, %parallel_loop3A_551] {strides = array<i32>} : memref<128x128xf32, #tpu.memory_space<vmem>>, vector<1x16xf32>,
        %parallel_loop3A_553 = vector.shape_cast %parallel_loop3A_552 : vector<1x16xf32> to vector<16xf32>
        %parallel_loop3A_554 = arith.mulf %parallel_loop3A_553, %parallel_loop3A_479 : vector<16xf32>
        %parallel_loop3A_555 = arith.index_cast %parallel_loop3A_474 : i32 to index
        %parallel_loop3A_556 = arith.constant 112 : index
        %parallel_loop3A_557 = tpu.vector_load %arg17[%parallel_loop3A_555, %parallel_loop3A_556] {strides = array<i32>} : memref<128x128xf32, #tpu.memory_space<vmem>>, vector<1x16xf32>,
        %parallel_loop3A_558 = vector.shape_cast %parallel_loop3A_557 : vector<1x16xf32> to vector<16xf32>
        %parallel_loop3A_559 = vector.shape_cast %parallel_loop3A_554 : vector<16xf32> to vector<1x16xf32>
        tpu.vector_store %arg17[%parallel_loop3A_555, %parallel_loop3A_556], %parallel_loop3A_559 {strides = array<i32>} : memref<128x128xf32, #tpu.memory_space<vmem>>, vector<1x16xf32>,
      } {sc.loop_unroll_factor = 2 : i64, sc.parallel_access}
      %dma_start3A_206 = arith.constant 0 : i32
      %dma_start3A_207 = arith.constant 0 : i32
      %dma_start3A_208 = tpu.memref_slice %arg19[%dma_start3A_206, %dma_start3A_207] : memref<10112x128xf32, #tpu.memory_space<vmem_shared>> -> memref<10112x128xf32, #tpu.memory_space<vmem_shared>>
      tpu.enqueue_indirect_dma source(%arg17 : memref<128x128xf32, #tpu.memory_space<vmem>>) target(%dma_start3A_208 : memref<10112x128xf32, #tpu.memory_space<vmem_shared>>) offsets(%arg13 : memref<128xi32, #tpu.memory_space<vmem>>) semaphore(%arg25 : memref<!tpu.dma_semaphore, #tpu.memory_space<semaphore_mem>>) {add = true}
      %mul3A_209 = arith.constant 6 : i32
      %mul3A_210 = arith.muli %mul3A_209, %scan3A_155 : i32
      %add3A_211 = arith.constant 2 : i32
      %add3A_212 = arith.addi %mul3A_210, %add3A_211 : i32
      %add3A_213 = arith.constant 1 : i32
      %add3A_214 = arith.addi %add3A_212, %add3A_213 : i32
      %dma_wait3A_215 = arith.constant 0 : i32
      %dma_wait3A_216 = arith.constant 0 : i32
      %dma_wait3A_217 = tpu.memref_slice %arg19[%dma_wait3A_215, %dma_wait3A_216] : memref<10112x128xf32, #tpu.memory_space<vmem_shared>> -> memref<10112x128xf32, #tpu.memory_space<vmem_shared>>
      tpu.wait_indirect_dma semaphore(%arg25 : memref<!tpu.dma_semaphore, #tpu.memory_space<semaphore_mem>>) src(%arg17 : memref<128x128xf32, #tpu.memory_space<vmem>>) dst(%dma_wait3A_217 : memref<10112x128xf32, #tpu.memory_space<vmem_shared>>)
      %add3A_218 = arith.constant 2 : i32
      %add3A_219 = arith.addi %add3A_214, %add3A_218 : i32
      %min3A_220 = arith.constant 80 : i32
      %min3A_221 = arith.minsi %add3A_219, %min3A_220 : i32
      %mul3A_222 = arith.constant 128 : i32
      %mul3A_223 = arith.muli %min3A_221, %mul3A_222 : i32
      %add3A_224 = arith.addi %mul3A_4, %mul3A_223 : i32
      %mul3A_225 = arith.constant 16 : i32
      %mul3A_226 = arith.muli %add3A_224, %mul3A_225 : i32
      %dma_start3A_227 = tpu.memref_slice %arg3[%add3A_224] : memref<327808xi32, #tpu.memory_space<hbm>> -> memref<128xi32, #tpu.memory_space<hbm>>
      %dma_start3A_228 = tpu.memref_slice %arg3[%add3A_224] : memref<327808xi32, #tpu.memory_space<hbm>> -> memref<128xi32, #tpu.memory_space<hbm>>
      tpu.enqueue_dma source(%dma_start3A_228 : memref<128xi32, #tpu.memory_space<hbm>>) target(%arg10 : memref<128xi32, #tpu.memory_space<vmem>>) target_semaphore(%arg22 : memref<!tpu.dma_semaphore, #tpu.memory_space<semaphore_mem>>)
      %dma_start3A_229 = tpu.memref_slice %arg4[%add3A_224] : memref<327808xi32, #tpu.memory_space<hbm>> -> memref<128xi32, #tpu.memory_space<hbm>>
      %dma_start3A_230 = tpu.memref_slice %arg4[%add3A_224] : memref<327808xi32, #tpu.memory_space<hbm>> -> memref<128xi32, #tpu.memory_space<hbm>>
      tpu.enqueue_dma source(%dma_start3A_230 : memref<128xi32, #tpu.memory_space<hbm>>) target(%arg13 : memref<128xi32, #tpu.memory_space<vmem>>) target_semaphore(%arg22 : memref<!tpu.dma_semaphore, #tpu.memory_space<semaphore_mem>>)
      %dma_start3A_231 = tpu.memref_slice %arg5[%mul3A_226] : memref<5244928xf32, #tpu.memory_space<hbm>> -> memref<2048xf32, #tpu.memory_space<hbm>>
      %dma_start3A_232 = tpu.memref_slice %arg5[%mul3A_226] : memref<5244928xf32, #tpu.memory_space<hbm>> -> memref<2048xf32, #tpu.memory_space<hbm>>
      tpu.enqueue_dma source(%dma_start3A_232 : memref<2048xf32, #tpu.memory_space<hbm>>) target(%arg16 : memref<2048xf32, #tpu.memory_space<vmem>>) target_semaphore(%arg22 : memref<!tpu.dma_semaphore, #tpu.memory_space<semaphore_mem>>)
      %add3A_233 = arith.constant 1 : i32
      %add3A_234 = arith.addi %add3A_214, %add3A_233 : i32
      %min3A_235 = arith.constant 80 : i32
      %min3A_236 = arith.minsi %add3A_234, %min3A_235 : i32
      %mul3A_237 = arith.constant 128 : i32
      %mul3A_238 = arith.muli %min3A_236, %mul3A_237 : i32
      %add3A_239 = arith.addi %mul3A_4, %mul3A_238 : i32
      %mul3A_240 = arith.constant 16 : i32
      %mul3A_241 = arith.muli %add3A_239, %mul3A_240 : i32
      %dma_wait3A_242 = tpu.memref_slice %arg3[%add3A_239] : memref<327808xi32, #tpu.memory_space<hbm>> -> memref<128xi32, #tpu.memory_space<hbm>>
      %dma_wait3A_243 = tpu.memref_slice %arg3[%add3A_239] : memref<327808xi32, #tpu.memory_space<hbm>> -> memref<128xi32, #tpu.memory_space<hbm>>
      tpu.wait_dma2 semaphore(%arg21 : memref<!tpu.dma_semaphore, #tpu.memory_space<semaphore_mem>>) src(%dma_wait3A_243 : memref<128xi32, #tpu.memory_space<hbm>>) dst(%arg9 : memref<128xi32, #tpu.memory_space<vmem>>)
      %dma_wait3A_244 = tpu.memref_slice %arg4[%add3A_239] : memref<327808xi32, #tpu.memory_space<hbm>> -> memref<128xi32, #tpu.memory_space<hbm>>
      %dma_wait3A_245 = tpu.memref_slice %arg4[%add3A_239] : memref<327808xi32, #tpu.memory_space<hbm>> -> memref<128xi32, #tpu.memory_space<hbm>>
      tpu.wait_dma2 semaphore(%arg21 : memref<!tpu.dma_semaphore, #tpu.memory_space<semaphore_mem>>) src(%dma_wait3A_245 : memref<128xi32, #tpu.memory_space<hbm>>) dst(%arg12 : memref<128xi32, #tpu.memory_space<vmem>>)
      %dma_wait3A_246 = tpu.memref_slice %arg5[%mul3A_241] : memref<5244928xf32, #tpu.memory_space<hbm>> -> memref<2048xf32, #tpu.memory_space<hbm>>
      %dma_wait3A_247 = tpu.memref_slice %arg5[%mul3A_241] : memref<5244928xf32, #tpu.memory_space<hbm>> -> memref<2048xf32, #tpu.memory_space<hbm>>
      tpu.wait_dma2 semaphore(%arg21 : memref<!tpu.dma_semaphore, #tpu.memory_space<semaphore_mem>>) src(%dma_wait3A_247 : memref<2048xf32, #tpu.memory_space<hbm>>) dst(%arg15 : memref<2048xf32, #tpu.memory_space<vmem>>)
      %add3A_248 = arith.constant 1 : i32
      %add3A_249 = arith.addi %add3A_214, %add3A_248 : i32
      %dma_start3A_250 = arith.constant 0 : i32
      %dma_start3A_251 = arith.constant 0 : i32
      %dma_start3A_252 = tpu.memref_slice %arg2[%dma_start3A_250, %dma_start3A_251] : memref<10000x128xf32, #tpu.memory_space<hbm>> -> memref<10000x128xf32, #tpu.memory_space<hbm>>
      tpu.enqueue_indirect_dma source(%dma_start3A_252 : memref<10000x128xf32, #tpu.memory_space<hbm>>) target(%arg17 : memref<128x128xf32, #tpu.memory_space<vmem>>) offsets(%arg9 : memref<128xi32, #tpu.memory_space<vmem>>) semaphore(%arg23 : memref<!tpu.dma_semaphore, #tpu.memory_space<semaphore_mem>>)
      %dma_wait3A_253 = arith.constant 0 : i32
      %dma_wait3A_254 = arith.constant 0 : i32
      %dma_wait3A_255 = tpu.memref_slice %arg2[%dma_wait3A_253, %dma_wait3A_254] : memref<10000x128xf32, #tpu.memory_space<hbm>> -> memref<10000x128xf32, #tpu.memory_space<hbm>>
      tpu.wait_indirect_dma semaphore(%arg24 : memref<!tpu.dma_semaphore, #tpu.memory_space<semaphore_mem>>) src(%dma_wait3A_255 : memref<10000x128xf32, #tpu.memory_space<hbm>>) dst(%arg18 : memref<128x128xf32, #tpu.memory_space<vmem>>)
      %parallel_loop3A_256 = arith.constant 0 : i32
      %parallel_loop3A_257 = arith.constant 128 : i32
      %parallel_loop3A_258 = arith.constant 1 : i32
      scf.for %parallel_loop3A_474 = %parallel_loop3A_256 to %parallel_loop3A_257 step %parallel_loop3A_258  : i32 {
        %parallel_loop3A_475 = arith.constant 16 : i32
        %parallel_loop3A_476 = arith.muli %parallel_loop3A_474, %parallel_loop3A_475 : i32
        %parallel_loop3A_477 = arith.index_cast %parallel_loop3A_476 : i32 to index
        %parallel_loop3A_478 = tpu.vector_load %arg14[%parallel_loop3A_477] {strides = array<i32>} : memref<2048xf32, #tpu.memory_space<vmem>>, vector<16xf32>,
        %parallel_loop3A_479 = vector.shape_cast %parallel_loop3A_478 : vector<16xf32> to vector<16xf32>
        %parallel_loop3A_480 = arith.index_cast %parallel_loop3A_474 : i32 to index
        %parallel_loop3A_481 = arith.constant 0 : index
        %parallel_loop3A_482 = tpu.vector_load %arg18[%parallel_loop3A_480, %parallel_loop3A_481] {strides = array<i32>} : memref<128x128xf32, #tpu.memory_space<vmem>>, vector<1x16xf32>,
        %parallel_loop3A_483 = vector.shape_cast %parallel_loop3A_482 : vector<1x16xf32> to vector<16xf32>
        %parallel_loop3A_484 = arith.mulf %parallel_loop3A_483, %parallel_loop3A_479 : vector<16xf32>
        %parallel_loop3A_485 = arith.index_cast %parallel_loop3A_474 : i32 to index
        %parallel_loop3A_486 = arith.constant 0 : index
        %parallel_loop3A_487 = tpu.vector_load %arg18[%parallel_loop3A_485, %parallel_loop3A_486] {strides = array<i32>} : memref<128x128xf32, #tpu.memory_space<vmem>>, vector<1x16xf32>,
        %parallel_loop3A_488 = vector.shape_cast %parallel_loop3A_487 : vector<1x16xf32> to vector<16xf32>
        %parallel_loop3A_489 = vector.shape_cast %parallel_loop3A_484 : vector<16xf32> to vector<1x16xf32>
        tpu.vector_store %arg18[%parallel_loop3A_485, %parallel_loop3A_486], %parallel_loop3A_489 {strides = array<i32>} : memref<128x128xf32, #tpu.memory_space<vmem>>, vector<1x16xf32>,
        %parallel_loop3A_490 = arith.index_cast %parallel_loop3A_474 : i32 to index
        %parallel_loop3A_491 = arith.constant 16 : index
        %parallel_loop3A_492 = tpu.vector_load %arg18[%parallel_loop3A_490, %parallel_loop3A_491] {strides = array<i32>} : memref<128x128xf32, #tpu.memory_space<vmem>>, vector<1x16xf32>,
        %parallel_loop3A_493 = vector.shape_cast %parallel_loop3A_492 : vector<1x16xf32> to vector<16xf32>
        %parallel_loop3A_494 = arith.mulf %parallel_loop3A_493, %parallel_loop3A_479 : vector<16xf32>
        %parallel_loop3A_495 = arith.index_cast %parallel_loop3A_474 : i32 to index
        %parallel_loop3A_496 = arith.constant 16 : index
        %parallel_loop3A_497 = tpu.vector_load %arg18[%parallel_loop3A_495, %parallel_loop3A_496] {strides = array<i32>} : memref<128x128xf32, #tpu.memory_space<vmem>>, vector<1x16xf32>,
        %parallel_loop3A_498 = vector.shape_cast %parallel_loop3A_497 : vector<1x16xf32> to vector<16xf32>
        %parallel_loop3A_499 = vector.shape_cast %parallel_loop3A_494 : vector<16xf32> to vector<1x16xf32>
        tpu.vector_store %arg18[%parallel_loop3A_495, %parallel_loop3A_496], %parallel_loop3A_499 {strides = array<i32>} : memref<128x128xf32, #tpu.memory_space<vmem>>, vector<1x16xf32>,
        %parallel_loop3A_500 = arith.index_cast %parallel_loop3A_474 : i32 to index
        %parallel_loop3A_501 = arith.constant 32 : index
        %parallel_loop3A_502 = tpu.vector_load %arg18[%parallel_loop3A_500, %parallel_loop3A_501] {strides = array<i32>} : memref<128x128xf32, #tpu.memory_space<vmem>>, vector<1x16xf32>,
        %parallel_loop3A_503 = vector.shape_cast %parallel_loop3A_502 : vector<1x16xf32> to vector<16xf32>
        %parallel_loop3A_504 = arith.mulf %parallel_loop3A_503, %parallel_loop3A_479 : vector<16xf32>
        %parallel_loop3A_505 = arith.index_cast %parallel_loop3A_474 : i32 to index
        %parallel_loop3A_506 = arith.constant 32 : index
        %parallel_loop3A_507 = tpu.vector_load %arg18[%parallel_loop3A_505, %parallel_loop3A_506] {strides = array<i32>} : memref<128x128xf32, #tpu.memory_space<vmem>>, vector<1x16xf32>,
        %parallel_loop3A_508 = vector.shape_cast %parallel_loop3A_507 : vector<1x16xf32> to vector<16xf32>
        %parallel_loop3A_509 = vector.shape_cast %parallel_loop3A_504 : vector<16xf32> to vector<1x16xf32>
        tpu.vector_store %arg18[%parallel_loop3A_505, %parallel_loop3A_506], %parallel_loop3A_509 {strides = array<i32>} : memref<128x128xf32, #tpu.memory_space<vmem>>, vector<1x16xf32>,
        %parallel_loop3A_510 = arith.index_cast %parallel_loop3A_474 : i32 to index
        %parallel_loop3A_511 = arith.constant 48 : index
        %parallel_loop3A_512 = tpu.vector_load %arg18[%parallel_loop3A_510, %parallel_loop3A_511] {strides = array<i32>} : memref<128x128xf32, #tpu.memory_space<vmem>>, vector<1x16xf32>,
        %parallel_loop3A_513 = vector.shape_cast %parallel_loop3A_512 : vector<1x16xf32> to vector<16xf32>
        %parallel_loop3A_514 = arith.mulf %parallel_loop3A_513, %parallel_loop3A_479 : vector<16xf32>
        %parallel_loop3A_515 = arith.index_cast %parallel_loop3A_474 : i32 to index
        %parallel_loop3A_516 = arith.constant 48 : index
        %parallel_loop3A_517 = tpu.vector_load %arg18[%parallel_loop3A_515, %parallel_loop3A_516] {strides = array<i32>} : memref<128x128xf32, #tpu.memory_space<vmem>>, vector<1x16xf32>,
        %parallel_loop3A_518 = vector.shape_cast %parallel_loop3A_517 : vector<1x16xf32> to vector<16xf32>
        %parallel_loop3A_519 = vector.shape_cast %parallel_loop3A_514 : vector<16xf32> to vector<1x16xf32>
        tpu.vector_store %arg18[%parallel_loop3A_515, %parallel_loop3A_516], %parallel_loop3A_519 {strides = array<i32>} : memref<128x128xf32, #tpu.memory_space<vmem>>, vector<1x16xf32>,
        %parallel_loop3A_520 = arith.index_cast %parallel_loop3A_474 : i32 to index
        %parallel_loop3A_521 = arith.constant 64 : index
        %parallel_loop3A_522 = tpu.vector_load %arg18[%parallel_loop3A_520, %parallel_loop3A_521] {strides = array<i32>} : memref<128x128xf32, #tpu.memory_space<vmem>>, vector<1x16xf32>,
        %parallel_loop3A_523 = vector.shape_cast %parallel_loop3A_522 : vector<1x16xf32> to vector<16xf32>
        %parallel_loop3A_524 = arith.mulf %parallel_loop3A_523, %parallel_loop3A_479 : vector<16xf32>
        %parallel_loop3A_525 = arith.index_cast %parallel_loop3A_474 : i32 to index
        %parallel_loop3A_526 = arith.constant 64 : index
        %parallel_loop3A_527 = tpu.vector_load %arg18[%parallel_loop3A_525, %parallel_loop3A_526] {strides = array<i32>} : memref<128x128xf32, #tpu.memory_space<vmem>>, vector<1x16xf32>,
        %parallel_loop3A_528 = vector.shape_cast %parallel_loop3A_527 : vector<1x16xf32> to vector<16xf32>
        %parallel_loop3A_529 = vector.shape_cast %parallel_loop3A_524 : vector<16xf32> to vector<1x16xf32>
        tpu.vector_store %arg18[%parallel_loop3A_525, %parallel_loop3A_526], %parallel_loop3A_529 {strides = array<i32>} : memref<128x128xf32, #tpu.memory_space<vmem>>, vector<1x16xf32>,
        %parallel_loop3A_530 = arith.index_cast %parallel_loop3A_474 : i32 to index
        %parallel_loop3A_531 = arith.constant 80 : index
        %parallel_loop3A_532 = tpu.vector_load %arg18[%parallel_loop3A_530, %parallel_loop3A_531] {strides = array<i32>} : memref<128x128xf32, #tpu.memory_space<vmem>>, vector<1x16xf32>,
        %parallel_loop3A_533 = vector.shape_cast %parallel_loop3A_532 : vector<1x16xf32> to vector<16xf32>
        %parallel_loop3A_534 = arith.mulf %parallel_loop3A_533, %parallel_loop3A_479 : vector<16xf32>
        %parallel_loop3A_535 = arith.index_cast %parallel_loop3A_474 : i32 to index
        %parallel_loop3A_536 = arith.constant 80 : index
        %parallel_loop3A_537 = tpu.vector_load %arg18[%parallel_loop3A_535, %parallel_loop3A_536] {strides = array<i32>} : memref<128x128xf32, #tpu.memory_space<vmem>>, vector<1x16xf32>,
        %parallel_loop3A_538 = vector.shape_cast %parallel_loop3A_537 : vector<1x16xf32> to vector<16xf32>
        %parallel_loop3A_539 = vector.shape_cast %parallel_loop3A_534 : vector<16xf32> to vector<1x16xf32>
        tpu.vector_store %arg18[%parallel_loop3A_535, %parallel_loop3A_536], %parallel_loop3A_539 {strides = array<i32>} : memref<128x128xf32, #tpu.memory_space<vmem>>, vector<1x16xf32>,
        %parallel_loop3A_540 = arith.index_cast %parallel_loop3A_474 : i32 to index
        %parallel_loop3A_541 = arith.constant 96 : index
        %parallel_loop3A_542 = tpu.vector_load %arg18[%parallel_loop3A_540, %parallel_loop3A_541] {strides = array<i32>} : memref<128x128xf32, #tpu.memory_space<vmem>>, vector<1x16xf32>,
        %parallel_loop3A_543 = vector.shape_cast %parallel_loop3A_542 : vector<1x16xf32> to vector<16xf32>
        %parallel_loop3A_544 = arith.mulf %parallel_loop3A_543, %parallel_loop3A_479 : vector<16xf32>
        %parallel_loop3A_545 = arith.index_cast %parallel_loop3A_474 : i32 to index
        %parallel_loop3A_546 = arith.constant 96 : index
        %parallel_loop3A_547 = tpu.vector_load %arg18[%parallel_loop3A_545, %parallel_loop3A_546] {strides = array<i32>} : memref<128x128xf32, #tpu.memory_space<vmem>>, vector<1x16xf32>,
        %parallel_loop3A_548 = vector.shape_cast %parallel_loop3A_547 : vector<1x16xf32> to vector<16xf32>
        %parallel_loop3A_549 = vector.shape_cast %parallel_loop3A_544 : vector<16xf32> to vector<1x16xf32>
        tpu.vector_store %arg18[%parallel_loop3A_545, %parallel_loop3A_546], %parallel_loop3A_549 {strides = array<i32>} : memref<128x128xf32, #tpu.memory_space<vmem>>, vector<1x16xf32>,
        %parallel_loop3A_550 = arith.index_cast %parallel_loop3A_474 : i32 to index
        %parallel_loop3A_551 = arith.constant 112 : index
        %parallel_loop3A_552 = tpu.vector_load %arg18[%parallel_loop3A_550, %parallel_loop3A_551] {strides = array<i32>} : memref<128x128xf32, #tpu.memory_space<vmem>>, vector<1x16xf32>,
        %parallel_loop3A_553 = vector.shape_cast %parallel_loop3A_552 : vector<1x16xf32> to vector<16xf32>
        %parallel_loop3A_554 = arith.mulf %parallel_loop3A_553, %parallel_loop3A_479 : vector<16xf32>
        %parallel_loop3A_555 = arith.index_cast %parallel_loop3A_474 : i32 to index
        %parallel_loop3A_556 = arith.constant 112 : index
        %parallel_loop3A_557 = tpu.vector_load %arg18[%parallel_loop3A_555, %parallel_loop3A_556] {strides = array<i32>} : memref<128x128xf32, #tpu.memory_space<vmem>>, vector<1x16xf32>,
        %parallel_loop3A_558 = vector.shape_cast %parallel_loop3A_557 : vector<1x16xf32> to vector<16xf32>
        %parallel_loop3A_559 = vector.shape_cast %parallel_loop3A_554 : vector<16xf32> to vector<1x16xf32>
        tpu.vector_store %arg18[%parallel_loop3A_555, %parallel_loop3A_556], %parallel_loop3A_559 {strides = array<i32>} : memref<128x128xf32, #tpu.memory_space<vmem>>, vector<1x16xf32>,
      } {sc.loop_unroll_factor = 2 : i64, sc.parallel_access}
      %dma_start3A_259 = arith.constant 0 : i32
      %dma_start3A_260 = arith.constant 0 : i32
      %dma_start3A_261 = tpu.memref_slice %arg19[%dma_start3A_259, %dma_start3A_260] : memref<10112x128xf32, #tpu.memory_space<vmem_shared>> -> memref<10112x128xf32, #tpu.memory_space<vmem_shared>>
      tpu.enqueue_indirect_dma source(%arg18 : memref<128x128xf32, #tpu.memory_space<vmem>>) target(%dma_start3A_261 : memref<10112x128xf32, #tpu.memory_space<vmem_shared>>) offsets(%arg11 : memref<128xi32, #tpu.memory_space<vmem>>) semaphore(%arg26 : memref<!tpu.dma_semaphore, #tpu.memory_space<semaphore_mem>>) {add = true}
      %mul3A_262 = arith.constant 6 : i32
      %mul3A_263 = arith.muli %mul3A_262, %scan3A_155 : i32
      %add3A_264 = arith.constant 2 : i32
      %add3A_265 = arith.addi %mul3A_263, %add3A_264 : i32
      %add3A_266 = arith.constant 2 : i32
      %add3A_267 = arith.addi %add3A_265, %add3A_266 : i32
      %dma_wait3A_268 = arith.constant 0 : i32
      %dma_wait3A_269 = arith.constant 0 : i32
      %dma_wait3A_270 = tpu.memref_slice %arg19[%dma_wait3A_268, %dma_wait3A_269] : memref<10112x128xf32, #tpu.memory_space<vmem_shared>> -> memref<10112x128xf32, #tpu.memory_space<vmem_shared>>
      tpu.wait_indirect_dma semaphore(%arg26 : memref<!tpu.dma_semaphore, #tpu.memory_space<semaphore_mem>>) src(%arg18 : memref<128x128xf32, #tpu.memory_space<vmem>>) dst(%dma_wait3A_270 : memref<10112x128xf32, #tpu.memory_space<vmem_shared>>)
      %add3A_271 = arith.constant 2 : i32
      %add3A_272 = arith.addi %add3A_267, %add3A_271 : i32
      %min3A_273 = arith.constant 80 : i32
      %min3A_274 = arith.minsi %add3A_272, %min3A_273 : i32
      %mul3A_275 = arith.constant 128 : i32
      %mul3A_276 = arith.muli %min3A_274, %mul3A_275 : i32
      %add3A_277 = arith.addi %mul3A_4, %mul3A_276 : i32
      %mul3A_278 = arith.constant 16 : i32
      %mul3A_279 = arith.muli %add3A_277, %mul3A_278 : i32
      %dma_start3A_280 = tpu.memref_slice %arg3[%add3A_277] : memref<327808xi32, #tpu.memory_space<hbm>> -> memref<128xi32, #tpu.memory_space<hbm>>
      %dma_start3A_281 = tpu.memref_slice %arg3[%add3A_277] : memref<327808xi32, #tpu.memory_space<hbm>> -> memref<128xi32, #tpu.memory_space<hbm>>
      tpu.enqueue_dma source(%dma_start3A_281 : memref<128xi32, #tpu.memory_space<hbm>>) target(%arg8 : memref<128xi32, #tpu.memory_space<vmem>>) target_semaphore(%arg20 : memref<!tpu.dma_semaphore, #tpu.memory_space<semaphore_mem>>)
      %dma_start3A_282 = tpu.memref_slice %arg4[%add3A_277] : memref<327808xi32, #tpu.memory_space<hbm>> -> memref<128xi32, #tpu.memory_space<hbm>>
      %dma_start3A_283 = tpu.memref_slice %arg4[%add3A_277] : memref<327808xi32, #tpu.memory_space<hbm>> -> memref<128xi32, #tpu.memory_space<hbm>>
      tpu.enqueue_dma source(%dma_start3A_283 : memref<128xi32, #tpu.memory_space<hbm>>) target(%arg11 : memref<128xi32, #tpu.memory_space<vmem>>) target_semaphore(%arg20 : memref<!tpu.dma_semaphore, #tpu.memory_space<semaphore_mem>>)
      %dma_start3A_284 = tpu.memref_slice %arg5[%mul3A_279] : memref<5244928xf32, #tpu.memory_space<hbm>> -> memref<2048xf32, #tpu.memory_space<hbm>>
      %dma_start3A_285 = tpu.memref_slice %arg5[%mul3A_279] : memref<5244928xf32, #tpu.memory_space<hbm>> -> memref<2048xf32, #tpu.memory_space<hbm>>
      tpu.enqueue_dma source(%dma_start3A_285 : memref<2048xf32, #tpu.memory_space<hbm>>) target(%arg14 : memref<2048xf32, #tpu.memory_space<vmem>>) target_semaphore(%arg20 : memref<!tpu.dma_semaphore, #tpu.memory_space<semaphore_mem>>)
      %add3A_286 = arith.constant 1 : i32
      %add3A_287 = arith.addi %add3A_267, %add3A_286 : i32
      %min3A_288 = arith.constant 80 : i32
      %min3A_289 = arith.minsi %add3A_287, %min3A_288 : i32
      %mul3A_290 = arith.constant 128 : i32
      %mul3A_291 = arith.muli %min3A_289, %mul3A_290 : i32
      %add3A_292 = arith.addi %mul3A_4, %mul3A_291 : i32
      %mul3A_293 = arith.constant 16 : i32
      %mul3A_294 = arith.muli %add3A_292, %mul3A_293 : i32
      %dma_wait3A_295 = tpu.memref_slice %arg3[%add3A_292] : memref<327808xi32, #tpu.memory_space<hbm>> -> memref<128xi32, #tpu.memory_space<hbm>>
      %dma_wait3A_296 = tpu.memref_slice %arg3[%add3A_292] : memref<327808xi32, #tpu.memory_space<hbm>> -> memref<128xi32, #tpu.memory_space<hbm>>
      tpu.wait_dma2 semaphore(%arg22 : memref<!tpu.dma_semaphore, #tpu.memory_space<semaphore_mem>>) src(%dma_wait3A_296 : memref<128xi32, #tpu.memory_space<hbm>>) dst(%arg10 : memref<128xi32, #tpu.memory_space<vmem>>)
      %dma_wait3A_297 = tpu.memref_slice %arg4[%add3A_292] : memref<327808xi32, #tpu.memory_space<hbm>> -> memref<128xi32, #tpu.memory_space<hbm>>
      %dma_wait3A_298 = tpu.memref_slice %arg4[%add3A_292] : memref<327808xi32, #tpu.memory_space<hbm>> -> memref<128xi32, #tpu.memory_space<hbm>>
      tpu.wait_dma2 semaphore(%arg22 : memref<!tpu.dma_semaphore, #tpu.memory_space<semaphore_mem>>) src(%dma_wait3A_298 : memref<128xi32, #tpu.memory_space<hbm>>) dst(%arg13 : memref<128xi32, #tpu.memory_space<vmem>>)
      %dma_wait3A_299 = tpu.memref_slice %arg5[%mul3A_294] : memref<5244928xf32, #tpu.memory_space<hbm>> -> memref<2048xf32, #tpu.memory_space<hbm>>
      %dma_wait3A_300 = tpu.memref_slice %arg5[%mul3A_294] : memref<5244928xf32, #tpu.memory_space<hbm>> -> memref<2048xf32, #tpu.memory_space<hbm>>
      tpu.wait_dma2 semaphore(%arg22 : memref<!tpu.dma_semaphore, #tpu.memory_space<semaphore_mem>>) src(%dma_wait3A_300 : memref<2048xf32, #tpu.memory_space<hbm>>) dst(%arg16 : memref<2048xf32, #tpu.memory_space<vmem>>)
      %add3A_301 = arith.constant 1 : i32
      %add3A_302 = arith.addi %add3A_267, %add3A_301 : i32
      %dma_start3A_303 = arith.constant 0 : i32
      %dma_start3A_304 = arith.constant 0 : i32
      %dma_start3A_305 = tpu.memref_slice %arg2[%dma_start3A_303, %dma_start3A_304] : memref<10000x128xf32, #tpu.memory_space<hbm>> -> memref<10000x128xf32, #tpu.memory_space<hbm>>
      tpu.enqueue_indirect_dma source(%dma_start3A_305 : memref<10000x128xf32, #tpu.memory_space<hbm>>) target(%arg18 : memref<128x128xf32, #tpu.memory_space<vmem>>) offsets(%arg10 : memref<128xi32, #tpu.memory_space<vmem>>) semaphore(%arg24 : memref<!tpu.dma_semaphore, #tpu.memory_space<semaphore_mem>>)
      %dma_wait3A_306 = arith.constant 0 : i32
      %dma_wait3A_307 = arith.constant 0 : i32
      %dma_wait3A_308 = tpu.memref_slice %arg2[%dma_wait3A_306, %dma_wait3A_307] : memref<10000x128xf32, #tpu.memory_space<hbm>> -> memref<10000x128xf32, #tpu.memory_space<hbm>>
      tpu.wait_indirect_dma semaphore(%arg23 : memref<!tpu.dma_semaphore, #tpu.memory_space<semaphore_mem>>) src(%dma_wait3A_308 : memref<10000x128xf32, #tpu.memory_space<hbm>>) dst(%arg17 : memref<128x128xf32, #tpu.memory_space<vmem>>)
      %parallel_loop3A_309 = arith.constant 0 : i32
      %parallel_loop3A_310 = arith.constant 128 : i32
      %parallel_loop3A_311 = arith.constant 1 : i32
      scf.for %parallel_loop3A_474 = %parallel_loop3A_309 to %parallel_loop3A_310 step %parallel_loop3A_311  : i32 {
        %parallel_loop3A_475 = arith.constant 16 : i32
        %parallel_loop3A_476 = arith.muli %parallel_loop3A_474, %parallel_loop3A_475 : i32
        %parallel_loop3A_477 = arith.index_cast %parallel_loop3A_476 : i32 to index
        %parallel_loop3A_478 = tpu.vector_load %arg15[%parallel_loop3A_477] {strides = array<i32>} : memref<2048xf32, #tpu.memory_space<vmem>>, vector<16xf32>,
        %parallel_loop3A_479 = vector.shape_cast %parallel_loop3A_478 : vector<16xf32> to vector<16xf32>
        %parallel_loop3A_480 = arith.index_cast %parallel_loop3A_474 : i32 to index
        %parallel_loop3A_481 = arith.constant 0 : index
        %parallel_loop3A_482 = tpu.vector_load %arg17[%parallel_loop3A_480, %parallel_loop3A_481] {strides = array<i32>} : memref<128x128xf32, #tpu.memory_space<vmem>>, vector<1x16xf32>,
        %parallel_loop3A_483 = vector.shape_cast %parallel_loop3A_482 : vector<1x16xf32> to vector<16xf32>
        %parallel_loop3A_484 = arith.mulf %parallel_loop3A_483, %parallel_loop3A_479 : vector<16xf32>
        %parallel_loop3A_485 = arith.index_cast %parallel_loop3A_474 : i32 to index
        %parallel_loop3A_486 = arith.constant 0 : index
        %parallel_loop3A_487 = tpu.vector_load %arg17[%parallel_loop3A_485, %parallel_loop3A_486] {strides = array<i32>} : memref<128x128xf32, #tpu.memory_space<vmem>>, vector<1x16xf32>,
        %parallel_loop3A_488 = vector.shape_cast %parallel_loop3A_487 : vector<1x16xf32> to vector<16xf32>
        %parallel_loop3A_489 = vector.shape_cast %parallel_loop3A_484 : vector<16xf32> to vector<1x16xf32>
        tpu.vector_store %arg17[%parallel_loop3A_485, %parallel_loop3A_486], %parallel_loop3A_489 {strides = array<i32>} : memref<128x128xf32, #tpu.memory_space<vmem>>, vector<1x16xf32>,
        %parallel_loop3A_490 = arith.index_cast %parallel_loop3A_474 : i32 to index
        %parallel_loop3A_491 = arith.constant 16 : index
        %parallel_loop3A_492 = tpu.vector_load %arg17[%parallel_loop3A_490, %parallel_loop3A_491] {strides = array<i32>} : memref<128x128xf32, #tpu.memory_space<vmem>>, vector<1x16xf32>,
        %parallel_loop3A_493 = vector.shape_cast %parallel_loop3A_492 : vector<1x16xf32> to vector<16xf32>
        %parallel_loop3A_494 = arith.mulf %parallel_loop3A_493, %parallel_loop3A_479 : vector<16xf32>
        %parallel_loop3A_495 = arith.index_cast %parallel_loop3A_474 : i32 to index
        %parallel_loop3A_496 = arith.constant 16 : index
        %parallel_loop3A_497 = tpu.vector_load %arg17[%parallel_loop3A_495, %parallel_loop3A_496] {strides = array<i32>} : memref<128x128xf32, #tpu.memory_space<vmem>>, vector<1x16xf32>,
        %parallel_loop3A_498 = vector.shape_cast %parallel_loop3A_497 : vector<1x16xf32> to vector<16xf32>
        %parallel_loop3A_499 = vector.shape_cast %parallel_loop3A_494 : vector<16xf32> to vector<1x16xf32>
        tpu.vector_store %arg17[%parallel_loop3A_495, %parallel_loop3A_496], %parallel_loop3A_499 {strides = array<i32>} : memref<128x128xf32, #tpu.memory_space<vmem>>, vector<1x16xf32>,
        %parallel_loop3A_500 = arith.index_cast %parallel_loop3A_474 : i32 to index
        %parallel_loop3A_501 = arith.constant 32 : index
        %parallel_loop3A_502 = tpu.vector_load %arg17[%parallel_loop3A_500, %parallel_loop3A_501] {strides = array<i32>} : memref<128x128xf32, #tpu.memory_space<vmem>>, vector<1x16xf32>,
        %parallel_loop3A_503 = vector.shape_cast %parallel_loop3A_502 : vector<1x16xf32> to vector<16xf32>
        %parallel_loop3A_504 = arith.mulf %parallel_loop3A_503, %parallel_loop3A_479 : vector<16xf32>
        %parallel_loop3A_505 = arith.index_cast %parallel_loop3A_474 : i32 to index
        %parallel_loop3A_506 = arith.constant 32 : index
        %parallel_loop3A_507 = tpu.vector_load %arg17[%parallel_loop3A_505, %parallel_loop3A_506] {strides = array<i32>} : memref<128x128xf32, #tpu.memory_space<vmem>>, vector<1x16xf32>,
        %parallel_loop3A_508 = vector.shape_cast %parallel_loop3A_507 : vector<1x16xf32> to vector<16xf32>
        %parallel_loop3A_509 = vector.shape_cast %parallel_loop3A_504 : vector<16xf32> to vector<1x16xf32>
        tpu.vector_store %arg17[%parallel_loop3A_505, %parallel_loop3A_506], %parallel_loop3A_509 {strides = array<i32>} : memref<128x128xf32, #tpu.memory_space<vmem>>, vector<1x16xf32>,
        %parallel_loop3A_510 = arith.index_cast %parallel_loop3A_474 : i32 to index
        %parallel_loop3A_511 = arith.constant 48 : index
        %parallel_loop3A_512 = tpu.vector_load %arg17[%parallel_loop3A_510, %parallel_loop3A_511] {strides = array<i32>} : memref<128x128xf32, #tpu.memory_space<vmem>>, vector<1x16xf32>,
        %parallel_loop3A_513 = vector.shape_cast %parallel_loop3A_512 : vector<1x16xf32> to vector<16xf32>
        %parallel_loop3A_514 = arith.mulf %parallel_loop3A_513, %parallel_loop3A_479 : vector<16xf32>
        %parallel_loop3A_515 = arith.index_cast %parallel_loop3A_474 : i32 to index
        %parallel_loop3A_516 = arith.constant 48 : index
        %parallel_loop3A_517 = tpu.vector_load %arg17[%parallel_loop3A_515, %parallel_loop3A_516] {strides = array<i32>} : memref<128x128xf32, #tpu.memory_space<vmem>>, vector<1x16xf32>,
        %parallel_loop3A_518 = vector.shape_cast %parallel_loop3A_517 : vector<1x16xf32> to vector<16xf32>
        %parallel_loop3A_519 = vector.shape_cast %parallel_loop3A_514 : vector<16xf32> to vector<1x16xf32>
        tpu.vector_store %arg17[%parallel_loop3A_515, %parallel_loop3A_516], %parallel_loop3A_519 {strides = array<i32>} : memref<128x128xf32, #tpu.memory_space<vmem>>, vector<1x16xf32>,
        %parallel_loop3A_520 = arith.index_cast %parallel_loop3A_474 : i32 to index
        %parallel_loop3A_521 = arith.constant 64 : index
        %parallel_loop3A_522 = tpu.vector_load %arg17[%parallel_loop3A_520, %parallel_loop3A_521] {strides = array<i32>} : memref<128x128xf32, #tpu.memory_space<vmem>>, vector<1x16xf32>,
        %parallel_loop3A_523 = vector.shape_cast %parallel_loop3A_522 : vector<1x16xf32> to vector<16xf32>
        %parallel_loop3A_524 = arith.mulf %parallel_loop3A_523, %parallel_loop3A_479 : vector<16xf32>
        %parallel_loop3A_525 = arith.index_cast %parallel_loop3A_474 : i32 to index
        %parallel_loop3A_526 = arith.constant 64 : index
        %parallel_loop3A_527 = tpu.vector_load %arg17[%parallel_loop3A_525, %parallel_loop3A_526] {strides = array<i32>} : memref<128x128xf32, #tpu.memory_space<vmem>>, vector<1x16xf32>,
        %parallel_loop3A_528 = vector.shape_cast %parallel_loop3A_527 : vector<1x16xf32> to vector<16xf32>
        %parallel_loop3A_529 = vector.shape_cast %parallel_loop3A_524 : vector<16xf32> to vector<1x16xf32>
        tpu.vector_store %arg17[%parallel_loop3A_525, %parallel_loop3A_526], %parallel_loop3A_529 {strides = array<i32>} : memref<128x128xf32, #tpu.memory_space<vmem>>, vector<1x16xf32>,
        %parallel_loop3A_530 = arith.index_cast %parallel_loop3A_474 : i32 to index
        %parallel_loop3A_531 = arith.constant 80 : index
        %parallel_loop3A_532 = tpu.vector_load %arg17[%parallel_loop3A_530, %parallel_loop3A_531] {strides = array<i32>} : memref<128x128xf32, #tpu.memory_space<vmem>>, vector<1x16xf32>,
        %parallel_loop3A_533 = vector.shape_cast %parallel_loop3A_532 : vector<1x16xf32> to vector<16xf32>
        %parallel_loop3A_534 = arith.mulf %parallel_loop3A_533, %parallel_loop3A_479 : vector<16xf32>
        %parallel_loop3A_535 = arith.index_cast %parallel_loop3A_474 : i32 to index
        %parallel_loop3A_536 = arith.constant 80 : index
        %parallel_loop3A_537 = tpu.vector_load %arg17[%parallel_loop3A_535, %parallel_loop3A_536] {strides = array<i32>} : memref<128x128xf32, #tpu.memory_space<vmem>>, vector<1x16xf32>,
        %parallel_loop3A_538 = vector.shape_cast %parallel_loop3A_537 : vector<1x16xf32> to vector<16xf32>
        %parallel_loop3A_539 = vector.shape_cast %parallel_loop3A_534 : vector<16xf32> to vector<1x16xf32>
        tpu.vector_store %arg17[%parallel_loop3A_535, %parallel_loop3A_536], %parallel_loop3A_539 {strides = array<i32>} : memref<128x128xf32, #tpu.memory_space<vmem>>, vector<1x16xf32>,
        %parallel_loop3A_540 = arith.index_cast %parallel_loop3A_474 : i32 to index
        %parallel_loop3A_541 = arith.constant 96 : index
        %parallel_loop3A_542 = tpu.vector_load %arg17[%parallel_loop3A_540, %parallel_loop3A_541] {strides = array<i32>} : memref<128x128xf32, #tpu.memory_space<vmem>>, vector<1x16xf32>,
        %parallel_loop3A_543 = vector.shape_cast %parallel_loop3A_542 : vector<1x16xf32> to vector<16xf32>
        %parallel_loop3A_544 = arith.mulf %parallel_loop3A_543, %parallel_loop3A_479 : vector<16xf32>
        %parallel_loop3A_545 = arith.index_cast %parallel_loop3A_474 : i32 to index
        %parallel_loop3A_546 = arith.constant 96 : index
        %parallel_loop3A_547 = tpu.vector_load %arg17[%parallel_loop3A_545, %parallel_loop3A_546] {strides = array<i32>} : memref<128x128xf32, #tpu.memory_space<vmem>>, vector<1x16xf32>,
        %parallel_loop3A_548 = vector.shape_cast %parallel_loop3A_547 : vector<1x16xf32> to vector<16xf32>
        %parallel_loop3A_549 = vector.shape_cast %parallel_loop3A_544 : vector<16xf32> to vector<1x16xf32>
        tpu.vector_store %arg17[%parallel_loop3A_545, %parallel_loop3A_546], %parallel_loop3A_549 {strides = array<i32>} : memref<128x128xf32, #tpu.memory_space<vmem>>, vector<1x16xf32>,
        %parallel_loop3A_550 = arith.index_cast %parallel_loop3A_474 : i32 to index
        %parallel_loop3A_551 = arith.constant 112 : index
        %parallel_loop3A_552 = tpu.vector_load %arg17[%parallel_loop3A_550, %parallel_loop3A_551] {strides = array<i32>} : memref<128x128xf32, #tpu.memory_space<vmem>>, vector<1x16xf32>,
        %parallel_loop3A_553 = vector.shape_cast %parallel_loop3A_552 : vector<1x16xf32> to vector<16xf32>
        %parallel_loop3A_554 = arith.mulf %parallel_loop3A_553, %parallel_loop3A_479 : vector<16xf32>
        %parallel_loop3A_555 = arith.index_cast %parallel_loop3A_474 : i32 to index
        %parallel_loop3A_556 = arith.constant 112 : index
        %parallel_loop3A_557 = tpu.vector_load %arg17[%parallel_loop3A_555, %parallel_loop3A_556] {strides = array<i32>} : memref<128x128xf32, #tpu.memory_space<vmem>>, vector<1x16xf32>,
        %parallel_loop3A_558 = vector.shape_cast %parallel_loop3A_557 : vector<1x16xf32> to vector<16xf32>
        %parallel_loop3A_559 = vector.shape_cast %parallel_loop3A_554 : vector<16xf32> to vector<1x16xf32>
        tpu.vector_store %arg17[%parallel_loop3A_555, %parallel_loop3A_556], %parallel_loop3A_559 {strides = array<i32>} : memref<128x128xf32, #tpu.memory_space<vmem>>, vector<1x16xf32>,
      } {sc.loop_unroll_factor = 2 : i64, sc.parallel_access}
      %dma_start3A_312 = arith.constant 0 : i32
      %dma_start3A_313 = arith.constant 0 : i32
      %dma_start3A_314 = tpu.memref_slice %arg19[%dma_start3A_312, %dma_start3A_313] : memref<10112x128xf32, #tpu.memory_space<vmem_shared>> -> memref<10112x128xf32, #tpu.memory_space<vmem_shared>>
      tpu.enqueue_indirect_dma source(%arg17 : memref<128x128xf32, #tpu.memory_space<vmem>>) target(%dma_start3A_314 : memref<10112x128xf32, #tpu.memory_space<vmem_shared>>) offsets(%arg12 : memref<128xi32, #tpu.memory_space<vmem>>) semaphore(%arg25 : memref<!tpu.dma_semaphore, #tpu.memory_space<semaphore_mem>>) {add = true}
      %mul3A_315 = arith.constant 6 : i32
      %mul3A_316 = arith.muli %mul3A_315, %scan3A_155 : i32
      %add3A_317 = arith.constant 2 : i32
      %add3A_318 = arith.addi %mul3A_316, %add3A_317 : i32
      %add3A_319 = arith.constant 3 : i32
      %add3A_320 = arith.addi %add3A_318, %add3A_319 : i32
      %dma_wait3A_321 = arith.constant 0 : i32
      %dma_wait3A_322 = arith.constant 0 : i32
      %dma_wait3A_323 = tpu.memref_slice %arg19[%dma_wait3A_321, %dma_wait3A_322] : memref<10112x128xf32, #tpu.memory_space<vmem_shared>> -> memref<10112x128xf32, #tpu.memory_space<vmem_shared>>
      tpu.wait_indirect_dma semaphore(%arg25 : memref<!tpu.dma_semaphore, #tpu.memory_space<semaphore_mem>>) src(%arg17 : memref<128x128xf32, #tpu.memory_space<vmem>>) dst(%dma_wait3A_323 : memref<10112x128xf32, #tpu.memory_space<vmem_shared>>)
      %add3A_324 = arith.constant 2 : i32
      %add3A_325 = arith.addi %add3A_320, %add3A_324 : i32
      %min3A_326 = arith.constant 80 : i32
      %min3A_327 = arith.minsi %add3A_325, %min3A_326 : i32
      %mul3A_328 = arith.constant 128 : i32
      %mul3A_329 = arith.muli %min3A_327, %mul3A_328 : i32
      %add3A_330 = arith.addi %mul3A_4, %mul3A_329 : i32
      %mul3A_331 = arith.constant 16 : i32
      %mul3A_332 = arith.muli %add3A_330, %mul3A_331 : i32
      %dma_start3A_333 = tpu.memref_slice %arg3[%add3A_330] : memref<327808xi32, #tpu.memory_space<hbm>> -> memref<128xi32, #tpu.memory_space<hbm>>
      %dma_start3A_334 = tpu.memref_slice %arg3[%add3A_330] : memref<327808xi32, #tpu.memory_space<hbm>> -> memref<128xi32, #tpu.memory_space<hbm>>
      tpu.enqueue_dma source(%dma_start3A_334 : memref<128xi32, #tpu.memory_space<hbm>>) target(%arg9 : memref<128xi32, #tpu.memory_space<vmem>>) target_semaphore(%arg21 : memref<!tpu.dma_semaphore, #tpu.memory_space<semaphore_mem>>)
      %dma_start3A_335 = tpu.memref_slice %arg4[%add3A_330] : memref<327808xi32, #tpu.memory_space<hbm>> -> memref<128xi32, #tpu.memory_space<hbm>>
      %dma_start3A_336 = tpu.memref_slice %arg4[%add3A_330] : memref<327808xi32, #tpu.memory_space<hbm>> -> memref<128xi32, #tpu.memory_space<hbm>>
      tpu.enqueue_dma source(%dma_start3A_336 : memref<128xi32, #tpu.memory_space<hbm>>) target(%arg12 : memref<128xi32, #tpu.memory_space<vmem>>) target_semaphore(%arg21 : memref<!tpu.dma_semaphore, #tpu.memory_space<semaphore_mem>>)
      %dma_start3A_337 = tpu.memref_slice %arg5[%mul3A_332] : memref<5244928xf32, #tpu.memory_space<hbm>> -> memref<2048xf32, #tpu.memory_space<hbm>>
      %dma_start3A_338 = tpu.memref_slice %arg5[%mul3A_332] : memref<5244928xf32, #tpu.memory_space<hbm>> -> memref<2048xf32, #tpu.memory_space<hbm>>
      tpu.enqueue_dma source(%dma_start3A_338 : memref<2048xf32, #tpu.memory_space<hbm>>) target(%arg15 : memref<2048xf32, #tpu.memory_space<vmem>>) target_semaphore(%arg21 : memref<!tpu.dma_semaphore, #tpu.memory_space<semaphore_mem>>)
      %add3A_339 = arith.constant 1 : i32
      %add3A_340 = arith.addi %add3A_320, %add3A_339 : i32
      %min3A_341 = arith.constant 80 : i32
      %min3A_342 = arith.minsi %add3A_340, %min3A_341 : i32
      %mul3A_343 = arith.constant 128 : i32
      %mul3A_344 = arith.muli %min3A_342, %mul3A_343 : i32
      %add3A_345 = arith.addi %mul3A_4, %mul3A_344 : i32
      %mul3A_346 = arith.constant 16 : i32
      %mul3A_347 = arith.muli %add3A_345, %mul3A_346 : i32
      %dma_wait3A_348 = tpu.memref_slice %arg3[%add3A_345] : memref<327808xi32, #tpu.memory_space<hbm>> -> memref<128xi32, #tpu.memory_space<hbm>>
      %dma_wait3A_349 = tpu.memref_slice %arg3[%add3A_345] : memref<327808xi32, #tpu.memory_space<hbm>> -> memref<128xi32, #tpu.memory_space<hbm>>
      tpu.wait_dma2 semaphore(%arg20 : memref<!tpu.dma_semaphore, #tpu.memory_space<semaphore_mem>>) src(%dma_wait3A_349 : memref<128xi32, #tpu.memory_space<hbm>>) dst(%arg8 : memref<128xi32, #tpu.memory_space<vmem>>)
      %dma_wait3A_350 = tpu.memref_slice %arg4[%add3A_345] : memref<327808xi32, #tpu.memory_space<hbm>> -> memref<128xi32, #tpu.memory_space<hbm>>
      %dma_wait3A_351 = tpu.memref_slice %arg4[%add3A_345] : memref<327808xi32, #tpu.memory_space<hbm>> -> memref<128xi32, #tpu.memory_space<hbm>>
      tpu.wait_dma2 semaphore(%arg20 : memref<!tpu.dma_semaphore, #tpu.memory_space<semaphore_mem>>) src(%dma_wait3A_351 : memref<128xi32, #tpu.memory_space<hbm>>) dst(%arg11 : memref<128xi32, #tpu.memory_space<vmem>>)
      %dma_wait3A_352 = tpu.memref_slice %arg5[%mul3A_347] : memref<5244928xf32, #tpu.memory_space<hbm>> -> memref<2048xf32, #tpu.memory_space<hbm>>
      %dma_wait3A_353 = tpu.memref_slice %arg5[%mul3A_347] : memref<5244928xf32, #tpu.memory_space<hbm>> -> memref<2048xf32, #tpu.memory_space<hbm>>
      tpu.wait_dma2 semaphore(%arg20 : memref<!tpu.dma_semaphore, #tpu.memory_space<semaphore_mem>>) src(%dma_wait3A_353 : memref<2048xf32, #tpu.memory_space<hbm>>) dst(%arg14 : memref<2048xf32, #tpu.memory_space<vmem>>)
      %add3A_354 = arith.constant 1 : i32
      %add3A_355 = arith.addi %add3A_320, %add3A_354 : i32
      %dma_start3A_356 = arith.constant 0 : i32
      %dma_start3A_357 = arith.constant 0 : i32
      %dma_start3A_358 = tpu.memref_slice %arg2[%dma_start3A_356, %dma_start3A_357] : memref<10000x128xf32, #tpu.memory_space<hbm>> -> memref<10000x128xf32, #tpu.memory_space<hbm>>
      tpu.enqueue_indirect_dma source(%dma_start3A_358 : memref<10000x128xf32, #tpu.memory_space<hbm>>) target(%arg17 : memref<128x128xf32, #tpu.memory_space<vmem>>) offsets(%arg8 : memref<128xi32, #tpu.memory_space<vmem>>) semaphore(%arg23 : memref<!tpu.dma_semaphore, #tpu.memory_space<semaphore_mem>>)
      %dma_wait3A_359 = arith.constant 0 : i32
      %dma_wait3A_360 = arith.constant 0 : i32
      %dma_wait3A_361 = tpu.memref_slice %arg2[%dma_wait3A_359, %dma_wait3A_360] : memref<10000x128xf32, #tpu.memory_space<hbm>> -> memref<10000x128xf32, #tpu.memory_space<hbm>>
      tpu.wait_indirect_dma semaphore(%arg24 : memref<!tpu.dma_semaphore, #tpu.memory_space<semaphore_mem>>) src(%dma_wait3A_361 : memref<10000x128xf32, #tpu.memory_space<hbm>>) dst(%arg18 : memref<128x128xf32, #tpu.memory_space<vmem>>)
      %parallel_loop3A_362 = arith.constant 0 : i32
      %parallel_loop3A_363 = arith.constant 128 : i32
      %parallel_loop3A_364 = arith.constant 1 : i32
      scf.for %parallel_loop3A_474 = %parallel_loop3A_362 to %parallel_loop3A_363 step %parallel_loop3A_364  : i32 {
        %parallel_loop3A_475 = arith.constant 16 : i32
        %parallel_loop3A_476 = arith.muli %parallel_loop3A_474, %parallel_loop3A_475 : i32
        %parallel_loop3A_477 = arith.index_cast %parallel_loop3A_476 : i32 to index
        %parallel_loop3A_478 = tpu.vector_load %arg16[%parallel_loop3A_477] {strides = array<i32>} : memref<2048xf32, #tpu.memory_space<vmem>>, vector<16xf32>,
        %parallel_loop3A_479 = vector.shape_cast %parallel_loop3A_478 : vector<16xf32> to vector<16xf32>
        %parallel_loop3A_480 = arith.index_cast %parallel_loop3A_474 : i32 to index
        %parallel_loop3A_481 = arith.constant 0 : index
        %parallel_loop3A_482 = tpu.vector_load %arg18[%parallel_loop3A_480, %parallel_loop3A_481] {strides = array<i32>} : memref<128x128xf32, #tpu.memory_space<vmem>>, vector<1x16xf32>,
        %parallel_loop3A_483 = vector.shape_cast %parallel_loop3A_482 : vector<1x16xf32> to vector<16xf32>
        %parallel_loop3A_484 = arith.mulf %parallel_loop3A_483, %parallel_loop3A_479 : vector<16xf32>
        %parallel_loop3A_485 = arith.index_cast %parallel_loop3A_474 : i32 to index
        %parallel_loop3A_486 = arith.constant 0 : index
        %parallel_loop3A_487 = tpu.vector_load %arg18[%parallel_loop3A_485, %parallel_loop3A_486] {strides = array<i32>} : memref<128x128xf32, #tpu.memory_space<vmem>>, vector<1x16xf32>,
        %parallel_loop3A_488 = vector.shape_cast %parallel_loop3A_487 : vector<1x16xf32> to vector<16xf32>
        %parallel_loop3A_489 = vector.shape_cast %parallel_loop3A_484 : vector<16xf32> to vector<1x16xf32>
        tpu.vector_store %arg18[%parallel_loop3A_485, %parallel_loop3A_486], %parallel_loop3A_489 {strides = array<i32>} : memref<128x128xf32, #tpu.memory_space<vmem>>, vector<1x16xf32>,
        %parallel_loop3A_490 = arith.index_cast %parallel_loop3A_474 : i32 to index
        %parallel_loop3A_491 = arith.constant 16 : index
        %parallel_loop3A_492 = tpu.vector_load %arg18[%parallel_loop3A_490, %parallel_loop3A_491] {strides = array<i32>} : memref<128x128xf32, #tpu.memory_space<vmem>>, vector<1x16xf32>,
        %parallel_loop3A_493 = vector.shape_cast %parallel_loop3A_492 : vector<1x16xf32> to vector<16xf32>
        %parallel_loop3A_494 = arith.mulf %parallel_loop3A_493, %parallel_loop3A_479 : vector<16xf32>
        %parallel_loop3A_495 = arith.index_cast %parallel_loop3A_474 : i32 to index
        %parallel_loop3A_496 = arith.constant 16 : index
        %parallel_loop3A_497 = tpu.vector_load %arg18[%parallel_loop3A_495, %parallel_loop3A_496] {strides = array<i32>} : memref<128x128xf32, #tpu.memory_space<vmem>>, vector<1x16xf32>,
        %parallel_loop3A_498 = vector.shape_cast %parallel_loop3A_497 : vector<1x16xf32> to vector<16xf32>
        %parallel_loop3A_499 = vector.shape_cast %parallel_loop3A_494 : vector<16xf32> to vector<1x16xf32>
        tpu.vector_store %arg18[%parallel_loop3A_495, %parallel_loop3A_496], %parallel_loop3A_499 {strides = array<i32>} : memref<128x128xf32, #tpu.memory_space<vmem>>, vector<1x16xf32>,
        %parallel_loop3A_500 = arith.index_cast %parallel_loop3A_474 : i32 to index
        %parallel_loop3A_501 = arith.constant 32 : index
        %parallel_loop3A_502 = tpu.vector_load %arg18[%parallel_loop3A_500, %parallel_loop3A_501] {strides = array<i32>} : memref<128x128xf32, #tpu.memory_space<vmem>>, vector<1x16xf32>,
        %parallel_loop3A_503 = vector.shape_cast %parallel_loop3A_502 : vector<1x16xf32> to vector<16xf32>
        %parallel_loop3A_504 = arith.mulf %parallel_loop3A_503, %parallel_loop3A_479 : vector<16xf32>
        %parallel_loop3A_505 = arith.index_cast %parallel_loop3A_474 : i32 to index
        %parallel_loop3A_506 = arith.constant 32 : index
        %parallel_loop3A_507 = tpu.vector_load %arg18[%parallel_loop3A_505, %parallel_loop3A_506] {strides = array<i32>} : memref<128x128xf32, #tpu.memory_space<vmem>>, vector<1x16xf32>,
        %parallel_loop3A_508 = vector.shape_cast %parallel_loop3A_507 : vector<1x16xf32> to vector<16xf32>
        %parallel_loop3A_509 = vector.shape_cast %parallel_loop3A_504 : vector<16xf32> to vector<1x16xf32>
        tpu.vector_store %arg18[%parallel_loop3A_505, %parallel_loop3A_506], %parallel_loop3A_509 {strides = array<i32>} : memref<128x128xf32, #tpu.memory_space<vmem>>, vector<1x16xf32>,
        %parallel_loop3A_510 = arith.index_cast %parallel_loop3A_474 : i32 to index
        %parallel_loop3A_511 = arith.constant 48 : index
        %parallel_loop3A_512 = tpu.vector_load %arg18[%parallel_loop3A_510, %parallel_loop3A_511] {strides = array<i32>} : memref<128x128xf32, #tpu.memory_space<vmem>>, vector<1x16xf32>,
        %parallel_loop3A_513 = vector.shape_cast %parallel_loop3A_512 : vector<1x16xf32> to vector<16xf32>
        %parallel_loop3A_514 = arith.mulf %parallel_loop3A_513, %parallel_loop3A_479 : vector<16xf32>
        %parallel_loop3A_515 = arith.index_cast %parallel_loop3A_474 : i32 to index
        %parallel_loop3A_516 = arith.constant 48 : index
        %parallel_loop3A_517 = tpu.vector_load %arg18[%parallel_loop3A_515, %parallel_loop3A_516] {strides = array<i32>} : memref<128x128xf32, #tpu.memory_space<vmem>>, vector<1x16xf32>,
        %parallel_loop3A_518 = vector.shape_cast %parallel_loop3A_517 : vector<1x16xf32> to vector<16xf32>
        %parallel_loop3A_519 = vector.shape_cast %parallel_loop3A_514 : vector<16xf32> to vector<1x16xf32>
        tpu.vector_store %arg18[%parallel_loop3A_515, %parallel_loop3A_516], %parallel_loop3A_519 {strides = array<i32>} : memref<128x128xf32, #tpu.memory_space<vmem>>, vector<1x16xf32>,
        %parallel_loop3A_520 = arith.index_cast %parallel_loop3A_474 : i32 to index
        %parallel_loop3A_521 = arith.constant 64 : index
        %parallel_loop3A_522 = tpu.vector_load %arg18[%parallel_loop3A_520, %parallel_loop3A_521] {strides = array<i32>} : memref<128x128xf32, #tpu.memory_space<vmem>>, vector<1x16xf32>,
        %parallel_loop3A_523 = vector.shape_cast %parallel_loop3A_522 : vector<1x16xf32> to vector<16xf32>
        %parallel_loop3A_524 = arith.mulf %parallel_loop3A_523, %parallel_loop3A_479 : vector<16xf32>
        %parallel_loop3A_525 = arith.index_cast %parallel_loop3A_474 : i32 to index
        %parallel_loop3A_526 = arith.constant 64 : index
        %parallel_loop3A_527 = tpu.vector_load %arg18[%parallel_loop3A_525, %parallel_loop3A_526] {strides = array<i32>} : memref<128x128xf32, #tpu.memory_space<vmem>>, vector<1x16xf32>,
        %parallel_loop3A_528 = vector.shape_cast %parallel_loop3A_527 : vector<1x16xf32> to vector<16xf32>
        %parallel_loop3A_529 = vector.shape_cast %parallel_loop3A_524 : vector<16xf32> to vector<1x16xf32>
        tpu.vector_store %arg18[%parallel_loop3A_525, %parallel_loop3A_526], %parallel_loop3A_529 {strides = array<i32>} : memref<128x128xf32, #tpu.memory_space<vmem>>, vector<1x16xf32>,
        %parallel_loop3A_530 = arith.index_cast %parallel_loop3A_474 : i32 to index
        %parallel_loop3A_531 = arith.constant 80 : index
        %parallel_loop3A_532 = tpu.vector_load %arg18[%parallel_loop3A_530, %parallel_loop3A_531] {strides = array<i32>} : memref<128x128xf32, #tpu.memory_space<vmem>>, vector<1x16xf32>,
        %parallel_loop3A_533 = vector.shape_cast %parallel_loop3A_532 : vector<1x16xf32> to vector<16xf32>
        %parallel_loop3A_534 = arith.mulf %parallel_loop3A_533, %parallel_loop3A_479 : vector<16xf32>
        %parallel_loop3A_535 = arith.index_cast %parallel_loop3A_474 : i32 to index
        %parallel_loop3A_536 = arith.constant 80 : index
        %parallel_loop3A_537 = tpu.vector_load %arg18[%parallel_loop3A_535, %parallel_loop3A_536] {strides = array<i32>} : memref<128x128xf32, #tpu.memory_space<vmem>>, vector<1x16xf32>,
        %parallel_loop3A_538 = vector.shape_cast %parallel_loop3A_537 : vector<1x16xf32> to vector<16xf32>
        %parallel_loop3A_539 = vector.shape_cast %parallel_loop3A_534 : vector<16xf32> to vector<1x16xf32>
        tpu.vector_store %arg18[%parallel_loop3A_535, %parallel_loop3A_536], %parallel_loop3A_539 {strides = array<i32>} : memref<128x128xf32, #tpu.memory_space<vmem>>, vector<1x16xf32>,
        %parallel_loop3A_540 = arith.index_cast %parallel_loop3A_474 : i32 to index
        %parallel_loop3A_541 = arith.constant 96 : index
        %parallel_loop3A_542 = tpu.vector_load %arg18[%parallel_loop3A_540, %parallel_loop3A_541] {strides = array<i32>} : memref<128x128xf32, #tpu.memory_space<vmem>>, vector<1x16xf32>,
        %parallel_loop3A_543 = vector.shape_cast %parallel_loop3A_542 : vector<1x16xf32> to vector<16xf32>
        %parallel_loop3A_544 = arith.mulf %parallel_loop3A_543, %parallel_loop3A_479 : vector<16xf32>
        %parallel_loop3A_545 = arith.index_cast %parallel_loop3A_474 : i32 to index
        %parallel_loop3A_546 = arith.constant 96 : index
        %parallel_loop3A_547 = tpu.vector_load %arg18[%parallel_loop3A_545, %parallel_loop3A_546] {strides = array<i32>} : memref<128x128xf32, #tpu.memory_space<vmem>>, vector<1x16xf32>,
        %parallel_loop3A_548 = vector.shape_cast %parallel_loop3A_547 : vector<1x16xf32> to vector<16xf32>
        %parallel_loop3A_549 = vector.shape_cast %parallel_loop3A_544 : vector<16xf32> to vector<1x16xf32>
        tpu.vector_store %arg18[%parallel_loop3A_545, %parallel_loop3A_546], %parallel_loop3A_549 {strides = array<i32>} : memref<128x128xf32, #tpu.memory_space<vmem>>, vector<1x16xf32>,
        %parallel_loop3A_550 = arith.index_cast %parallel_loop3A_474 : i32 to index
        %parallel_loop3A_551 = arith.constant 112 : index
        %parallel_loop3A_552 = tpu.vector_load %arg18[%parallel_loop3A_550, %parallel_loop3A_551] {strides = array<i32>} : memref<128x128xf32, #tpu.memory_space<vmem>>, vector<1x16xf32>,
        %parallel_loop3A_553 = vector.shape_cast %parallel_loop3A_552 : vector<1x16xf32> to vector<16xf32>
        %parallel_loop3A_554 = arith.mulf %parallel_loop3A_553, %parallel_loop3A_479 : vector<16xf32>
        %parallel_loop3A_555 = arith.index_cast %parallel_loop3A_474 : i32 to index
        %parallel_loop3A_556 = arith.constant 112 : index
        %parallel_loop3A_557 = tpu.vector_load %arg18[%parallel_loop3A_555, %parallel_loop3A_556] {strides = array<i32>} : memref<128x128xf32, #tpu.memory_space<vmem>>, vector<1x16xf32>,
        %parallel_loop3A_558 = vector.shape_cast %parallel_loop3A_557 : vector<1x16xf32> to vector<16xf32>
        %parallel_loop3A_559 = vector.shape_cast %parallel_loop3A_554 : vector<16xf32> to vector<1x16xf32>
        tpu.vector_store %arg18[%parallel_loop3A_555, %parallel_loop3A_556], %parallel_loop3A_559 {strides = array<i32>} : memref<128x128xf32, #tpu.memory_space<vmem>>, vector<1x16xf32>,
      } {sc.loop_unroll_factor = 2 : i64, sc.parallel_access}
      %dma_start3A_365 = arith.constant 0 : i32
      %dma_start3A_366 = arith.constant 0 : i32
      %dma_start3A_367 = tpu.memref_slice %arg19[%dma_start3A_365, %dma_start3A_366] : memref<10112x128xf32, #tpu.memory_space<vmem_shared>> -> memref<10112x128xf32, #tpu.memory_space<vmem_shared>>
      tpu.enqueue_indirect_dma source(%arg18 : memref<128x128xf32, #tpu.memory_space<vmem>>) target(%dma_start3A_367 : memref<10112x128xf32, #tpu.memory_space<vmem_shared>>) offsets(%arg13 : memref<128xi32, #tpu.memory_space<vmem>>) semaphore(%arg26 : memref<!tpu.dma_semaphore, #tpu.memory_space<semaphore_mem>>) {add = true}
      %mul3A_368 = arith.constant 6 : i32
      %mul3A_369 = arith.muli %mul3A_368, %scan3A_155 : i32
      %add3A_370 = arith.constant 2 : i32
      %add3A_371 = arith.addi %mul3A_369, %add3A_370 : i32
      %add3A_372 = arith.constant 4 : i32
      %add3A_373 = arith.addi %add3A_371, %add3A_372 : i32
      %dma_wait3A_374 = arith.constant 0 : i32
      %dma_wait3A_375 = arith.constant 0 : i32
      %dma_wait3A_376 = tpu.memref_slice %arg19[%dma_wait3A_374, %dma_wait3A_375] : memref<10112x128xf32, #tpu.memory_space<vmem_shared>> -> memref<10112x128xf32, #tpu.memory_space<vmem_shared>>
      tpu.wait_indirect_dma semaphore(%arg26 : memref<!tpu.dma_semaphore, #tpu.memory_space<semaphore_mem>>) src(%arg18 : memref<128x128xf32, #tpu.memory_space<vmem>>) dst(%dma_wait3A_376 : memref<10112x128xf32, #tpu.memory_space<vmem_shared>>)
      %add3A_377 = arith.constant 2 : i32
      %add3A_378 = arith.addi %add3A_373, %add3A_377 : i32
      %min3A_379 = arith.constant 80 : i32
      %min3A_380 = arith.minsi %add3A_378, %min3A_379 : i32
      %mul3A_381 = arith.constant 128 : i32
      %mul3A_382 = arith.muli %min3A_380, %mul3A_381 : i32
      %add3A_383 = arith.addi %mul3A_4, %mul3A_382 : i32
      %mul3A_384 = arith.constant 16 : i32
      %mul3A_385 = arith.muli %add3A_383, %mul3A_384 : i32
      %dma_start3A_386 = tpu.memref_slice %arg3[%add3A_383] : memref<327808xi32, #tpu.memory_space<hbm>> -> memref<128xi32, #tpu.memory_space<hbm>>
      %dma_start3A_387 = tpu.memref_slice %arg3[%add3A_383] : memref<327808xi32, #tpu.memory_space<hbm>> -> memref<128xi32, #tpu.memory_space<hbm>>
      tpu.enqueue_dma source(%dma_start3A_387 : memref<128xi32, #tpu.memory_space<hbm>>) target(%arg10 : memref<128xi32, #tpu.memory_space<vmem>>) target_semaphore(%arg22 : memref<!tpu.dma_semaphore, #tpu.memory_space<semaphore_mem>>)
      %dma_start3A_388 = tpu.memref_slice %arg4[%add3A_383] : memref<327808xi32, #tpu.memory_space<hbm>> -> memref<128xi32, #tpu.memory_space<hbm>>
      %dma_start3A_389 = tpu.memref_slice %arg4[%add3A_383] : memref<327808xi32, #tpu.memory_space<hbm>> -> memref<128xi32, #tpu.memory_space<hbm>>
      tpu.enqueue_dma source(%dma_start3A_389 : memref<128xi32, #tpu.memory_space<hbm>>) target(%arg13 : memref<128xi32, #tpu.memory_space<vmem>>) target_semaphore(%arg22 : memref<!tpu.dma_semaphore, #tpu.memory_space<semaphore_mem>>)
      %dma_start3A_390 = tpu.memref_slice %arg5[%mul3A_385] : memref<5244928xf32, #tpu.memory_space<hbm>> -> memref<2048xf32, #tpu.memory_space<hbm>>
      %dma_start3A_391 = tpu.memref_slice %arg5[%mul3A_385] : memref<5244928xf32, #tpu.memory_space<hbm>> -> memref<2048xf32, #tpu.memory_space<hbm>>
      tpu.enqueue_dma source(%dma_start3A_391 : memref<2048xf32, #tpu.memory_space<hbm>>) target(%arg16 : memref<2048xf32, #tpu.memory_space<vmem>>) target_semaphore(%arg22 : memref<!tpu.dma_semaphore, #tpu.memory_space<semaphore_mem>>)
      %add3A_392 = arith.constant 1 : i32
      %add3A_393 = arith.addi %add3A_373, %add3A_392 : i32
      %min3A_394 = arith.constant 80 : i32
      %min3A_395 = arith.minsi %add3A_393, %min3A_394 : i32
      %mul3A_396 = arith.constant 128 : i32
      %mul3A_397 = arith.muli %min3A_395, %mul3A_396 : i32
      %add3A_398 = arith.addi %mul3A_4, %mul3A_397 : i32
      %mul3A_399 = arith.constant 16 : i32
      %mul3A_400 = arith.muli %add3A_398, %mul3A_399 : i32
      %dma_wait3A_401 = tpu.memref_slice %arg3[%add3A_398] : memref<327808xi32, #tpu.memory_space<hbm>> -> memref<128xi32, #tpu.memory_space<hbm>>
      %dma_wait3A_402 = tpu.memref_slice %arg3[%add3A_398] : memref<327808xi32, #tpu.memory_space<hbm>> -> memref<128xi32, #tpu.memory_space<hbm>>
      tpu.wait_dma2 semaphore(%arg21 : memref<!tpu.dma_semaphore, #tpu.memory_space<semaphore_mem>>) src(%dma_wait3A_402 : memref<128xi32, #tpu.memory_space<hbm>>) dst(%arg9 : memref<128xi32, #tpu.memory_space<vmem>>)
      %dma_wait3A_403 = tpu.memref_slice %arg4[%add3A_398] : memref<327808xi32, #tpu.memory_space<hbm>> -> memref<128xi32, #tpu.memory_space<hbm>>
      %dma_wait3A_404 = tpu.memref_slice %arg4[%add3A_398] : memref<327808xi32, #tpu.memory_space<hbm>> -> memref<128xi32, #tpu.memory_space<hbm>>
      tpu.wait_dma2 semaphore(%arg21 : memref<!tpu.dma_semaphore, #tpu.memory_space<semaphore_mem>>) src(%dma_wait3A_404 : memref<128xi32, #tpu.memory_space<hbm>>) dst(%arg12 : memref<128xi32, #tpu.memory_space<vmem>>)
      %dma_wait3A_405 = tpu.memref_slice %arg5[%mul3A_400] : memref<5244928xf32, #tpu.memory_space<hbm>> -> memref<2048xf32, #tpu.memory_space<hbm>>
      %dma_wait3A_406 = tpu.memref_slice %arg5[%mul3A_400] : memref<5244928xf32, #tpu.memory_space<hbm>> -> memref<2048xf32, #tpu.memory_space<hbm>>
      tpu.wait_dma2 semaphore(%arg21 : memref<!tpu.dma_semaphore, #tpu.memory_space<semaphore_mem>>) src(%dma_wait3A_406 : memref<2048xf32, #tpu.memory_space<hbm>>) dst(%arg15 : memref<2048xf32, #tpu.memory_space<vmem>>)
      %add3A_407 = arith.constant 1 : i32
      %add3A_408 = arith.addi %add3A_373, %add3A_407 : i32
      %dma_start3A_409 = arith.constant 0 : i32
      %dma_start3A_410 = arith.constant 0 : i32
      %dma_start3A_411 = tpu.memref_slice %arg2[%dma_start3A_409, %dma_start3A_410] : memref<10000x128xf32, #tpu.memory_space<hbm>> -> memref<10000x128xf32, #tpu.memory_space<hbm>>
      tpu.enqueue_indirect_dma source(%dma_start3A_411 : memref<10000x128xf32, #tpu.memory_space<hbm>>) target(%arg18 : memref<128x128xf32, #tpu.memory_space<vmem>>) offsets(%arg9 : memref<128xi32, #tpu.memory_space<vmem>>) semaphore(%arg24 : memref<!tpu.dma_semaphore, #tpu.memory_space<semaphore_mem>>)
      %dma_wait3A_412 = arith.constant 0 : i32
      %dma_wait3A_413 = arith.constant 0 : i32
      %dma_wait3A_414 = tpu.memref_slice %arg2[%dma_wait3A_412, %dma_wait3A_413] : memref<10000x128xf32, #tpu.memory_space<hbm>> -> memref<10000x128xf32, #tpu.memory_space<hbm>>
      tpu.wait_indirect_dma semaphore(%arg23 : memref<!tpu.dma_semaphore, #tpu.memory_space<semaphore_mem>>) src(%dma_wait3A_414 : memref<10000x128xf32, #tpu.memory_space<hbm>>) dst(%arg17 : memref<128x128xf32, #tpu.memory_space<vmem>>)
      %parallel_loop3A_415 = arith.constant 0 : i32
      %parallel_loop3A_416 = arith.constant 128 : i32
      %parallel_loop3A_417 = arith.constant 1 : i32
      scf.for %parallel_loop3A_474 = %parallel_loop3A_415 to %parallel_loop3A_416 step %parallel_loop3A_417  : i32 {
        %parallel_loop3A_475 = arith.constant 16 : i32
        %parallel_loop3A_476 = arith.muli %parallel_loop3A_474, %parallel_loop3A_475 : i32
        %parallel_loop3A_477 = arith.index_cast %parallel_loop3A_476 : i32 to index
        %parallel_loop3A_478 = tpu.vector_load %arg14[%parallel_loop3A_477] {strides = array<i32>} : memref<2048xf32, #tpu.memory_space<vmem>>, vector<16xf32>,
        %parallel_loop3A_479 = vector.shape_cast %parallel_loop3A_478 : vector<16xf32> to vector<16xf32>
        %parallel_loop3A_480 = arith.index_cast %parallel_loop3A_474 : i32 to index
        %parallel_loop3A_481 = arith.constant 0 : index
        %parallel_loop3A_482 = tpu.vector_load %arg17[%parallel_loop3A_480, %parallel_loop3A_481] {strides = array<i32>} : memref<128x128xf32, #tpu.memory_space<vmem>>, vector<1x16xf32>,
        %parallel_loop3A_483 = vector.shape_cast %parallel_loop3A_482 : vector<1x16xf32> to vector<16xf32>
        %parallel_loop3A_484 = arith.mulf %parallel_loop3A_483, %parallel_loop3A_479 : vector<16xf32>
        %parallel_loop3A_485 = arith.index_cast %parallel_loop3A_474 : i32 to index
        %parallel_loop3A_486 = arith.constant 0 : index
        %parallel_loop3A_487 = tpu.vector_load %arg17[%parallel_loop3A_485, %parallel_loop3A_486] {strides = array<i32>} : memref<128x128xf32, #tpu.memory_space<vmem>>, vector<1x16xf32>,
        %parallel_loop3A_488 = vector.shape_cast %parallel_loop3A_487 : vector<1x16xf32> to vector<16xf32>
        %parallel_loop3A_489 = vector.shape_cast %parallel_loop3A_484 : vector<16xf32> to vector<1x16xf32>
        tpu.vector_store %arg17[%parallel_loop3A_485, %parallel_loop3A_486], %parallel_loop3A_489 {strides = array<i32>} : memref<128x128xf32, #tpu.memory_space<vmem>>, vector<1x16xf32>,
        %parallel_loop3A_490 = arith.index_cast %parallel_loop3A_474 : i32 to index
        %parallel_loop3A_491 = arith.constant 16 : index
        %parallel_loop3A_492 = tpu.vector_load %arg17[%parallel_loop3A_490, %parallel_loop3A_491] {strides = array<i32>} : memref<128x128xf32, #tpu.memory_space<vmem>>, vector<1x16xf32>,
        %parallel_loop3A_493 = vector.shape_cast %parallel_loop3A_492 : vector<1x16xf32> to vector<16xf32>
        %parallel_loop3A_494 = arith.mulf %parallel_loop3A_493, %parallel_loop3A_479 : vector<16xf32>
        %parallel_loop3A_495 = arith.index_cast %parallel_loop3A_474 : i32 to index
        %parallel_loop3A_496 = arith.constant 16 : index
        %parallel_loop3A_497 = tpu.vector_load %arg17[%parallel_loop3A_495, %parallel_loop3A_496] {strides = array<i32>} : memref<128x128xf32, #tpu.memory_space<vmem>>, vector<1x16xf32>,
        %parallel_loop3A_498 = vector.shape_cast %parallel_loop3A_497 : vector<1x16xf32> to vector<16xf32>
        %parallel_loop3A_499 = vector.shape_cast %parallel_loop3A_494 : vector<16xf32> to vector<1x16xf32>
        tpu.vector_store %arg17[%parallel_loop3A_495, %parallel_loop3A_496], %parallel_loop3A_499 {strides = array<i32>} : memref<128x128xf32, #tpu.memory_space<vmem>>, vector<1x16xf32>,
        %parallel_loop3A_500 = arith.index_cast %parallel_loop3A_474 : i32 to index
        %parallel_loop3A_501 = arith.constant 32 : index
        %parallel_loop3A_502 = tpu.vector_load %arg17[%parallel_loop3A_500, %parallel_loop3A_501] {strides = array<i32>} : memref<128x128xf32, #tpu.memory_space<vmem>>, vector<1x16xf32>,
        %parallel_loop3A_503 = vector.shape_cast %parallel_loop3A_502 : vector<1x16xf32> to vector<16xf32>
        %parallel_loop3A_504 = arith.mulf %parallel_loop3A_503, %parallel_loop3A_479 : vector<16xf32>
        %parallel_loop3A_505 = arith.index_cast %parallel_loop3A_474 : i32 to index
        %parallel_loop3A_506 = arith.constant 32 : index
        %parallel_loop3A_507 = tpu.vector_load %arg17[%parallel_loop3A_505, %parallel_loop3A_506] {strides = array<i32>} : memref<128x128xf32, #tpu.memory_space<vmem>>, vector<1x16xf32>,
        %parallel_loop3A_508 = vector.shape_cast %parallel_loop3A_507 : vector<1x16xf32> to vector<16xf32>
        %parallel_loop3A_509 = vector.shape_cast %parallel_loop3A_504 : vector<16xf32> to vector<1x16xf32>
        tpu.vector_store %arg17[%parallel_loop3A_505, %parallel_loop3A_506], %parallel_loop3A_509 {strides = array<i32>} : memref<128x128xf32, #tpu.memory_space<vmem>>, vector<1x16xf32>,
        %parallel_loop3A_510 = arith.index_cast %parallel_loop3A_474 : i32 to index
        %parallel_loop3A_511 = arith.constant 48 : index
        %parallel_loop3A_512 = tpu.vector_load %arg17[%parallel_loop3A_510, %parallel_loop3A_511] {strides = array<i32>} : memref<128x128xf32, #tpu.memory_space<vmem>>, vector<1x16xf32>,
        %parallel_loop3A_513 = vector.shape_cast %parallel_loop3A_512 : vector<1x16xf32> to vector<16xf32>
        %parallel_loop3A_514 = arith.mulf %parallel_loop3A_513, %parallel_loop3A_479 : vector<16xf32>
        %parallel_loop3A_515 = arith.index_cast %parallel_loop3A_474 : i32 to index
        %parallel_loop3A_516 = arith.constant 48 : index
        %parallel_loop3A_517 = tpu.vector_load %arg17[%parallel_loop3A_515, %parallel_loop3A_516] {strides = array<i32>} : memref<128x128xf32, #tpu.memory_space<vmem>>, vector<1x16xf32>,
        %parallel_loop3A_518 = vector.shape_cast %parallel_loop3A_517 : vector<1x16xf32> to vector<16xf32>
        %parallel_loop3A_519 = vector.shape_cast %parallel_loop3A_514 : vector<16xf32> to vector<1x16xf32>
        tpu.vector_store %arg17[%parallel_loop3A_515, %parallel_loop3A_516], %parallel_loop3A_519 {strides = array<i32>} : memref<128x128xf32, #tpu.memory_space<vmem>>, vector<1x16xf32>,
        %parallel_loop3A_520 = arith.index_cast %parallel_loop3A_474 : i32 to index
        %parallel_loop3A_521 = arith.constant 64 : index
        %parallel_loop3A_522 = tpu.vector_load %arg17[%parallel_loop3A_520, %parallel_loop3A_521] {strides = array<i32>} : memref<128x128xf32, #tpu.memory_space<vmem>>, vector<1x16xf32>,
        %parallel_loop3A_523 = vector.shape_cast %parallel_loop3A_522 : vector<1x16xf32> to vector<16xf32>
        %parallel_loop3A_524 = arith.mulf %parallel_loop3A_523, %parallel_loop3A_479 : vector<16xf32>
        %parallel_loop3A_525 = arith.index_cast %parallel_loop3A_474 : i32 to index
        %parallel_loop3A_526 = arith.constant 64 : index
        %parallel_loop3A_527 = tpu.vector_load %arg17[%parallel_loop3A_525, %parallel_loop3A_526] {strides = array<i32>} : memref<128x128xf32, #tpu.memory_space<vmem>>, vector<1x16xf32>,
        %parallel_loop3A_528 = vector.shape_cast %parallel_loop3A_527 : vector<1x16xf32> to vector<16xf32>
        %parallel_loop3A_529 = vector.shape_cast %parallel_loop3A_524 : vector<16xf32> to vector<1x16xf32>
        tpu.vector_store %arg17[%parallel_loop3A_525, %parallel_loop3A_526], %parallel_loop3A_529 {strides = array<i32>} : memref<128x128xf32, #tpu.memory_space<vmem>>, vector<1x16xf32>,
        %parallel_loop3A_530 = arith.index_cast %parallel_loop3A_474 : i32 to index
        %parallel_loop3A_531 = arith.constant 80 : index
        %parallel_loop3A_532 = tpu.vector_load %arg17[%parallel_loop3A_530, %parallel_loop3A_531] {strides = array<i32>} : memref<128x128xf32, #tpu.memory_space<vmem>>, vector<1x16xf32>,
        %parallel_loop3A_533 = vector.shape_cast %parallel_loop3A_532 : vector<1x16xf32> to vector<16xf32>
        %parallel_loop3A_534 = arith.mulf %parallel_loop3A_533, %parallel_loop3A_479 : vector<16xf32>
        %parallel_loop3A_535 = arith.index_cast %parallel_loop3A_474 : i32 to index
        %parallel_loop3A_536 = arith.constant 80 : index
        %parallel_loop3A_537 = tpu.vector_load %arg17[%parallel_loop3A_535, %parallel_loop3A_536] {strides = array<i32>} : memref<128x128xf32, #tpu.memory_space<vmem>>, vector<1x16xf32>,
        %parallel_loop3A_538 = vector.shape_cast %parallel_loop3A_537 : vector<1x16xf32> to vector<16xf32>
        %parallel_loop3A_539 = vector.shape_cast %parallel_loop3A_534 : vector<16xf32> to vector<1x16xf32>
        tpu.vector_store %arg17[%parallel_loop3A_535, %parallel_loop3A_536], %parallel_loop3A_539 {strides = array<i32>} : memref<128x128xf32, #tpu.memory_space<vmem>>, vector<1x16xf32>,
        %parallel_loop3A_540 = arith.index_cast %parallel_loop3A_474 : i32 to index
        %parallel_loop3A_541 = arith.constant 96 : index
        %parallel_loop3A_542 = tpu.vector_load %arg17[%parallel_loop3A_540, %parallel_loop3A_541] {strides = array<i32>} : memref<128x128xf32, #tpu.memory_space<vmem>>, vector<1x16xf32>,
        %parallel_loop3A_543 = vector.shape_cast %parallel_loop3A_542 : vector<1x16xf32> to vector<16xf32>
        %parallel_loop3A_544 = arith.mulf %parallel_loop3A_543, %parallel_loop3A_479 : vector<16xf32>
        %parallel_loop3A_545 = arith.index_cast %parallel_loop3A_474 : i32 to index
        %parallel_loop3A_546 = arith.constant 96 : index
        %parallel_loop3A_547 = tpu.vector_load %arg17[%parallel_loop3A_545, %parallel_loop3A_546] {strides = array<i32>} : memref<128x128xf32, #tpu.memory_space<vmem>>, vector<1x16xf32>,
        %parallel_loop3A_548 = vector.shape_cast %parallel_loop3A_547 : vector<1x16xf32> to vector<16xf32>
        %parallel_loop3A_549 = vector.shape_cast %parallel_loop3A_544 : vector<16xf32> to vector<1x16xf32>
        tpu.vector_store %arg17[%parallel_loop3A_545, %parallel_loop3A_546], %parallel_loop3A_549 {strides = array<i32>} : memref<128x128xf32, #tpu.memory_space<vmem>>, vector<1x16xf32>,
        %parallel_loop3A_550 = arith.index_cast %parallel_loop3A_474 : i32 to index
        %parallel_loop3A_551 = arith.constant 112 : index
        %parallel_loop3A_552 = tpu.vector_load %arg17[%parallel_loop3A_550, %parallel_loop3A_551] {strides = array<i32>} : memref<128x128xf32, #tpu.memory_space<vmem>>, vector<1x16xf32>,
        %parallel_loop3A_553 = vector.shape_cast %parallel_loop3A_552 : vector<1x16xf32> to vector<16xf32>
        %parallel_loop3A_554 = arith.mulf %parallel_loop3A_553, %parallel_loop3A_479 : vector<16xf32>
        %parallel_loop3A_555 = arith.index_cast %parallel_loop3A_474 : i32 to index
        %parallel_loop3A_556 = arith.constant 112 : index
        %parallel_loop3A_557 = tpu.vector_load %arg17[%parallel_loop3A_555, %parallel_loop3A_556] {strides = array<i32>} : memref<128x128xf32, #tpu.memory_space<vmem>>, vector<1x16xf32>,
        %parallel_loop3A_558 = vector.shape_cast %parallel_loop3A_557 : vector<1x16xf32> to vector<16xf32>
        %parallel_loop3A_559 = vector.shape_cast %parallel_loop3A_554 : vector<16xf32> to vector<1x16xf32>
        tpu.vector_store %arg17[%parallel_loop3A_555, %parallel_loop3A_556], %parallel_loop3A_559 {strides = array<i32>} : memref<128x128xf32, #tpu.memory_space<vmem>>, vector<1x16xf32>,
      } {sc.loop_unroll_factor = 2 : i64, sc.parallel_access}
      %dma_start3A_418 = arith.constant 0 : i32
      %dma_start3A_419 = arith.constant 0 : i32
      %dma_start3A_420 = tpu.memref_slice %arg19[%dma_start3A_418, %dma_start3A_419] : memref<10112x128xf32, #tpu.memory_space<vmem_shared>> -> memref<10112x128xf32, #tpu.memory_space<vmem_shared>>
      tpu.enqueue_indirect_dma source(%arg17 : memref<128x128xf32, #tpu.memory_space<vmem>>) target(%dma_start3A_420 : memref<10112x128xf32, #tpu.memory_space<vmem_shared>>) offsets(%arg11 : memref<128xi32, #tpu.memory_space<vmem>>) semaphore(%arg25 : memref<!tpu.dma_semaphore, #tpu.memory_space<semaphore_mem>>) {add = true}
      %mul3A_421 = arith.constant 6 : i32
      %mul3A_422 = arith.muli %mul3A_421, %scan3A_155 : i32
      %add3A_423 = arith.constant 2 : i32
      %add3A_424 = arith.addi %mul3A_422, %add3A_423 : i32
      %add3A_425 = arith.constant 5 : i32
      %add3A_426 = arith.addi %add3A_424, %add3A_425 : i32
      %dma_wait3A_427 = arith.constant 0 : i32
      %dma_wait3A_428 = arith.constant 0 : i32
      %dma_wait3A_429 = tpu.memref_slice %arg19[%dma_wait3A_427, %dma_wait3A_428] : memref<10112x128xf32, #tpu.memory_space<vmem_shared>> -> memref<10112x128xf32, #tpu.memory_space<vmem_shared>>
      tpu.wait_indirect_dma semaphore(%arg25 : memref<!tpu.dma_semaphore, #tpu.memory_space<semaphore_mem>>) src(%arg17 : memref<128x128xf32, #tpu.memory_space<vmem>>) dst(%dma_wait3A_429 : memref<10112x128xf32, #tpu.memory_space<vmem_shared>>)
      %add3A_430 = arith.constant 2 : i32
      %add3A_431 = arith.addi %add3A_426, %add3A_430 : i32
      %min3A_432 = arith.constant 80 : i32
      %min3A_433 = arith.minsi %add3A_431, %min3A_432 : i32
      %mul3A_434 = arith.constant 128 : i32
      %mul3A_435 = arith.muli %min3A_433, %mul3A_434 : i32
      %add3A_436 = arith.addi %mul3A_4, %mul3A_435 : i32
      %mul3A_437 = arith.constant 16 : i32
      %mul3A_438 = arith.muli %add3A_436, %mul3A_437 : i32
      %dma_start3A_439 = tpu.memref_slice %arg3[%add3A_436] : memref<327808xi32, #tpu.memory_space<hbm>> -> memref<128xi32, #tpu.memory_space<hbm>>
      %dma_start3A_440 = tpu.memref_slice %arg3[%add3A_436] : memref<327808xi32, #tpu.memory_space<hbm>> -> memref<128xi32, #tpu.memory_space<hbm>>
      tpu.enqueue_dma source(%dma_start3A_440 : memref<128xi32, #tpu.memory_space<hbm>>) target(%arg8 : memref<128xi32, #tpu.memory_space<vmem>>) target_semaphore(%arg20 : memref<!tpu.dma_semaphore, #tpu.memory_space<semaphore_mem>>)
      %dma_start3A_441 = tpu.memref_slice %arg4[%add3A_436] : memref<327808xi32, #tpu.memory_space<hbm>> -> memref<128xi32, #tpu.memory_space<hbm>>
      %dma_start3A_442 = tpu.memref_slice %arg4[%add3A_436] : memref<327808xi32, #tpu.memory_space<hbm>> -> memref<128xi32, #tpu.memory_space<hbm>>
      tpu.enqueue_dma source(%dma_start3A_442 : memref<128xi32, #tpu.memory_space<hbm>>) target(%arg11 : memref<128xi32, #tpu.memory_space<vmem>>) target_semaphore(%arg20 : memref<!tpu.dma_semaphore, #tpu.memory_space<semaphore_mem>>)
      %dma_start3A_443 = tpu.memref_slice %arg5[%mul3A_438] : memref<5244928xf32, #tpu.memory_space<hbm>> -> memref<2048xf32, #tpu.memory_space<hbm>>
      %dma_start3A_444 = tpu.memref_slice %arg5[%mul3A_438] : memref<5244928xf32, #tpu.memory_space<hbm>> -> memref<2048xf32, #tpu.memory_space<hbm>>
      tpu.enqueue_dma source(%dma_start3A_444 : memref<2048xf32, #tpu.memory_space<hbm>>) target(%arg14 : memref<2048xf32, #tpu.memory_space<vmem>>) target_semaphore(%arg20 : memref<!tpu.dma_semaphore, #tpu.memory_space<semaphore_mem>>)
      %add3A_445 = arith.constant 1 : i32
      %add3A_446 = arith.addi %add3A_426, %add3A_445 : i32
      %min3A_447 = arith.constant 80 : i32
      %min3A_448 = arith.minsi %add3A_446, %min3A_447 : i32
      %mul3A_449 = arith.constant 128 : i32
      %mul3A_450 = arith.muli %min3A_448, %mul3A_449 : i32
      %add3A_451 = arith.addi %mul3A_4, %mul3A_450 : i32
      %mul3A_452 = arith.constant 16 : i32
      %mul3A_453 = arith.muli %add3A_451, %mul3A_452 : i32
      %dma_wait3A_454 = tpu.memref_slice %arg3[%add3A_451] : memref<327808xi32, #tpu.memory_space<hbm>> -> memref<128xi32, #tpu.memory_space<hbm>>
      %dma_wait3A_455 = tpu.memref_slice %arg3[%add3A_451] : memref<327808xi32, #tpu.memory_space<hbm>> -> memref<128xi32, #tpu.memory_space<hbm>>
      tpu.wait_dma2 semaphore(%arg22 : memref<!tpu.dma_semaphore, #tpu.memory_space<semaphore_mem>>) src(%dma_wait3A_455 : memref<128xi32, #tpu.memory_space<hbm>>) dst(%arg10 : memref<128xi32, #tpu.memory_space<vmem>>)
      %dma_wait3A_456 = tpu.memref_slice %arg4[%add3A_451] : memref<327808xi32, #tpu.memory_space<hbm>> -> memref<128xi32, #tpu.memory_space<hbm>>
      %dma_wait3A_457 = tpu.memref_slice %arg4[%add3A_451] : memref<327808xi32, #tpu.memory_space<hbm>> -> memref<128xi32, #tpu.memory_space<hbm>>
      tpu.wait_dma2 semaphore(%arg22 : memref<!tpu.dma_semaphore, #tpu.memory_space<semaphore_mem>>) src(%dma_wait3A_457 : memref<128xi32, #tpu.memory_space<hbm>>) dst(%arg13 : memref<128xi32, #tpu.memory_space<vmem>>)
      %dma_wait3A_458 = tpu.memref_slice %arg5[%mul3A_453] : memref<5244928xf32, #tpu.memory_space<hbm>> -> memref<2048xf32, #tpu.memory_space<hbm>>
      %dma_wait3A_459 = tpu.memref_slice %arg5[%mul3A_453] : memref<5244928xf32, #tpu.memory_space<hbm>> -> memref<2048xf32, #tpu.memory_space<hbm>>
      tpu.wait_dma2 semaphore(%arg22 : memref<!tpu.dma_semaphore, #tpu.memory_space<semaphore_mem>>) src(%dma_wait3A_459 : memref<2048xf32, #tpu.memory_space<hbm>>) dst(%arg16 : memref<2048xf32, #tpu.memory_space<vmem>>)
      %add3A_460 = arith.constant 1 : i32
      %add3A_461 = arith.addi %add3A_426, %add3A_460 : i32
      %dma_start3A_462 = arith.constant 0 : i32
      %dma_start3A_463 = arith.constant 0 : i32
      %dma_start3A_464 = tpu.memref_slice %arg2[%dma_start3A_462, %dma_start3A_463] : memref<10000x128xf32, #tpu.memory_space<hbm>> -> memref<10000x128xf32, #tpu.memory_space<hbm>>
      tpu.enqueue_indirect_dma source(%dma_start3A_464 : memref<10000x128xf32, #tpu.memory_space<hbm>>) target(%arg17 : memref<128x128xf32, #tpu.memory_space<vmem>>) offsets(%arg10 : memref<128xi32, #tpu.memory_space<vmem>>) semaphore(%arg23 : memref<!tpu.dma_semaphore, #tpu.memory_space<semaphore_mem>>)
      %dma_wait3A_465 = arith.constant 0 : i32
      %dma_wait3A_466 = arith.constant 0 : i32
      %dma_wait3A_467 = tpu.memref_slice %arg2[%dma_wait3A_465, %dma_wait3A_466] : memref<10000x128xf32, #tpu.memory_space<hbm>> -> memref<10000x128xf32, #tpu.memory_space<hbm>>
      tpu.wait_indirect_dma semaphore(%arg24 : memref<!tpu.dma_semaphore, #tpu.memory_space<semaphore_mem>>) src(%dma_wait3A_467 : memref<10000x128xf32, #tpu.memory_space<hbm>>) dst(%arg18 : memref<128x128xf32, #tpu.memory_space<vmem>>)
      %parallel_loop3A_468 = arith.constant 0 : i32
      %parallel_loop3A_469 = arith.constant 128 : i32
      %parallel_loop3A_470 = arith.constant 1 : i32
      scf.for %parallel_loop3A_474 = %parallel_loop3A_468 to %parallel_loop3A_469 step %parallel_loop3A_470  : i32 {
        %parallel_loop3A_475 = arith.constant 16 : i32
        %parallel_loop3A_476 = arith.muli %parallel_loop3A_474, %parallel_loop3A_475 : i32
        %parallel_loop3A_477 = arith.index_cast %parallel_loop3A_476 : i32 to index
        %parallel_loop3A_478 = tpu.vector_load %arg15[%parallel_loop3A_477] {strides = array<i32>} : memref<2048xf32, #tpu.memory_space<vmem>>, vector<16xf32>,
        %parallel_loop3A_479 = vector.shape_cast %parallel_loop3A_478 : vector<16xf32> to vector<16xf32>
        %parallel_loop3A_480 = arith.index_cast %parallel_loop3A_474 : i32 to index
        %parallel_loop3A_481 = arith.constant 0 : index
        %parallel_loop3A_482 = tpu.vector_load %arg18[%parallel_loop3A_480, %parallel_loop3A_481] {strides = array<i32>} : memref<128x128xf32, #tpu.memory_space<vmem>>, vector<1x16xf32>,
        %parallel_loop3A_483 = vector.shape_cast %parallel_loop3A_482 : vector<1x16xf32> to vector<16xf32>
        %parallel_loop3A_484 = arith.mulf %parallel_loop3A_483, %parallel_loop3A_479 : vector<16xf32>
        %parallel_loop3A_485 = arith.index_cast %parallel_loop3A_474 : i32 to index
        %parallel_loop3A_486 = arith.constant 0 : index
        %parallel_loop3A_487 = tpu.vector_load %arg18[%parallel_loop3A_485, %parallel_loop3A_486] {strides = array<i32>} : memref<128x128xf32, #tpu.memory_space<vmem>>, vector<1x16xf32>,
        %parallel_loop3A_488 = vector.shape_cast %parallel_loop3A_487 : vector<1x16xf32> to vector<16xf32>
        %parallel_loop3A_489 = vector.shape_cast %parallel_loop3A_484 : vector<16xf32> to vector<1x16xf32>
        tpu.vector_store %arg18[%parallel_loop3A_485, %parallel_loop3A_486], %parallel_loop3A_489 {strides = array<i32>} : memref<128x128xf32, #tpu.memory_space<vmem>>, vector<1x16xf32>,
        %parallel_loop3A_490 = arith.index_cast %parallel_loop3A_474 : i32 to index
        %parallel_loop3A_491 = arith.constant 16 : index
        %parallel_loop3A_492 = tpu.vector_load %arg18[%parallel_loop3A_490, %parallel_loop3A_491] {strides = array<i32>} : memref<128x128xf32, #tpu.memory_space<vmem>>, vector<1x16xf32>,
        %parallel_loop3A_493 = vector.shape_cast %parallel_loop3A_492 : vector<1x16xf32> to vector<16xf32>
        %parallel_loop3A_494 = arith.mulf %parallel_loop3A_493, %parallel_loop3A_479 : vector<16xf32>
        %parallel_loop3A_495 = arith.index_cast %parallel_loop3A_474 : i32 to index
        %parallel_loop3A_496 = arith.constant 16 : index
        %parallel_loop3A_497 = tpu.vector_load %arg18[%parallel_loop3A_495, %parallel_loop3A_496] {strides = array<i32>} : memref<128x128xf32, #tpu.memory_space<vmem>>, vector<1x16xf32>,
        %parallel_loop3A_498 = vector.shape_cast %parallel_loop3A_497 : vector<1x16xf32> to vector<16xf32>
        %parallel_loop3A_499 = vector.shape_cast %parallel_loop3A_494 : vector<16xf32> to vector<1x16xf32>
        tpu.vector_store %arg18[%parallel_loop3A_495, %parallel_loop3A_496], %parallel_loop3A_499 {strides = array<i32>} : memref<128x128xf32, #tpu.memory_space<vmem>>, vector<1x16xf32>,
        %parallel_loop3A_500 = arith.index_cast %parallel_loop3A_474 : i32 to index
        %parallel_loop3A_501 = arith.constant 32 : index
        %parallel_loop3A_502 = tpu.vector_load %arg18[%parallel_loop3A_500, %parallel_loop3A_501] {strides = array<i32>} : memref<128x128xf32, #tpu.memory_space<vmem>>, vector<1x16xf32>,
        %parallel_loop3A_503 = vector.shape_cast %parallel_loop3A_502 : vector<1x16xf32> to vector<16xf32>
        %parallel_loop3A_504 = arith.mulf %parallel_loop3A_503, %parallel_loop3A_479 : vector<16xf32>
        %parallel_loop3A_505 = arith.index_cast %parallel_loop3A_474 : i32 to index
        %parallel_loop3A_506 = arith.constant 32 : index
        %parallel_loop3A_507 = tpu.vector_load %arg18[%parallel_loop3A_505, %parallel_loop3A_506] {strides = array<i32>} : memref<128x128xf32, #tpu.memory_space<vmem>>, vector<1x16xf32>,
        %parallel_loop3A_508 = vector.shape_cast %parallel_loop3A_507 : vector<1x16xf32> to vector<16xf32>
        %parallel_loop3A_509 = vector.shape_cast %parallel_loop3A_504 : vector<16xf32> to vector<1x16xf32>
        tpu.vector_store %arg18[%parallel_loop3A_505, %parallel_loop3A_506], %parallel_loop3A_509 {strides = array<i32>} : memref<128x128xf32, #tpu.memory_space<vmem>>, vector<1x16xf32>,
        %parallel_loop3A_510 = arith.index_cast %parallel_loop3A_474 : i32 to index
        %parallel_loop3A_511 = arith.constant 48 : index
        %parallel_loop3A_512 = tpu.vector_load %arg18[%parallel_loop3A_510, %parallel_loop3A_511] {strides = array<i32>} : memref<128x128xf32, #tpu.memory_space<vmem>>, vector<1x16xf32>,
        %parallel_loop3A_513 = vector.shape_cast %parallel_loop3A_512 : vector<1x16xf32> to vector<16xf32>
        %parallel_loop3A_514 = arith.mulf %parallel_loop3A_513, %parallel_loop3A_479 : vector<16xf32>
        %parallel_loop3A_515 = arith.index_cast %parallel_loop3A_474 : i32 to index
        %parallel_loop3A_516 = arith.constant 48 : index
        %parallel_loop3A_517 = tpu.vector_load %arg18[%parallel_loop3A_515, %parallel_loop3A_516] {strides = array<i32>} : memref<128x128xf32, #tpu.memory_space<vmem>>, vector<1x16xf32>,
        %parallel_loop3A_518 = vector.shape_cast %parallel_loop3A_517 : vector<1x16xf32> to vector<16xf32>
        %parallel_loop3A_519 = vector.shape_cast %parallel_loop3A_514 : vector<16xf32> to vector<1x16xf32>
        tpu.vector_store %arg18[%parallel_loop3A_515, %parallel_loop3A_516], %parallel_loop3A_519 {strides = array<i32>} : memref<128x128xf32, #tpu.memory_space<vmem>>, vector<1x16xf32>,
        %parallel_loop3A_520 = arith.index_cast %parallel_loop3A_474 : i32 to index
        %parallel_loop3A_521 = arith.constant 64 : index
        %parallel_loop3A_522 = tpu.vector_load %arg18[%parallel_loop3A_520, %parallel_loop3A_521] {strides = array<i32>} : memref<128x128xf32, #tpu.memory_space<vmem>>, vector<1x16xf32>,
        %parallel_loop3A_523 = vector.shape_cast %parallel_loop3A_522 : vector<1x16xf32> to vector<16xf32>
        %parallel_loop3A_524 = arith.mulf %parallel_loop3A_523, %parallel_loop3A_479 : vector<16xf32>
        %parallel_loop3A_525 = arith.index_cast %parallel_loop3A_474 : i32 to index
        %parallel_loop3A_526 = arith.constant 64 : index
        %parallel_loop3A_527 = tpu.vector_load %arg18[%parallel_loop3A_525, %parallel_loop3A_526] {strides = array<i32>} : memref<128x128xf32, #tpu.memory_space<vmem>>, vector<1x16xf32>,
        %parallel_loop3A_528 = vector.shape_cast %parallel_loop3A_527 : vector<1x16xf32> to vector<16xf32>
        %parallel_loop3A_529 = vector.shape_cast %parallel_loop3A_524 : vector<16xf32> to vector<1x16xf32>
        tpu.vector_store %arg18[%parallel_loop3A_525, %parallel_loop3A_526], %parallel_loop3A_529 {strides = array<i32>} : memref<128x128xf32, #tpu.memory_space<vmem>>, vector<1x16xf32>,
        %parallel_loop3A_530 = arith.index_cast %parallel_loop3A_474 : i32 to index
        %parallel_loop3A_531 = arith.constant 80 : index
        %parallel_loop3A_532 = tpu.vector_load %arg18[%parallel_loop3A_530, %parallel_loop3A_531] {strides = array<i32>} : memref<128x128xf32, #tpu.memory_space<vmem>>, vector<1x16xf32>,
        %parallel_loop3A_533 = vector.shape_cast %parallel_loop3A_532 : vector<1x16xf32> to vector<16xf32>
        %parallel_loop3A_534 = arith.mulf %parallel_loop3A_533, %parallel_loop3A_479 : vector<16xf32>
        %parallel_loop3A_535 = arith.index_cast %parallel_loop3A_474 : i32 to index
        %parallel_loop3A_536 = arith.constant 80 : index
        %parallel_loop3A_537 = tpu.vector_load %arg18[%parallel_loop3A_535, %parallel_loop3A_536] {strides = array<i32>} : memref<128x128xf32, #tpu.memory_space<vmem>>, vector<1x16xf32>,
        %parallel_loop3A_538 = vector.shape_cast %parallel_loop3A_537 : vector<1x16xf32> to vector<16xf32>
        %parallel_loop3A_539 = vector.shape_cast %parallel_loop3A_534 : vector<16xf32> to vector<1x16xf32>
        tpu.vector_store %arg18[%parallel_loop3A_535, %parallel_loop3A_536], %parallel_loop3A_539 {strides = array<i32>} : memref<128x128xf32, #tpu.memory_space<vmem>>, vector<1x16xf32>,
        %parallel_loop3A_540 = arith.index_cast %parallel_loop3A_474 : i32 to index
        %parallel_loop3A_541 = arith.constant 96 : index
        %parallel_loop3A_542 = tpu.vector_load %arg18[%parallel_loop3A_540, %parallel_loop3A_541] {strides = array<i32>} : memref<128x128xf32, #tpu.memory_space<vmem>>, vector<1x16xf32>,
        %parallel_loop3A_543 = vector.shape_cast %parallel_loop3A_542 : vector<1x16xf32> to vector<16xf32>
        %parallel_loop3A_544 = arith.mulf %parallel_loop3A_543, %parallel_loop3A_479 : vector<16xf32>
        %parallel_loop3A_545 = arith.index_cast %parallel_loop3A_474 : i32 to index
        %parallel_loop3A_546 = arith.constant 96 : index
        %parallel_loop3A_547 = tpu.vector_load %arg18[%parallel_loop3A_545, %parallel_loop3A_546] {strides = array<i32>} : memref<128x128xf32, #tpu.memory_space<vmem>>, vector<1x16xf32>,
        %parallel_loop3A_548 = vector.shape_cast %parallel_loop3A_547 : vector<1x16xf32> to vector<16xf32>
        %parallel_loop3A_549 = vector.shape_cast %parallel_loop3A_544 : vector<16xf32> to vector<1x16xf32>
        tpu.vector_store %arg18[%parallel_loop3A_545, %parallel_loop3A_546], %parallel_loop3A_549 {strides = array<i32>} : memref<128x128xf32, #tpu.memory_space<vmem>>, vector<1x16xf32>,
        %parallel_loop3A_550 = arith.index_cast %parallel_loop3A_474 : i32 to index
        %parallel_loop3A_551 = arith.constant 112 : index
        %parallel_loop3A_552 = tpu.vector_load %arg18[%parallel_loop3A_550, %parallel_loop3A_551] {strides = array<i32>} : memref<128x128xf32, #tpu.memory_space<vmem>>, vector<1x16xf32>,
        %parallel_loop3A_553 = vector.shape_cast %parallel_loop3A_552 : vector<1x16xf32> to vector<16xf32>
        %parallel_loop3A_554 = arith.mulf %parallel_loop3A_553, %parallel_loop3A_479 : vector<16xf32>
        %parallel_loop3A_555 = arith.index_cast %parallel_loop3A_474 : i32 to index
        %parallel_loop3A_556 = arith.constant 112 : index
        %parallel_loop3A_557 = tpu.vector_load %arg18[%parallel_loop3A_555, %parallel_loop3A_556] {strides = array<i32>} : memref<128x128xf32, #tpu.memory_space<vmem>>, vector<1x16xf32>,
        %parallel_loop3A_558 = vector.shape_cast %parallel_loop3A_557 : vector<1x16xf32> to vector<16xf32>
        %parallel_loop3A_559 = vector.shape_cast %parallel_loop3A_554 : vector<16xf32> to vector<1x16xf32>
        tpu.vector_store %arg18[%parallel_loop3A_555, %parallel_loop3A_556], %parallel_loop3A_559 {strides = array<i32>} : memref<128x128xf32, #tpu.memory_space<vmem>>, vector<1x16xf32>,
      } {sc.loop_unroll_factor = 2 : i64, sc.parallel_access}
      %dma_start3A_471 = arith.constant 0 : i32
      %dma_start3A_472 = arith.constant 0 : i32
      %dma_start3A_473 = tpu.memref_slice %arg19[%dma_start3A_471, %dma_start3A_472] : memref<10112x128xf32, #tpu.memory_space<vmem_shared>> -> memref<10112x128xf32, #tpu.memory_space<vmem_shared>>
      tpu.enqueue_indirect_dma source(%arg18 : memref<128x128xf32, #tpu.memory_space<vmem>>) target(%dma_start3A_473 : memref<10112x128xf32, #tpu.memory_space<vmem_shared>>) offsets(%arg12 : memref<128xi32, #tpu.memory_space<vmem>>) semaphore(%arg26 : memref<!tpu.dma_semaphore, #tpu.memory_space<semaphore_mem>>) {add = true}
    }
    %scan3A_133 = arith.constant 13 : i32
    %dma_wait3A_134 = arith.constant 0 : i32
    %dma_wait3A_135 = arith.constant 0 : i32
    %dma_wait3A_136 = tpu.memref_slice %arg19[%dma_wait3A_134, %dma_wait3A_135] : memref<10112x128xf32, #tpu.memory_space<vmem_shared>> -> memref<10112x128xf32, #tpu.memory_space<vmem_shared>>
    tpu.wait_indirect_dma semaphore(%arg26 : memref<!tpu.dma_semaphore, #tpu.memory_space<semaphore_mem>>) src(%arg18 : memref<128x128xf32, #tpu.memory_space<vmem>>) dst(%dma_wait3A_136 : memref<10112x128xf32, #tpu.memory_space<vmem_shared>>)
    %dma_wait3A_137 = arith.constant 0 : i32
    %dma_wait3A_138 = arith.constant 0 : i32
    %dma_wait3A_139 = tpu.memref_slice %arg2[%dma_wait3A_137, %dma_wait3A_138] : memref<10000x128xf32, #tpu.memory_space<hbm>> -> memref<10000x128xf32, #tpu.memory_space<hbm>>
    tpu.wait_indirect_dma semaphore(%arg23 : memref<!tpu.dma_semaphore, #tpu.memory_space<semaphore_mem>>) src(%dma_wait3A_139 : memref<10000x128xf32, #tpu.memory_space<hbm>>) dst(%arg17 : memref<128x128xf32, #tpu.memory_space<vmem>>)
    %min3A_140 = arith.constant 80 : i32
    %min3A_141 = arith.constant 80 : i32
    %min3A_142 = arith.minsi %min3A_140, %min3A_141 : i32
    %mul3A_143 = arith.constant 128 : i32
    %mul3A_144 = arith.muli %min3A_142, %mul3A_143 : i32
    %add3A_145 = arith.addi %mul3A_4, %mul3A_144 : i32
    %mul3A_146 = arith.constant 16 : i32
    %mul3A_147 = arith.muli %add3A_145, %mul3A_146 : i32
    %dma_wait3A_148 = tpu.memref_slice %arg3[%add3A_145] : memref<327808xi32, #tpu.memory_space<hbm>> -> memref<128xi32, #tpu.memory_space<hbm>>
    %dma_wait3A_149 = tpu.memref_slice %arg3[%add3A_145] : memref<327808xi32, #tpu.memory_space<hbm>> -> memref<128xi32, #tpu.memory_space<hbm>>
    tpu.wait_dma2 semaphore(%arg20 : memref<!tpu.dma_semaphore, #tpu.memory_space<semaphore_mem>>) src(%dma_wait3A_149 : memref<128xi32, #tpu.memory_space<hbm>>) dst(%arg8 : memref<128xi32, #tpu.memory_space<vmem>>)
    %dma_wait3A_150 = tpu.memref_slice %arg4[%add3A_145] : memref<327808xi32, #tpu.memory_space<hbm>> -> memref<128xi32, #tpu.memory_space<hbm>>
    %dma_wait3A_151 = tpu.memref_slice %arg4[%add3A_145] : memref<327808xi32, #tpu.memory_space<hbm>> -> memref<128xi32, #tpu.memory_space<hbm>>
    tpu.wait_dma2 semaphore(%arg20 : memref<!tpu.dma_semaphore, #tpu.memory_space<semaphore_mem>>) src(%dma_wait3A_151 : memref<128xi32, #tpu.memory_space<hbm>>) dst(%arg11 : memref<128xi32, #tpu.memory_space<vmem>>)
    %dma_wait3A_152 = tpu.memref_slice %arg5[%mul3A_147] : memref<5244928xf32, #tpu.memory_space<hbm>> -> memref<2048xf32, #tpu.memory_space<hbm>>
    %dma_wait3A_153 = tpu.memref_slice %arg5[%mul3A_147] : memref<5244928xf32, #tpu.memory_space<hbm>> -> memref<2048xf32, #tpu.memory_space<hbm>>
    tpu.wait_dma2 semaphore(%arg20 : memref<!tpu.dma_semaphore, #tpu.memory_space<semaphore_mem>>) src(%dma_wait3A_153 : memref<2048xf32, #tpu.memory_space<hbm>>) dst(%arg14 : memref<2048xf32, #tpu.memory_space<vmem>>)
    %barrier3A_154 = arith.constant 0 : index
    tpu.barrier barrier_id(%barrier3A_154)
    "tpu.region"() ({
      %run_scoped3A = tpu.sem_alloc : memref<!tpu.dma_semaphore, #tpu.memory_space<semaphore_mem>>
      %dma_start3A_155 = arith.constant 0 : i32
      %dma_start3A_156 = tpu.memref_slice %arg7[%arg0, %mul3A_2, %dma_start3A_155] : memref<2x10112x128xf32, #tpu.memory_space<hbm>> -> memref<1x632x128xf32, #tpu.memory_space<hbm>>
      %dma_start3A_157 = tpu.memref_squeeze %dma_start3A_156 : memref<1x632x128xf32, #tpu.memory_space<hbm>> -> memref<632x128xf32, #tpu.memory_space<hbm>>
      %dma_start3A_158 = arith.constant 0 : i32
      %dma_start3A_159 = tpu.memref_slice %arg19[%mul3A_2, %dma_start3A_158] : memref<10112x128xf32, #tpu.memory_space<vmem_shared>> -> memref<632x128xf32, #tpu.memory_space<vmem_shared>>
      tpu.enqueue_dma source(%dma_start3A_159 : memref<632x128xf32, #tpu.memory_space<vmem_shared>>) target(%dma_start3A_157 : memref<632x128xf32, #tpu.memory_space<hbm>>) target_semaphore(%run_scoped3A : memref<!tpu.dma_semaphore, #tpu.memory_space<semaphore_mem>>)
      %dma_wait3A_160 = arith.constant 0 : i32
      %dma_wait3A_161 = tpu.memref_slice %arg7[%arg0, %mul3A_2, %dma_wait3A_160] : memref<2x10112x128xf32, #tpu.memory_space<hbm>> -> memref<1x632x128xf32, #tpu.memory_space<hbm>>
      %dma_wait3A_162 = tpu.memref_squeeze %dma_wait3A_161 : memref<1x632x128xf32, #tpu.memory_space<hbm>> -> memref<632x128xf32, #tpu.memory_space<hbm>>
      %dma_wait3A_163 = arith.constant 0 : i32
      %dma_wait3A_164 = tpu.memref_slice %arg19[%mul3A_2, %dma_wait3A_163] : memref<10112x128xf32, #tpu.memory_space<vmem_shared>> -> memref<632x128xf32, #tpu.memory_space<vmem_shared>>
      tpu.wait_dma2 semaphore(%run_scoped3A : memref<!tpu.dma_semaphore, #tpu.memory_space<semaphore_mem>>) src(%dma_wait3A_164 : memref<632x128xf32, #tpu.memory_space<vmem_shared>>) dst(%dma_wait3A_162 : memref<632x128xf32, #tpu.memory_space<hbm>>)
      tpu.yield
    }) : () -> ()
    return
  }
}

module attributes {stable_mosaic.version = 14 : i64} {
  func.func @_mm_tanh_kernel(%arg0: i32, %arg1: memref<1000x128xf32, #tpu.memory_space<vmem>>, %arg2: memref<128x128xf32, #tpu.memory_space<vmem>>, %arg3: memref<1000x128xf32, #tpu.memory_space<vmem>>) attributes {dimension_semantics = [#tpu.dimension_semantics<arbitrary>], iteration_bounds = array<i64: 10>, scalar_prefetch = 0 : i64, scratch_operands = 0 : i64, tpu.core_type = #tpu.core_type<tc>, window_params = [{transform_indices = @transform_0, window_bounds = array<i64: 1000, 128>}, {pipeline_mode = #tpu.pipeline_mode<synchronous>, transform_indices = @transform_1, window_bounds = array<i64: 128, 128>}, {transform_indices = @transform_2, window_bounds = array<i64: 1000, 128>}]} {
    %get3A = arith.constant 0 : index
    %get3A_0 = arith.constant 0 : index
    %get3A_1 = vector.load %arg1[%get3A, %get3A_0] : memref<1000x128xf32, #tpu.memory_space<vmem>>, vector<1000x128xf32>
    %get3A_2 = arith.constant 0 : index
    %get3A_3 = arith.constant 0 : index
    %get3A_4 = vector.load %arg2[%get3A_2, %get3A_3] : memref<128x128xf32, #tpu.memory_space<vmem>>, vector<128x128xf32>
    %dot_general3A = arith.constant dense<0.000000e+00> : vector<1000x128xf32>
    %dot_general3A_5 = tpu.matmul %get3A_1, %get3A_4, %dot_general3A {dimension_numbers = #tpu.dot_dimension_numbers<[1], [0], [0], [1], [0, 0, 1, 1], [], []>, transpose_lhs_hint = false} : vector<1000x128xf32>, vector<128x128xf32>, vector<1000x128xf32> -> vector<1000x128xf32>
    %tanh3A = math.tanh %dot_general3A_5 : vector<1000x128xf32>
    %swap3A = arith.constant 0 : index
    %swap3A_6 = arith.constant 0 : index
    %swap3A_7 = vector.load %arg3[%swap3A, %swap3A_6] : memref<1000x128xf32, #tpu.memory_space<vmem>>, vector<1000x128xf32>
    tpu.vector_store %arg3[%swap3A, %swap3A_6], %tanh3A {strides = array<i32>} : memref<1000x128xf32, #tpu.memory_space<vmem>>, vector<1000x128xf32>,
    return
  }
  func.func @transform_0(%arg0: i32) -> (i32, i32) {
    %c0_i32 = arith.constant 0 : i32
    %c0_i32_0 = arith.constant 0 : i32
    return %arg0, %c0_i32 : i32, i32
  }
  func.func @transform_1(%arg0: i32) -> (i32, i32) {
    %c0_i32 = arith.constant 0 : i32
    %c0_i32_0 = arith.constant 0 : i32
    %c0_i32_1 = arith.constant 0 : i32
    return %c0_i32, %c0_i32_0 : i32, i32
  }
  func.func @transform_2(%arg0: i32) -> (i32, i32) {
    %c0_i32 = arith.constant 0 : i32
    %c0_i32_0 = arith.constant 0 : i32
    return %arg0, %c0_i32 : i32, i32
  }
}

module attributes {stable_mosaic.version = 14 : i64} {
  func.func @_finish_kernel(%arg0: i32, %arg1: memref<2x1000x128xf32, #tpu.memory_space<vmem>>, %arg2: memref<128xf32, #tpu.memory_space<vmem>>, %arg3: memref<1000x128xf32, #tpu.memory_space<vmem>>) attributes {dimension_semantics = [#tpu.dimension_semantics<arbitrary>], iteration_bounds = array<i64: 10>, scalar_prefetch = 0 : i64, scratch_operands = 0 : i64, tpu.core_type = #tpu.core_type<tc>, window_params = [{transform_indices = @transform_0, window_bounds = array<i64: 2, 1000, 128>}, {pipeline_mode = #tpu.pipeline_mode<synchronous>, transform_indices = @transform_1, window_bounds = array<i64: 128>}, {transform_indices = @transform_2, window_bounds = array<i64: 1000, 128>}]} {
    %get3A = arith.constant 0 : index
    %get3A_0 = arith.constant 0 : index
    %get3A_1 = arith.constant 0 : index
    %get3A_2 = vector.load %arg1[%get3A, %get3A_0, %get3A_1] : memref<2x1000x128xf32, #tpu.memory_space<vmem>>, vector<1x1000x128xf32>
    %get3A_3 = vector.shape_cast %get3A_2 : vector<1x1000x128xf32> to vector<1000x128xf32>
    %get3A_4 = arith.constant 1 : index
    %get3A_5 = arith.constant 0 : index
    %get3A_6 = arith.constant 0 : index
    %get3A_7 = vector.load %arg1[%get3A_4, %get3A_5, %get3A_6] : memref<2x1000x128xf32, #tpu.memory_space<vmem>>, vector<1x1000x128xf32>
    %get3A_8 = vector.shape_cast %get3A_7 : vector<1x1000x128xf32> to vector<1000x128xf32>
    %add3A = arith.addf %get3A_3, %get3A_8 : vector<1000x128xf32>
    %tanh3A = math.tanh %add3A : vector<1000x128xf32>
    %get3A_9 = arith.constant 0 : index
    %get3A_10 = vector.load %arg2[%get3A_9] : memref<128xf32, #tpu.memory_space<vmem>>, vector<128xf32>
    %broadcast_in_dim3A = vector.shape_cast %get3A_10 : vector<128xf32> to vector<1x128xf32>
    %add3A_11 = vector.broadcast %broadcast_in_dim3A : vector<1x128xf32> to vector<1000x128xf32>
    %add3A_12 = arith.addf %tanh3A, %add3A_11 : vector<1000x128xf32>
    %swap3A = arith.constant 0 : index
    %swap3A_13 = arith.constant 0 : index
    %swap3A_14 = vector.load %arg3[%swap3A, %swap3A_13] : memref<1000x128xf32, #tpu.memory_space<vmem>>, vector<1000x128xf32>
    tpu.vector_store %arg3[%swap3A, %swap3A_13], %add3A_12 {strides = array<i32>} : memref<1000x128xf32, #tpu.memory_space<vmem>>, vector<1000x128xf32>,
    return
  }
  func.func @transform_0(%arg0: i32) -> (i32, i32, i32) {
    %c0_i32 = arith.constant 0 : i32
    %c0_i32_0 = arith.constant 0 : i32
    %c0_i32_1 = arith.constant 0 : i32
    return %c0_i32, %arg0, %c0_i32_0 : i32, i32, i32
  }
  func.func @transform_1(%arg0: i32) -> i32 {
    %c0_i32 = arith.constant 0 : i32
    %c0_i32_0 = arith.constant 0 : i32
    return %c0_i32 : i32
  }
  func.func @transform_2(%arg0: i32) -> (i32, i32) {
    %c0_i32 = arith.constant 0 : i32
    %c0_i32_0 = arith.constant 0 : i32
    return %arg0, %c0_i32 : i32, i32
  }
}

</mosaic_0001>

<sc_bundles>
// kernel: kernel.5.cloned.1.call-start
scs
__scs_entry_jumppad:
0x0: {  	(pc) =	sbr.rel $0x88, $3  }
0x1: {  	(tag) =	ssettag $0x0;
	lr =	simm.s32 $0x1  }
0x2: {  	[smem:$0x3F9C] =	sst lr;
	_ =	strace $0xD0000000  }
0x3: {  	_ = 	snop  }
0x4: {  	_ = 	snop  }
0x5: {  	_ = 	snop  }
0x6: {  	_ = 	snop  }
0x7: {  	_ = 	snop  }
__scs_overlays_trampoline_lowered:
0x8: {  	[smem:$0x3FAB] =	sst s0  }
0x9: {  	[smem:$0x3FAC] =	sst s1  }
0xa: {  	[smem:$0x3FAD] =	sst s2  }
0xb: {  	[smem:$0x3FAE] =	sst s3  }
0xc: {  	[smem:$0x3FAF] =	sst s4  }
0xd: {  	[smem:$0x3FB0] =	sst s5  }
0xe: {  	[smem:$0x3FB1] =	sst s6  }
0xf: {  	[smem:$0x3FB2] =	sst s7  }
0x10: {  	[smem:$0x3FB3] =	sst s8  }
0x11: {  	[smem:$0x3FB4] =	sst s9;
	s0 =	simm.s32 @!p0 $0x0  }
0x12: {  	s1 =	sld [smem:$0x3F9A];
	s0 =	simm.s32 @p0 $0x1  }
0x13: {  	[smem:$0x3FB5] =	sst s0;
	s0 =	simm.s32 @!p1 $0x0  }
0x14: {  	s2 =	sld [smem:$0x3F99];
	s0 =	simm.s32 @p1 $0x1  }
0x15: {  	[smem:$0x3FB6] =	sst s0;
	s0 =	simm.s32 @!p2 $0x0  }
0x16: {  	s3 =	sld [smem:$0x3FDB];
	s0 =	simm.s32 @p2 $0x1  }
0x17: {  	s4 =	simm.s32 $0x1BF5;
	[smem:$0x3FB8] =	sst s0  }
0x18: {  	s0 =	sld [smem:$0x3F9B];
	_ =	swait.ge [sflag:s4], $0x0  }
0x19: {  	s7 =	sld [smem:$0x3F9C]  }
0x1a: {  	s8 =	sadd.s32 $0xFFFFE003, lr  }
0x1b: {  	s9 =	sadd.s32 $0xFFFFFEF7, lr;
	s5 =	simm.s32 $0xFFFFFFFF;
	p2 =	slt.u32 s8, $0xFFFFF086  }
0x1c: {  	p1 =	slt.u32 s9, $0xF7A;
	s5 =	simm.s32 @!p2 $0x0  }
0x1d: {  	s5 =	simm.s32 @p1 $0x1;
	p0 =	seq.s32 s7, s2  }
0x1e: {  	s7 =	smul.u32 @!p0 $0xF7A, s2;
	p2 =	seq.s32 @!p0 s5, $0x0  }
0x1f: {  	s9 =	smul.u32 $0xF7A, s1;
	s8 =	simm.s32 @!p0 $0x1BF5;
	p2 =	por !p2, p0  }
0x20: {  	[sflag:s8] =	ssyncset.s32 @!p0 $0xFFFFF086;
	s6 =	sadd.s32 @!p0 s3, s7;
	s7 =	simm.s32 @!p0 $0x108  }
0x21: {  	s3 =	sadd.s32 s3, s9;
	s6 =	sadd.s32 @!p0 $0x88, s6;
	s7 =	simm.s32 @p2 $0x1082  }
0x22: {  	[simem:s7], [sflag:s8] =	dma.local @!p0 [hbm:s6], $0xF7A  }
0x23: {  	s9 =	sor.u32 $0xD0000000, s2;
	s6 =	simm.s32 $0x108;
	_ =	swait.ge @!p0 [sflag:s8], $0x0  }
0x24: {  	s3 =	sadd.s32 $0x88, s3;
	s6 =	simm.s32 @!p1 $0x1082;
	[sflag:s4] =	ssyncset.s32 $0xFFFFF086  }
0x25: {  	[simem:s6], [sflag:s4] =	dma.local [hbm:s3], $0xF7A  }
0x26: {  	[smem:$0x3F9C] =	sst s1;
	(tag) =	ssettag s2;
	_ =	strace s9  }
0x27: {  	s1 =	sld [smem:$0x3FAC]  }
0x28: {  	s2 =	sld [smem:$0x3FAD]  }
0x29: {  	s4 =	sld [smem:$0x3FAF]  }
0x2a: {  	p0 =	seq.s32 s5, $0x0;
	s5 =	sld [smem:$0x3FB0]  }
0x2b: {  	s6 =	sld [smem:$0x3FB1]  }
0x2c: {  	s7 =	sld [smem:$0x3FB2]  }
0x2d: {  	s3 =	simm.s32 $0x108;
	s8 =	sld [smem:$0x3FB3]  }
0x2e: {  	s3 =	simm.s32 @!p0 $0x1082;
	s9 =	sld [smem:$0x3FB4]  }
0x2f: {  	lr =	sadd.s32 s0, s3;
	s0 =	sld [smem:$0x3FAB]  }
0x30: {  	s3 =	sld [smem:$0x3FAE]  }
0x31: {  	[smem:$0x3FB7] =	sst s10  }
0x32: {  	s10 =	sld [smem:$0x3FB5];
	_ =	sdelay $0x3  }
0x33: {  	p0 =	seq.s32 s10, $0x1;
	s10 =	sld [smem:$0x3FB7];
	_ =	sdelay $0x3  }
0x34: {  	[smem:$0x3FB7] =	sst s10  }
0x35: {  	s10 =	sld [smem:$0x3FB6];
	_ =	sdelay $0x3  }
0x36: {  	p1 =	seq.s32 s10, $0x1;
	s10 =	sld [smem:$0x3FB7];
	_ =	sdelay $0x3  }
0x37: {  	[smem:$0x3FB7] =	sst s10  }
0x38: {  	s10 =	sld [smem:$0x3FB8]  }
0x39: {  	_ = 	snop;
	(pc) =	sbr.ind lr, $3  }
0x3a: {  	_ = 	snop  }
0x3b: {  	_ = 	snop  }
0x3c: {  	p2 =	seq.s32 s10, $0x1;
	s10 =	sld [smem:$0x3FB7]  }
0x3d: {  	_ =	shalt  }
0x3e: {  	_ =	shalt  }
0x3f: {  	_ =	shalt  }
0x40: {  	_ =	shalt  }
0x41: {  	_ =	shalt  }
0x42: {  	_ =	shalt  }
0x43: {  	_ =	shalt  }
0x44: {  	_ =	shalt  }
0x45: {  	_ =	shalt  }
0x46: {  	_ =	shalt  }
0x47: {  	_ =	shalt  }
0x48: {  	_ =	shalt  }
0x49: {  	_ =	shalt  }
0x4a: {  	_ =	shalt  }
0x4b: {  	_ =	shalt  }
0x4c: {  	_ =	shalt  }
0x4d: {  	_ =	shalt  }
0x4e: {  	_ =	shalt  }
0x4f: {  	_ =	shalt  }
0x50: {  	_ =	shalt  }
0x51: {  	_ =	shalt  }
0x52: {  	_ =	shalt  }
0x53: {  	_ =	shalt  }
0x54: {  	_ =	shalt  }
0x55: {  	_ =	shalt  }
0x56: {  	_ =	shalt  }
0x57: {  	_ =	shalt  }
0x58: {  	_ =	shalt  }
0x59: {  	_ =	shalt  }
0x5a: {  	_ =	shalt  }
0x5b: {  	_ =	shalt  }
0x5c: {  	_ =	shalt  }
0x5d: {  	_ =	shalt  }
0x5e: {  	_ =	shalt  }
0x5f: {  	_ =	shalt  }
0x60: {  	_ =	shalt  }
0x61: {  	_ =	shalt  }
0x62: {  	_ =	shalt  }
0x63: {  	_ =	shalt  }
0x64: {  	_ =	shalt  }
0x65: {  	_ =	shalt  }
0x66: {  	_ =	shalt  }
0x67: {  	_ =	shalt  }
0x68: {  	_ =	shalt  }
0x69: {  	_ =	shalt  }
0x6a: {  	_ =	shalt  }
0x6b: {  	_ =	shalt  }
0x6c: {  	_ =	shalt  }
0x6d: {  	_ =	shalt  }
0x6e: {  	_ =	shalt  }
0x6f: {  	_ =	shalt  }
0x70: {  	_ =	shalt  }
0x71: {  	_ =	shalt  }
0x72: {  	_ =	shalt  }
0x73: {  	_ =	shalt  }
0x74: {  	_ =	shalt  }
0x75: {  	_ =	shalt  }
0x76: {  	_ =	shalt  }
0x77: {  	_ =	shalt  }
0x78: {  	_ =	shalt  }
0x79: {  	_ =	shalt  }
0x7a: {  	_ =	shalt  }
0x7b: {  	_ =	shalt  }
0x7c: {  	_ =	shalt  }
0x7d: {  	_ =	shalt  }
0x7e: {  	_ =	shalt  }
0x7f: {  	_ =	shalt  }
0x80: {  	_ =	shalt  }
0x81: {  	_ =	shalt  }
0x82: {  	_ =	shalt  }
0x83: {  	_ =	shalt  }
0x84: {  	_ =	shalt  }
0x85: {  	_ =	shalt  }
0x86: {  	_ =	shalt  }
0x87: {  	_ =	shalt  }
.Lfunc_end0:
.L_simem_size_0:
called_computation_lowered:
.L_overlay_start_0:
0x88: {  	s2 =	sld [smem:$0x3FD9]  }
0x89: {  	s3 =	sld [smem:$0x3FFE];
	_ =	sdelay $0x1  }
0x8a: {  	s1 =	srdreg.scid  }
0x8b: {  	s0 =	sand.u32 $0x1, s1  }
0x8c: {  	s17 =	sshll.u32 s0, $0xA;
	s2 =	sadd.s32 s3, s2  }
0x8d: {  	s2 =	sadd.s32 s2, s17  }
0x8e: {  	[smem:$0x3FC3] =	sst s2  }
0x8f: {  	_ = 	snop  }
0x90: {  	s2 =	sld [smem:$0x3FD0];
	(tm) =	ssettm $0x1  }
0x91: {  	s18 =	sld [smem:$0x3FFB];
	_ =	sdelay $0x3  }
0x92: {  	_ =	strace s18  }
0x93: {  	s3 =	sld [smem:$0x3FFC];
	_ =	sdelay $0x3  }
0x94: {  	_ =	strace s3  }
0x95: {  	s3 =	sld [smem:$0x3FFD];
	_ =	sdelay $0x3  }
0x96: {  	_ =	strace s3  }
0x97: {  	_ =	strace $0x8FFFFFFF  }
0x98: {  	s19 =	sld [smem:$0x3FDB];
	_ =	sdelay $0x1  }
0x99: {  	s4 =	simm.s32 $_scs_section_size  }
0x9a: {  	s5 =	simm.s32 $_size__tile_overlayer_lowered;
	s6 =	simm.s32 $_tile_overlayer_lowered  }
0x9b: {  	s22 =	simm.s32 $0x1BFF;
	s21 =	sshll.u32 s6, $0x1;
	s3 =	sadd.s32 s4, s19  }
0x9c: {  	s7 =	simm.s32 $0x0;
	s20 =	sshll.u32 s5, $0x1;
	s5 =	sadd.s32 s21, s3  }
0x9d: {  	[timem:s7], [sflag:s22] =	dma.local [hbm:s5], s20  }
0x9e: {  	_ =	swait.ge [sflag:s22], s20  }
0x9f: {  	s4 =	ssub.s32 $0x0, s20;
	[sflag:s22] =	ssyncset.done $0x0  }
0xa0: {  	[sflag:s22] =	ssyncadd.s32 s4;
	_ =	sdelay $0x1  }
0xa1: {  	s23 =	simm.s32 $0x1B8B  }
0xa2: {  	_ =	swait.ge [sflag:s23], $0x1  }
0xa3: {  	[sflag:s23] =	ssyncset.done $0x0  }
0xa4: {  	s25 =	simm.s32 $0x1B8E;
	s24 =	sld [smem:$0x3FFE];
	[sflag:s23] =	ssyncadd.s32 $0xFFFFFFFF  }
0xa5: {  	s26 =	simm.s32 $execute0_lowered;
	[smem:$0x3FD2] =	sst s25  }
0xa6: {  	s5 =	sshll.u32 s26, $0x1;
	_ =	strace $0x80000046;
	[dreg:$0x1] =	wrdreg $0xFFFFFFFF  }
0xa7: {  	s28 =	simm.s32 $_size_execute0_lowered;
	s3 =	sadd.s32 s3, s5;
	[dreg:$0x0] =	wrdreg $0x0  }
0xa8: {  	s5 =	sshll.u32 s28, $0x1;
	[dreg:$0x2] =	wrdreg s3  }
0xa9: {  	[dreg:$0x3] =	wrdreg s5  }
0xaa: {  	[dreg:$0x4] =	wrdreg $0xC0  }
0xab: {  	_ =	task [dreg:s7], $0x5FFFF  }
0xac: {  	[dreg:$0x1] =	wrdreg $0xFFFFFFFF  }
0xad: {  	[dreg:$0x0] =	wrdreg $0x60  }
0xae: {  	[dreg:$0x2] =	wrdreg s2  }
0xaf: {  	[dreg:$0x3] =	wrdreg s24  }
0xb0: {  	[dreg:$0x4] =	wrdreg $0x9B000  }
0xb1: {  	[dreg:$0x5] =	wrdreg $0x9  }
0xb2: {  	_ =	task.clear_ibuf [dreg:s7], $0x6FFFF;
	_ =	strace $0x90000046  }
0xb3: {  	s29 =	simm.s32 $0x9;
	_ =	strace $0x80000048  }
0xb4: {  	_ =	swait.ge [sflag:s29], $0x1  }
0xb5: {  	[sflag:s29] =	ssyncadd.s32 $0xFFFFFFFF  }
0xb6: {  	_ =	strace $0x90000048  }
0xb7: {  	_ =	sfence  }
0xb8: {  	s30 =	sld [smem:$0x0];
	_ =	sdelay $0x2  }
0xb9: {  	s31 =	sshll.u32 s1, $0xD;
	s1 =	sshrl.u32 s1, $0x2  }
0xba: {  	s3 =	sand.u32 $0x4000, s31;
	s1 =	sadd.s32 s1, s30  }
0xbb: {  	s0 =	sor.u32 s3, s0;
	s1 =	sshll.u32 s1, $0x11  }
0xbc: {  	s0 =	sor.u32 s1, s0  }
0xbd: {  	s0 =	sadd.s32 $0x8F2B, s0  }
0xbe: {  	[sflag:s0] =	ssyncadd.remote.s32 $0x1  }
0xbf: {  	_ =	sfence.sel $0xFFFF  }
0xc0: {  	[dreg:$0x0] =	wrdreg $0xFFFFFFFF;
	(pc) =	sbr.abs _section_cstart, $3  }
0xc1: {  	[dreg:$0x1] =	wrdreg $0xFFFFFFFF  }
0xc2: {  	_ =	task.clear_ibuf [dreg:s7], $0x2FFFF;
	_ =	strace $0x9FFFFFFF  }
0xc3: {  	(tm) =	ssettm $0x7FFFFFFF  }
tec
execute0_lowered:
.L_overlay_start_1:
0x0: {  	(tag) =	ssettag $0x1  }
0x1: {  	s1 =	rddreg [dreg:$0x0]  }
0x2: {  	s0 =	rddreg [dreg:$0x1]  }
0x3: {  	s2 =	rddreg [dreg:$0x2];
	s3 =	srdreg.scid  }
0x4: {  	s4 =	simm.s32 $0x0;
	s12 =	stileid.u32;
	s30 =	simm.s32 $0x5  }
0x5: {  	s31 =	simm.s32 $0x7;
	s3 =	sand.u32 $0x1, s3;
	[smem:$0x7FF] =	sst s4  }
0x6: {  	s9 =	smul.u32 $0x13C00, s12;
	s5 =	sadd.s32 $0x1000, s0;
	s6 =	sadd.s32 $0xB200, s0  }
0x7: {  	s7 =	sadd.s32 $0x501800, s0;
	s10 =	sadd.s32 $0x15400, s0;
	s14 =	smul.u32 $0x4F000, s12  }
0x8: {  	s18 =	sshll.u32 s12, $0x6;
	s8 =	smul.u32 $0x13C000, s3;
	_ =	strace $0x80000047  }
0x9: {  	[dreg:$0x4] =	wrdreg s10;
	s13 =	sshll.u32 s3, $0x4;
	s3 =	ssub.s32 $0x2, s3  }
0xa: {  	s23 =	sor.u32 $0x1C08, s18;
	s15 =	sor.u32 s12, s13;
	s16 =	sshrl.u32 s3, $0x1  }
0xb: {  	s10 =	sshrl.u32 s14, $0x2;
	s12 =	simm.s32 $0x1B00;
	[dreg:$0x6] =	wrdreg s23  }
0xc: {  	s8 =	sadd.s32 s9, s8;
	s11 =	smul.u32 $0x2800, s15;
	s3 =	ssub.s32 s3, s16  }
0xd: {  	s17 =	sadd.s32 s10, s2;
	s10 =	simm.s32 $0x8;
	s8 =	sshrl.u32 s8, $0x3  }
0xe: {  	[dreg:$0x5] =	wrdreg s17;
	s0 =	sadd.s32 s8, s0;
	s19 =	sshrl.u32 s11, $0x3  }
0xf: {  	s8 =	smul.u32 $0x5000, s15;
	s21 =	sor.u32 $0x80, s11;
	s24 =	sor.u32 $0x100, s11  }
0x10: {  	s17 =	sor.u32 $0x180, s11;
	s28 =	sor.u32 $0x400, s11;
	s29 =	sor.u32 $0x480, s11  }
0x11: {  	s20 =	sadd.s32 s5, s19;
	s9 =	sadd.s32 s6, s19;
	s22 =	sshrl.u32 s21, $0x3  }
0x12: {  	s26 =	sshrl.u32 s24, $0x3;
	s16 =	sshll.u32 s24, $0x1;
	[dreg:$0x7] =	wrdreg s20  }
0x13: {  	s18 =	sshrl.u32 s17, $0x3;
	s24 =	sor.u32 $0x300, s11;
	[dreg:$0x8] =	wrdreg s9  }
0x14: {  	s0 =	sadd.s32 $0x17C00, s0;
	s8 =	sadd.s32 s7, s8;
	[dreg:$0x15] =	wrdreg s24  }
0x15: {  	s25 =	sadd.s32 s5, s22;
	s9 =	sshll.u32 s21, $0x1;
	[dreg:$0x17] =	wrdreg s0  }
0x16: {  	s14 =	sadd.s32 s5, s26;
	s15 =	sadd.s32 s6, s26;
	[dreg:$0x9] =	wrdreg s8  }
0x17: {  	s19 =	sadd.s32 s5, s18;
	s21 =	sor.u32 $0x200, s11;
	[dreg:$0xa] =	wrdreg s25  }
0x18: {  	s26 =	smax.u32 s3, $0x1;
	s3 =	simm.s32 $0x180;
	[dreg:$0xd] =	wrdreg s14  }
0x19: {  	s24 =	simm.s32 $0x0;
	s8 =	sadd.s32 s6, s22;
	[dreg:$0xe] =	wrdreg s15  }
0x1a: {  	s13 =	sadd.s32 s7, s9;
	s9 =	sshll.u32 s17, $0x1;
	[dreg:$0x10] =	wrdreg s19  }
0x1b: {  	[dreg:$0x13] =	wrdreg s21;
	s22 =	sor.u32 $0x280, s11;
	s25 =	sor.u32 $0x380, s11  }
0x1c: {  	[dreg:$0x18] =	wrdreg s26;
	s11 =	simm.s32 $0x80;
	s14 =	simm.s32 $0xB00  }
0x1d: {  	s15 =	simm.s32 $0x2;
	s17 =	simm.s32 $0x100;
	[dreg:$0xb] =	wrdreg s8  }
0x1e: {  	s19 =	simm.s32 $0x1300;
	s21 =	simm.s32 $0x6;
	[dreg:$0xc] =	wrdreg s13  }
0x1f: {  	s8 =	sadd.s32 s7, s16;
	s20 =	sadd.s32 s7, s9;
	[dreg:$0x14] =	wrdreg s22  }
0x20: {  	[dreg:$0x16] =	wrdreg s25;
	s9 =	simm.s32 $0x1;
	s13 =	simm.s32 $0x200  }
0x21: {  	s16 =	simm.s32 $0x5B00;
	s22 =	simm.s32 $0x3;
	[dreg:$0xf] =	wrdreg s8  }
0x22: {  	s8 =	sadd.s32 s6, s18;
	[dreg:$0x12] =	wrdreg s20;
	s18 =	simm.s32 $0x280  }
0x23: {  	s20 =	simm.s32 $0x4;
	[dreg:$0x11] =	wrdreg s8;
	s8 =	simm.s32 $0x300  }
.LBB2_1:
0x24: {  	[dreg:$0x19] =	wrdreg s24  }
0x25: {  	s0 =	rddreg [dreg:$0x5]  }
0x26: {  	s26 =	rddreg [dreg:$0x4];
	s25 =	sshrl.u32 s0, $0x3  }
0x27: {  	[dreg:$0x1a] =	wrdreg s25  }
0x28: {  	[spmem:s25], [sflag:s23] =	dma.local [hbm:s26], $0x2780  }
0x29: {  	_ =	swait.ge [sflag:s10], $0x2780  }
0x2a: {  	[sflag:s10] =	ssyncset.done $0x0  }
0x2b: {  	[sflag:s10] =	ssyncadd.s32 $0xFFFFD880  }
0x2c: {  	[bflag:$0x0] =	sbarrier.arrive $0xFFFF  }
0x2d: {  	s10 =	rddreg [dreg:$0x7]  }
0x2e: {  	[tilespmem:s4], [sflag:$0x1] =	stream.linear.gather [hbm4b:s10+s4], $0x80, $0x38;
	[tilespmem:$0x1D700] =	vst v63  }
0x2f: {  	s23 =	rddreg [dreg:$0x8]  }
0x30: {  	[tilespmem:s3], [sflag:$0x1] =	stream.linear.gather [hbm4b:s23+s4], $0x80, $0x38;
	[tilespmem:$0x1D700] =	vst v63  }
0x31: {  	s24 =	rddreg [dreg:$0x9]  }
0x32: {  	[tilespmem:s8], [sflag:$0x1] =	stream.linear.gather [hbm4b:s24+s4], $0x800, $0x38;
	[tilespmem:$0x1D700] =	vst v63  }
0x33: {  	_ =	swait.ge [sflag:s9], $0x80  }
0x34: {  	[sflag:s9] =	ssyncset.done $0x0  }
0x35: {  	[sflag:s9] =	ssyncadd.s32 $0xFFFFFF80  }
0x36: {  	_ =	swait.ge [sflag:s9], $0x80  }
0x37: {  	[sflag:s9] =	ssyncset.done $0x0  }
0x38: {  	[sflag:s9] =	ssyncadd.s32 $0xFFFFFF80  }
0x39: {  	_ =	swait.ge [sflag:s9], $0x800  }
0x3a: {  	[sflag:s9] =	ssyncset.done $0x0  }
0x3b: {  	[sflag:s9] =	ssyncadd.s32 $0xFFFFF800  }
0x3c: {  	[tilespmem:s12], [sflag:$0x4] =	stream.indirect.gather [hbm4b:s1+s11], $0x80, s4, s11, $0xb8;
	[tilespmem:$0x1D700] =	vst v63  }
0x3d: {  	s25 =	rddreg [dreg:$0xa]  }
0x3e: {  	[tilespmem:s11], [sflag:$0x2] =	stream.linear.gather [hbm4b:s25+s4], $0x80, $0x38;
	[tilespmem:$0x1D700] =	vst v63  }
0x3f: {  	s26 =	rddreg [dreg:$0xb]  }
0x40: {  	[tilespmem:s13], [sflag:$0x2] =	stream.linear.gather [hbm4b:s26+s4], $0x80, $0x38;
	[tilespmem:$0x1D700] =	vst v63  }
0x41: {  	s10 =	rddreg [dreg:$0xc]  }
0x42: {  	[tilespmem:s14], [sflag:$0x2] =	stream.linear.gather [hbm4b:s10+s4], $0x800, $0x38;
	[tilespmem:$0x1D700] =	vst v63  }
0x43: {  	_ =	swait.ge [sflag:s15], $0x80  }
0x44: {  	[sflag:s15] =	ssyncset.done $0x0  }
0x45: {  	[sflag:s15] =	ssyncadd.s32 $0xFFFFFF80  }
0x46: {  	_ =	swait.ge [sflag:s15], $0x80  }
0x47: {  	[sflag:s15] =	ssyncset.done $0x0  }
0x48: {  	[sflag:s15] =	ssyncadd.s32 $0xFFFFFF80  }
0x49: {  	_ =	swait.ge [sflag:s15], $0x800  }
0x4a: {  	[sflag:s15] =	ssyncset.done $0x0  }
0x4b: {  	[sflag:s15] =	ssyncadd.s32 $0xFFFFF800  }
0x4c: {  	[tilespmem:s16], [sflag:$0x5] =	stream.indirect.gather [hbm4b:s1+s11], $0x80, s11, s11, $0xb8;
	[tilespmem:$0x1D700] =	vst v63  }
0x4d: {  	s23 =	rddreg [dreg:$0xd]  }
0x4e: {  	[tilespmem:s17], [sflag:$0x3] =	stream.linear.gather [hbm4b:s23+s4], $0x80, $0x38;
	[tilespmem:$0x1D700] =	vst v63  }
0x4f: {  	s24 =	rddreg [dreg:$0xe]  }
0x50: {  	[tilespmem:s18], [sflag:$0x3] =	stream.linear.gather [hbm4b:s24+s4], $0x80, $0x38;
	[tilespmem:$0x1D700] =	vst v63  }
0x51: {  	s25 =	rddreg [dreg:$0xf]  }
0x52: {  	[tilespmem:s19], [sflag:$0x3] =	stream.linear.gather [hbm4b:s25+s4], $0x800, $0x38;
	[tilespmem:$0x1D700] =	vst v63  }
0x53: {  	_ =	swait.ge [sflag:s20], $0x4000  }
0x54: {  	[sflag:s20] =	ssyncset.done $0x0  }
0x55: {  	s26 =	simm.s32 $0x310;
	[sflag:s20] =	ssyncadd.s32 $0xFFFFC000  }
0x56: {  	s0 =	simm.s32 $0x1B80;
	v5 =	vld [tilespmem:s26+$0x0]  }
0x57: {  	v1 =	vld [tilespmem:s0+$0x70]  }
0x58: {  	v6 =	vld [tilespmem:s0+$0xFFFFFF80]  }
0x59: {  	v7 =	vld [tilespmem:s0+$0xFFFFFF90]  }
0x5a: {  	v8 =	vld [tilespmem:s0+$0xFFFFFFA0]  }
0x5b: {  	v2 =	vld [tilespmem:s0+$0xFFFFFFB0]  }
0x5c: {  	v0 =	vld [tilespmem:s0+$0xFFFFFFC0]  }
0x5d: {  	v3 =	vld [tilespmem:s0+$0xFFFFFFE0]  }
0x5e: {  	v9 =	vld [tilespmem:s0+$0x0]  }
0x5f: {  	v14 =	vld [tilespmem:s0+$0x10]  }
0x60: {  	v15 =	vld [tilespmem:s0+$0x20]  }
0x61: {  	v13 =	vld [tilespmem:s0+$0x30]  }
0x62: {  	v11 =	vld [tilespmem:s0+$0x40]  }
0x63: {  	v12 =	vld [tilespmem:s0+$0x50]  }
0x64: {  	v10 =	vld [tilespmem:s0+$0x60];
	v4 =	vmul.f32 v1, v5  }
0x65: {  	v1 =	vld [tilespmem:s0+$0xFFFFFFD0];
	v16 =	vmul.f32 v9, v5  }
0x66: {  	v14 =	vmul.f32 v14, v5;
	v9 =	vld [tilespmem:s26+$0xFFFFFFF0];
	[tilespmem:s0+$0x70] =	vst v4  }
0x67: {  	s10 =	simm.s32 $0x0;
	s23 =	simm.s32 $0x330;
	s24 =	simm.s32 $0x1B80;
	v15 =	vmul.f32 v15, v5;
	v4 =	vld [tilespmem:s0+$0xFFFFFFF0];
	[tilespmem:s0+$0x0] =	vst v16  }
.LBB2_2:
0x68: {  	v16 =	vld [tilespmem:s23+$0x0];
	[tilespmem:s0+$0x10] =	vst v14;
	v13 =	vmul.f32 v13, v5;
	s24 =	sadd.s32 $0x100, s24  }
0x69: {  	s10 =	sadd.s32 $0x2, s10;
	v14 =	vld [tilespmem:s24+$0x70];
	[tilespmem:s0+$0x20] =	vst v15;
	v11 =	vmul.f32 v11, v5  }
0x6a: {  	p0 =	slt.u32 s10, $0x7E;
	v15 =	vld [tilespmem:s24+$0xFFFFFF80];
	[tilespmem:s0+$0x30] =	vst v13;
	v12 =	vmul.f32 v12, v5  }
0x6b: {  	v13 =	vld [tilespmem:s24+$0xFFFFFF90];
	[tilespmem:s0+$0x40] =	vst v11;
	v17 =	vmul.f32 v10, v5  }
0x6c: {  	v10 =	vld [tilespmem:s24+$0xFFFFFFA0];
	v18 =	vmul.f32 v6, v9;
	v7 =	vmul.f32 v7, v9;
	[tilespmem:s0+$0x50] =	vst v12  }
0x6d: {  	v8 =	vmul.f32 v8, v9;
	v11 =	vmul.f32 v2, v9;
	v2 =	vld [tilespmem:s24+$0xFFFFFFB0];
	[tilespmem:s0+$0x60] =	vst v17;
	v5 =	vmov v16  }
0x6e: {  	v12 =	vmul.f32 v14, v5;
	[tilespmem:s0+$0xFFFFFF80] =	vst v18;
	v14 =	vmul.f32 v0, v9;
	v0 =	vld [tilespmem:s24+$0xFFFFFFC0]  }
0x6f: {  	v16 =	vmul.f32 v1, v9;
	v17 =	vmul.f32 v3, v9;
	[tilespmem:s0+$0xFFFFFF90] =	vst v7;
	v1 =	vld [tilespmem:s24+$0xFFFFFFD0];
	v6 =	vmov v15  }
0x70: {  	v9 =	vmul.f32 v4, v9;
	v3 =	vld [tilespmem:s24+$0xFFFFFFE0];
	[tilespmem:s24+$0x70] =	vst v12;
	v7 =	vmov v13  }
0x71: {  	v4 =	vld [tilespmem:s24+$0xFFFFFFF0];
	[tilespmem:s0+$0xFFFFFFA0] =	vst v8;
	v8 =	vmov v10  }
0x72: {  	v10 =	vld [tilespmem:s24+$0x0];
	[tilespmem:s0+$0xFFFFFFB0] =	vst v11  }
0x73: {  	v15 =	vld [tilespmem:s24+$0x10];
	[tilespmem:s0+$0xFFFFFFC0] =	vst v14  }
0x74: {  	v18 =	vld [tilespmem:s24+$0x20];
	[tilespmem:s0+$0xFFFFFFD0] =	vst v16  }
.Ltmp0:
0x75: {  	v13 =	vld [tilespmem:s24+$0x30];
	[tilespmem:s0+$0xFFFFFFE0] =	vst v17;
	(pc) =	sbr.rel @p0 .LBB2_2-.Ltmp0, $4  }
0x76: {  	v11 =	vld [tilespmem:s24+$0x40];
	[tilespmem:s0+$0xFFFFFFF0] =	vst v9;
	s0 =	smov.u32 s24  }
0x77: {  	v16 =	vmul.f32 v10, v5;
	v12 =	vld [tilespmem:s24+$0x50]  }
0x78: {  	v14 =	vmul.f32 v15, v5;
	v10 =	vld [tilespmem:s24+$0x60]  }
0x79: {  	v9 =	vld [tilespmem:s23+$0xFFFFFFF0];
	[tilespmem:s24+$0x0] =	vst v16;
	v15 =	vmul.f32 v18, v5;
	s23 =	sadd.s32 $0x20, s23  }
0x7a: {  	[tilespmem:s0+$0x10] =	vst v14;
	v13 =	vmul.f32 v13, v5  }
0x7b: {  	[tilespmem:s0+$0x20] =	vst v15;
	v11 =	vmul.f32 v11, v5  }
0x7c: {  	[tilespmem:s0+$0x30] =	vst v13;
	v12 =	vmul.f32 v12, v5  }
0x7d: {  	[tilespmem:s0+$0x40] =	vst v11;
	v5 =	vmul.f32 v10, v5  }
0x7e: {  	v6 =	vmul.f32 v6, v9;
	[tilespmem:s0+$0x50] =	vst v12  }
0x7f: {  	v7 =	vmul.f32 v7, v9;
	[tilespmem:s0+$0x60] =	vst v5  }
0x80: {  	v2 =	vmul.f32 v2, v9;
	[tilespmem:s0+$0xFFFFFF80] =	vst v6  }
0x81: {  	v0 =	vmul.f32 v0, v9;
	[tilespmem:s0+$0xFFFFFF90] =	vst v7  }
0x82: {  	v1 =	vmul.f32 v1, v9;
	[tilespmem:s0+$0xFFFFFFB0] =	vst v2  }
0x83: {  	v5 =	vmul.f32 v8, v9;
	[tilespmem:s0+$0xFFFFFFC0] =	vst v0  }
0x84: {  	v2 =	vmul.f32 v3, v9;
	[tilespmem:s0+$0xFFFFFFD0] =	vst v1  }
0x85: {  	v0 =	vmul.f32 v4, v9;
	[tilespmem:s0+$0xFFFFFFA0] =	vst v5  }
0x86: {  	[tilespmem:s0+$0xFFFFFFE0] =	vst v2  }
0x87: {  	[tilespmem:s0+$0xFFFFFFF0] =	vst v0  }
0x88: {  	[spmem:s2] =	stream.indirect.scatter.add.f32 [tilespmem:s12], [sflag:$0x6], $0x80, s3, s11, $0xb8;
	[tilespmem:$0x1D700] =	vst v63  }
0x89: {  	_ =	swait.ge [sflag:s21], $0x4000  }
0x8a: {  	[sflag:s21] =	ssyncset.done $0x0  }
0x8b: {  	s24 =	rddreg [dreg:$0x10];
	[sflag:s21] =	ssyncadd.s32 $0xFFFFC000  }
0x8c: {  	[tilespmem:s4], [sflag:$0x1] =	stream.linear.gather [hbm4b:s24+s4], $0x80, $0x38;
	[tilespmem:$0x1D700] =	vst v63  }
0x8d: {  	s25 =	rddreg [dreg:$0x11]  }
0x8e: {  	[tilespmem:s3], [sflag:$0x1] =	stream.linear.gather [hbm4b:s25+s4], $0x80, $0x38;
	[tilespmem:$0x1D700] =	vst v63  }
0x8f: {  	s26 =	rddreg [dreg:$0x12]  }
0x90: {  	[tilespmem:s8], [sflag:$0x1] =	stream.linear.gather [hbm4b:s26+s4], $0x800, $0x38;
	[tilespmem:$0x1D700] =	vst v63  }
0x91: {  	_ =	swait.ge [sflag:s22], $0x80  }
0x92: {  	[sflag:s22] =	ssyncset.done $0x0  }
0x93: {  	[sflag:s22] =	ssyncadd.s32 $0xFFFFFF80  }
0x94: {  	_ =	swait.ge [sflag:s22], $0x80  }
0x95: {  	[sflag:s22] =	ssyncset.done $0x0  }
0x96: {  	[sflag:s22] =	ssyncadd.s32 $0xFFFFFF80  }
0x97: {  	_ =	swait.ge [sflag:s22], $0x800  }
0x98: {  	[sflag:s22] =	ssyncset.done $0x0  }
0x99: {  	[sflag:s22] =	ssyncadd.s32 $0xFFFFF800  }
0x9a: {  	[tilespmem:s12], [sflag:$0x4] =	stream.indirect.gather [hbm4b:s1+s11], $0x80, s17, s11, $0xb8;
	[tilespmem:$0x1D700] =	vst v63  }
0x9b: {  	_ =	swait.ge [sflag:s30], $0x4000  }
0x9c: {  	[sflag:s30] =	ssyncset.done $0x0  }
0x9d: {  	s23 =	simm.s32 $0xB10;
	[sflag:s30] =	ssyncadd.s32 $0xFFFFC000  }
0x9e: {  	s0 =	simm.s32 $0x5B80;
	v5 =	vld [tilespmem:s23+$0x0]  }
0x9f: {  	v1 =	vld [tilespmem:s0+$0x70]  }
0xa0: {  	v6 =	vld [tilespmem:s0+$0xFFFFFF80]  }
0xa1: {  	v7 =	vld [tilespmem:s0+$0xFFFFFF90]  }
0xa2: {  	v8 =	vld [tilespmem:s0+$0xFFFFFFA0]  }
0xa3: {  	v2 =	vld [tilespmem:s0+$0xFFFFFFB0]  }
0xa4: {  	v0 =	vld [tilespmem:s0+$0xFFFFFFC0]  }
0xa5: {  	v3 =	vld [tilespmem:s0+$0xFFFFFFE0]  }
0xa6: {  	v9 =	vld [tilespmem:s0+$0x0]  }
0xa7: {  	v14 =	vld [tilespmem:s0+$0x10]  }
0xa8: {  	v15 =	vld [tilespmem:s0+$0x20]  }
0xa9: {  	v13 =	vld [tilespmem:s0+$0x30]  }
0xaa: {  	v11 =	vld [tilespmem:s0+$0x40]  }
0xab: {  	v12 =	vld [tilespmem:s0+$0x50]  }
0xac: {  	v10 =	vld [tilespmem:s0+$0x60];
	v4 =	vmul.f32 v1, v5  }
0xad: {  	v1 =	vld [tilespmem:s0+$0xFFFFFFD0];
	v16 =	vmul.f32 v9, v5  }
0xae: {  	v14 =	vmul.f32 v14, v5;
	v9 =	vld [tilespmem:s23+$0xFFFFFFF0];
	[tilespmem:s0+$0x70] =	vst v4  }
0xaf: {  	s10 =	simm.s32 $0x0;
	s24 =	simm.s32 $0x5B80;
	v15 =	vmul.f32 v15, v5;
	s23 =	simm.s32 $0xB30;
	v4 =	vld [tilespmem:s0+$0xFFFFFFF0];
	[tilespmem:s0+$0x0] =	vst v16  }
.LBB2_4:
0xb0: {  	v16 =	vld [tilespmem:s23+$0x0];
	[tilespmem:s0+$0x10] =	vst v14;
	v13 =	vmul.f32 v13, v5;
	s24 =	sadd.s32 $0x100, s24  }
0xb1: {  	s10 =	sadd.s32 $0x2, s10;
	v14 =	vld [tilespmem:s24+$0x70];
	[tilespmem:s0+$0x20] =	vst v15;
	v11 =	vmul.f32 v11, v5  }
0xb2: {  	p0 =	slt.u32 s10, $0x7E;
	v15 =	vld [tilespmem:s24+$0xFFFFFF80];
	[tilespmem:s0+$0x30] =	vst v13;
	v12 =	vmul.f32 v12, v5  }
0xb3: {  	v13 =	vld [tilespmem:s24+$0xFFFFFF90];
	[tilespmem:s0+$0x40] =	vst v11;
	v17 =	vmul.f32 v10, v5  }
0xb4: {  	v10 =	vld [tilespmem:s24+$0xFFFFFFA0];
	v18 =	vmul.f32 v6, v9;
	v7 =	vmul.f32 v7, v9;
	[tilespmem:s0+$0x50] =	vst v12  }
0xb5: {  	v8 =	vmul.f32 v8, v9;
	v11 =	vmul.f32 v2, v9;
	v2 =	vld [tilespmem:s24+$0xFFFFFFB0];
	[tilespmem:s0+$0x60] =	vst v17;
	v5 =	vmov v16  }
0xb6: {  	v12 =	vmul.f32 v14, v5;
	[tilespmem:s0+$0xFFFFFF80] =	vst v18;
	v14 =	vmul.f32 v0, v9;
	v0 =	vld [tilespmem:s24+$0xFFFFFFC0]  }
0xb7: {  	v16 =	vmul.f32 v1, v9;
	v17 =	vmul.f32 v3, v9;
	[tilespmem:s0+$0xFFFFFF90] =	vst v7;
	v1 =	vld [tilespmem:s24+$0xFFFFFFD0];
	v6 =	vmov v15  }
0xb8: {  	v9 =	vmul.f32 v4, v9;
	v3 =	vld [tilespmem:s24+$0xFFFFFFE0];
	[tilespmem:s24+$0x70] =	vst v12;
	v7 =	vmov v13  }
0xb9: {  	v4 =	vld [tilespmem:s24+$0xFFFFFFF0];
	[tilespmem:s0+$0xFFFFFFA0] =	vst v8;
	v8 =	vmov v10  }
0xba: {  	v10 =	vld [tilespmem:s24+$0x0];
	[tilespmem:s0+$0xFFFFFFB0] =	vst v11  }
0xbb: {  	v15 =	vld [tilespmem:s24+$0x10];
	[tilespmem:s0+$0xFFFFFFC0] =	vst v14  }
0xbc: {  	v18 =	vld [tilespmem:s24+$0x20];
	[tilespmem:s0+$0xFFFFFFD0] =	vst v16  }
.Ltmp1:
0xbd: {  	v13 =	vld [tilespmem:s24+$0x30];
	[tilespmem:s0+$0xFFFFFFE0] =	vst v17;
	(pc) =	sbr.rel @p0 .LBB2_4-.Ltmp1, $4  }
0xbe: {  	v11 =	vld [tilespmem:s24+$0x40];
	[tilespmem:s0+$0xFFFFFFF0] =	vst v9;
	s0 =	smov.u32 s24  }
0xbf: {  	v16 =	vmul.f32 v10, v5;
	v12 =	vld [tilespmem:s24+$0x50]  }
0xc0: {  	v14 =	vmul.f32 v15, v5;
	v10 =	vld [tilespmem:s24+$0x60]  }
0xc1: {  	v9 =	vld [tilespmem:s23+$0xFFFFFFF0];
	[tilespmem:s24+$0x0] =	vst v16;
	v15 =	vmul.f32 v18, v5;
	s23 =	sadd.s32 $0x20, s23  }
0xc2: {  	[tilespmem:s0+$0x10] =	vst v14;
	v13 =	vmul.f32 v13, v5  }
0xc3: {  	[tilespmem:s0+$0x20] =	vst v15;
	v11 =	vmul.f32 v11, v5  }
0xc4: {  	[tilespmem:s0+$0x30] =	vst v13;
	v12 =	vmul.f32 v12, v5  }
0xc5: {  	[tilespmem:s0+$0x40] =	vst v11;
	v60 =	vmul.f32 v10, v5  }
0xc6: {  	v6 =	vmul.f32 v6, v9;
	[tilespmem:s0+$0x50] =	vst v12  }
0xc7: {  	v7 =	vmul.f32 v7, v9;
	[tilespmem:s0+$0x60] =	vst v60  }
0xc8: {  	v61 =	vmul.f32 v8, v9;
	[tilespmem:s0+$0xFFFFFF80] =	vst v6  }
0xc9: {  	v2 =	vmul.f32 v2, v9;
	[tilespmem:s0+$0xFFFFFF90] =	vst v7  }
0xca: {  	v0 =	vmul.f32 v0, v9;
	[tilespmem:s0+$0xFFFFFFA0] =	vst v61  }
0xcb: {  	v1 =	vmul.f32 v1, v9;
	[tilespmem:s0+$0xFFFFFFB0] =	vst v2  }
0xcc: {  	v62 =	vmul.f32 v3, v9;
	[tilespmem:s0+$0xFFFFFFC0] =	vst v0  }
0xcd: {  	v63 =	vmul.f32 v4, v9;
	[tilespmem:s0+$0xFFFFFFD0] =	vst v1  }
0xce: {  	[tilespmem:s0+$0xFFFFFFE0] =	vst v62  }
0xcf: {  	[tilespmem:s0+$0xFFFFFFF0] =	vst v63;
	s0 =	simm.s32 $0x0  }
0xd0: {  	[spmem:s2] =	stream.indirect.scatter.add.f32 [tilespmem:s16], [sflag:$0x7], $0x80, s13, s11, $0xb8;
	[tilespmem:$0x1D700] =	vst v63  }
.LBB2_6:
0xd1: {  	s10 =	smul.u32 $0x300, s0;
	_ =	swait.ge [sflag:s31], $0x4000  }
0xd2: {  	s23 =	rddreg [dreg:$0x13]  }
0xd3: {  	s23 =	sadd.s32 s10, s23  }
0xd4: {  	[sflag:s31] =	ssyncset.done $0x0;
	s24 =	sshrl.u32 s23, $0x3  }
0xd5: {  	[sflag:s31] =	ssyncadd.s32 $0xFFFFC000;
	s25 =	sadd.s32 s5, s24  }
0xd6: {  	[tilespmem:s11], [sflag:$0x2] =	stream.linear.gather [hbm4b:s25+s4], $0x80, $0x38;
	[tilespmem:$0x1D700] =	vst v63  }
0xd7: {  	s23 =	sshll.u32 s23, $0x1;
	s24 =	sadd.s32 s6, s24  }
0xd8: {  	[tilespmem:s13], [sflag:$0x2] =	stream.linear.gather [hbm4b:s24+s4], $0x80, $0x38;
	[tilespmem:$0x1D700] =	vst v63  }
0xd9: {  	s23 =	sadd.s32 s7, s23  }
0xda: {  	[tilespmem:s14], [sflag:$0x2] =	stream.linear.gather [hbm4b:s23+s4], $0x800, $0x38;
	[tilespmem:$0x1D700] =	vst v63  }
0xdb: {  	_ =	swait.ge [sflag:s9], $0x80  }
0xdc: {  	[sflag:s9] =	ssyncset.done $0x0  }
0xdd: {  	[sflag:s9] =	ssyncadd.s32 $0xFFFFFF80  }
0xde: {  	_ =	swait.ge [sflag:s9], $0x80  }
0xdf: {  	[sflag:s9] =	ssyncset.done $0x0  }
0xe0: {  	[sflag:s9] =	ssyncadd.s32 $0xFFFFFF80  }
0xe1: {  	_ =	swait.ge [sflag:s9], $0x800  }
0xe2: {  	[sflag:s9] =	ssyncset.done $0x0  }
0xe3: {  	[sflag:s9] =	ssyncadd.s32 $0xFFFFF800  }
0xe4: {  	[tilespmem:s16], [sflag:$0x5] =	stream.indirect.gather [hbm4b:s1+s11], $0x80, s4, s11, $0xb8;
	[tilespmem:$0x1D700] =	vst v63  }
0xe5: {  	_ =	swait.ge [sflag:s20], $0x4000  }
0xe6: {  	[sflag:s20] =	ssyncset.done $0x0  }
0xe7: {  	s26 =	simm.s32 $0x1310;
	[sflag:s20] =	ssyncadd.s32 $0xFFFFC000  }
0xe8: {  	s23 =	simm.s32 $0x1B80;
	v5 =	vld [tilespmem:s26+$0x0]  }
0xe9: {  	v1 =	vld [tilespmem:s23+$0x70]  }
0xea: {  	v6 =	vld [tilespmem:s23+$0xFFFFFF80]  }
0xeb: {  	v7 =	vld [tilespmem:s23+$0xFFFFFF90]  }
0xec: {  	v8 =	vld [tilespmem:s23+$0xFFFFFFA0]  }
0xed: {  	v2 =	vld [tilespmem:s23+$0xFFFFFFB0]  }
0xee: {  	v0 =	vld [tilespmem:s23+$0xFFFFFFC0]  }
0xef: {  	v3 =	vld [tilespmem:s23+$0xFFFFFFE0]  }
0xf0: {  	v9 =	vld [tilespmem:s23+$0x0]  }
0xf1: {  	v14 =	vld [tilespmem:s23+$0x10]  }
0xf2: {  	v15 =	vld [tilespmem:s23+$0x20]  }
0xf3: {  	v13 =	vld [tilespmem:s23+$0x30]  }
0xf4: {  	v11 =	vld [tilespmem:s23+$0x40]  }
0xf5: {  	v12 =	vld [tilespmem:s23+$0x50]  }
0xf6: {  	v10 =	vld [tilespmem:s23+$0x60];
	v4 =	vmul.f32 v1, v5  }
0xf7: {  	v1 =	vld [tilespmem:s23+$0xFFFFFFD0];
	v16 =	vmul.f32 v9, v5  }
0xf8: {  	v14 =	vmul.f32 v14, v5;
	v9 =	vld [tilespmem:s26+$0xFFFFFFF0];
	[tilespmem:s23+$0x70] =	vst v4  }
0xf9: {  	s25 =	simm.s32 $0x1330;
	s24 =	simm.s32 $0x0;
	v15 =	vmul.f32 v15, v5;
	s26 =	simm.s32 $0x1B80;
	v4 =	vld [tilespmem:s23+$0xFFFFFFF0];
	[tilespmem:s23+$0x0] =	vst v16  }
.LBB2_7:
0xfa: {  	v16 =	vld [tilespmem:s25+$0x0];
	[tilespmem:s23+$0x10] =	vst v14;
	v13 =	vmul.f32 v13, v5;
	s26 =	sadd.s32 $0x100, s26  }
0xfb: {  	s24 =	sadd.s32 $0x2, s24;
	v14 =	vld [tilespmem:s26+$0x70];
	[tilespmem:s23+$0x20] =	vst v15;
	v11 =	vmul.f32 v11, v5  }
0xfc: {  	p0 =	slt.u32 s24, $0x7E;
	v15 =	vld [tilespmem:s26+$0xFFFFFF80];
	[tilespmem:s23+$0x30] =	vst v13;
	v12 =	vmul.f32 v12, v5  }
0xfd: {  	v13 =	vld [tilespmem:s26+$0xFFFFFF90];
	[tilespmem:s23+$0x40] =	vst v11;
	v17 =	vmul.f32 v10, v5  }
0xfe: {  	v10 =	vld [tilespmem:s26+$0xFFFFFFA0];
	v18 =	vmul.f32 v6, v9;
	v7 =	vmul.f32 v7, v9;
	[tilespmem:s23+$0x50] =	vst v12  }
0xff: {  	v8 =	vmul.f32 v8, v9;
	v11 =	vmul.f32 v2, v9;
	v2 =	vld [tilespmem:s26+$0xFFFFFFB0];
	[tilespmem:s23+$0x60] =	vst v17;
	v5 =	vmov v16  }
0x100: {  	v12 =	vmul.f32 v14, v5;
	[tilespmem:s23+$0xFFFFFF80] =	vst v18;
	v14 =	vmul.f32 v0, v9;
	v0 =	vld [tilespmem:s26+$0xFFFFFFC0]  }
0x101: {  	v16 =	vmul.f32 v1, v9;
	v17 =	vmul.f32 v3, v9;
	[tilespmem:s23+$0xFFFFFF90] =	vst v7;
	v1 =	vld [tilespmem:s26+$0xFFFFFFD0];
	v6 =	vmov v15  }
0x102: {  	v9 =	vmul.f32 v4, v9;
	v3 =	vld [tilespmem:s26+$0xFFFFFFE0];
	[tilespmem:s26+$0x70] =	vst v12;
	v7 =	vmov v13  }
0x103: {  	v4 =	vld [tilespmem:s26+$0xFFFFFFF0];
	[tilespmem:s23+$0xFFFFFFA0] =	vst v8;
	v8 =	vmov v10  }
0x104: {  	v10 =	vld [tilespmem:s26+$0x0];
	[tilespmem:s23+$0xFFFFFFB0] =	vst v11  }
0x105: {  	v15 =	vld [tilespmem:s26+$0x10];
	[tilespmem:s23+$0xFFFFFFC0] =	vst v14  }
0x106: {  	v18 =	vld [tilespmem:s26+$0x20];
	[tilespmem:s23+$0xFFFFFFD0] =	vst v16  }
.Ltmp2:
0x107: {  	v13 =	vld [tilespmem:s26+$0x30];
	[tilespmem:s23+$0xFFFFFFE0] =	vst v17;
	(pc) =	sbr.rel @p0 .LBB2_7-.Ltmp2, $4  }
0x108: {  	v11 =	vld [tilespmem:s26+$0x40];
	[tilespmem:s23+$0xFFFFFFF0] =	vst v9;
	s23 =	smov.u32 s26  }
0x109: {  	v16 =	vmul.f32 v10, v5;
	v12 =	vld [tilespmem:s26+$0x50]  }
0x10a: {  	v14 =	vmul.f32 v15, v5;
	v10 =	vld [tilespmem:s26+$0x60]  }
0x10b: {  	v9 =	vld [tilespmem:s25+$0xFFFFFFF0];
	[tilespmem:s26+$0x0] =	vst v16;
	v15 =	vmul.f32 v18, v5;
	s25 =	sadd.s32 $0x20, s25  }
0x10c: {  	[tilespmem:s23+$0x10] =	vst v14;
	v13 =	vmul.f32 v13, v5  }
0x10d: {  	[tilespmem:s23+$0x20] =	vst v15;
	v11 =	vmul.f32 v11, v5  }
0x10e: {  	[tilespmem:s23+$0x30] =	vst v13;
	v12 =	vmul.f32 v12, v5  }
0x10f: {  	[tilespmem:s23+$0x40] =	vst v11;
	v5 =	vmul.f32 v10, v5  }
0x110: {  	v6 =	vmul.f32 v6, v9;
	[tilespmem:s23+$0x50] =	vst v12  }
0x111: {  	v7 =	vmul.f32 v7, v9;
	[tilespmem:s23+$0x60] =	vst v5  }
0x112: {  	v2 =	vmul.f32 v2, v9;
	[tilespmem:s23+$0xFFFFFF80] =	vst v6  }
0x113: {  	v0 =	vmul.f32 v0, v9;
	[tilespmem:s23+$0xFFFFFF90] =	vst v7  }
0x114: {  	v1 =	vmul.f32 v1, v9;
	[tilespmem:s23+$0xFFFFFFB0] =	vst v2  }
0x115: {  	v5 =	vmul.f32 v8, v9;
	[tilespmem:s23+$0xFFFFFFC0] =	vst v0  }
0x116: {  	v2 =	vmul.f32 v3, v9;
	[tilespmem:s23+$0xFFFFFFD0] =	vst v1  }
0x117: {  	v0 =	vmul.f32 v4, v9;
	[tilespmem:s23+$0xFFFFFFA0] =	vst v5  }
0x118: {  	[tilespmem:s23+$0xFFFFFFE0] =	vst v2  }
0x119: {  	[tilespmem:s23+$0xFFFFFFF0] =	vst v0  }
0x11a: {  	[spmem:s2] =	stream.indirect.scatter.add.f32 [tilespmem:s12], [sflag:$0x6], $0x80, s18, s11, $0xb8;
	[tilespmem:$0x1D700] =	vst v63  }
0x11b: {  	_ =	swait.ge [sflag:s21], $0x4000  }
0x11c: {  	s25 =	rddreg [dreg:$0x14]  }
0x11d: {  	s23 =	sadd.s32 s10, s25  }
0x11e: {  	[sflag:s21] =	ssyncset.done $0x0;
	s24 =	sshrl.u32 s23, $0x3  }
0x11f: {  	[sflag:s21] =	ssyncadd.s32 $0xFFFFC000;
	s23 =	sshll.u32 s23, $0x1;
	s25 =	sadd.s32 s5, s24  }
0x120: {  	[tilespmem:s17], [sflag:$0x3] =	stream.linear.gather [hbm4b:s25+s4], $0x80, $0x38;
	[tilespmem:$0x1D700] =	vst v63  }
0x121: {  	s24 =	sadd.s32 s6, s24;
	s23 =	sand.u32 $0x1FFFFF00, s23  }
0x122: {  	[tilespmem:s18], [sflag:$0x3] =	stream.linear.gather [hbm4b:s24+s4], $0x80, $0x38;
	[tilespmem:$0x1D700] =	vst v63  }
0x123: {  	s23 =	sadd.s32 s7, s23  }
0x124: {  	[tilespmem:s19], [sflag:$0x3] =	stream.linear.gather [hbm4b:s23+s4], $0x800, $0x38;
	[tilespmem:$0x1D700] =	vst v63  }
0x125: {  	_ =	swait.ge [sflag:s15], $0x80  }
0x126: {  	[sflag:s15] =	ssyncset.done $0x0  }
0x127: {  	[sflag:s15] =	ssyncadd.s32 $0xFFFFFF80  }
0x128: {  	_ =	swait.ge [sflag:s15], $0x80  }
0x129: {  	[sflag:s15] =	ssyncset.done $0x0  }
0x12a: {  	[sflag:s15] =	ssyncadd.s32 $0xFFFFFF80  }
0x12b: {  	_ =	swait.ge [sflag:s15], $0x800  }
0x12c: {  	[sflag:s15] =	ssyncset.done $0x0  }
0x12d: {  	[sflag:s15] =	ssyncadd.s32 $0xFFFFF800  }
0x12e: {  	[tilespmem:s12], [sflag:$0x4] =	stream.indirect.gather [hbm4b:s1+s11], $0x80, s11, s11, $0xb8;
	[tilespmem:$0x1D700] =	vst v63  }
0x12f: {  	_ =	swait.ge [sflag:s30], $0x4000  }
0x130: {  	[sflag:s30] =	ssyncset.done $0x0  }
0x131: {  	s26 =	simm.s32 $0x310;
	[sflag:s30] =	ssyncadd.s32 $0xFFFFC000  }
0x132: {  	s23 =	simm.s32 $0x5B80;
	v5 =	vld [tilespmem:s26+$0x0]  }
0x133: {  	v1 =	vld [tilespmem:s23+$0x70]  }
0x134: {  	v6 =	vld [tilespmem:s23+$0xFFFFFF80]  }
0x135: {  	v7 =	vld [tilespmem:s23+$0xFFFFFF90]  }
0x136: {  	v8 =	vld [tilespmem:s23+$0xFFFFFFA0]  }
0x137: {  	v2 =	vld [tilespmem:s23+$0xFFFFFFB0]  }
0x138: {  	v0 =	vld [tilespmem:s23+$0xFFFFFFC0]  }
0x139: {  	v3 =	vld [tilespmem:s23+$0xFFFFFFE0]  }
0x13a: {  	v9 =	vld [tilespmem:s23+$0x0]  }
0x13b: {  	v14 =	vld [tilespmem:s23+$0x10]  }
0x13c: {  	v15 =	vld [tilespmem:s23+$0x20]  }
0x13d: {  	v13 =	vld [tilespmem:s23+$0x30]  }
0x13e: {  	v11 =	vld [tilespmem:s23+$0x40]  }
0x13f: {  	v12 =	vld [tilespmem:s23+$0x50]  }
0x140: {  	v10 =	vld [tilespmem:s23+$0x60];
	v4 =	vmul.f32 v1, v5  }
0x141: {  	v1 =	vld [tilespmem:s23+$0xFFFFFFD0];
	v16 =	vmul.f32 v9, v5  }
0x142: {  	v14 =	vmul.f32 v14, v5;
	v9 =	vld [tilespmem:s26+$0xFFFFFFF0];
	[tilespmem:s23+$0x70] =	vst v4  }
0x143: {  	s25 =	simm.s32 $0x330;
	s24 =	simm.s32 $0x0;
	v15 =	vmul.f32 v15, v5;
	s26 =	simm.s32 $0x5B80;
	v4 =	vld [tilespmem:s23+$0xFFFFFFF0];
	[tilespmem:s23+$0x0] =	vst v16  }
.LBB2_9:
0x144: {  	v16 =	vld [tilespmem:s25+$0x0];
	[tilespmem:s23+$0x10] =	vst v14;
	v13 =	vmul.f32 v13, v5;
	s26 =	sadd.s32 $0x100, s26  }
0x145: {  	s24 =	sadd.s32 $0x2, s24;
	v14 =	vld [tilespmem:s26+$0x70];
	[tilespmem:s23+$0x20] =	vst v15;
	v11 =	vmul.f32 v11, v5  }
0x146: {  	p0 =	slt.u32 s24, $0x7E;
	v15 =	vld [tilespmem:s26+$0xFFFFFF80];
	[tilespmem:s23+$0x30] =	vst v13;
	v12 =	vmul.f32 v12, v5  }
0x147: {  	v13 =	vld [tilespmem:s26+$0xFFFFFF90];
	[tilespmem:s23+$0x40] =	vst v11;
	v17 =	vmul.f32 v10, v5  }
0x148: {  	v10 =	vld [tilespmem:s26+$0xFFFFFFA0];
	v18 =	vmul.f32 v6, v9;
	v7 =	vmul.f32 v7, v9;
	[tilespmem:s23+$0x50] =	vst v12  }
0x149: {  	v8 =	vmul.f32 v8, v9;
	v11 =	vmul.f32 v2, v9;
	v2 =	vld [tilespmem:s26+$0xFFFFFFB0];
	[tilespmem:s23+$0x60] =	vst v17;
	v5 =	vmov v16  }
0x14a: {  	v12 =	vmul.f32 v14, v5;
	[tilespmem:s23+$0xFFFFFF80] =	vst v18;
	v14 =	vmul.f32 v0, v9;
	v0 =	vld [tilespmem:s26+$0xFFFFFFC0]  }
0x14b: {  	v16 =	vmul.f32 v1, v9;
	v17 =	vmul.f32 v3, v9;
	[tilespmem:s23+$0xFFFFFF90] =	vst v7;
	v1 =	vld [tilespmem:s26+$0xFFFFFFD0];
	v6 =	vmov v15  }
0x14c: {  	v9 =	vmul.f32 v4, v9;
	v3 =	vld [tilespmem:s26+$0xFFFFFFE0];
	[tilespmem:s26+$0x70] =	vst v12;
	v7 =	vmov v13  }
0x14d: {  	v4 =	vld [tilespmem:s26+$0xFFFFFFF0];
	[tilespmem:s23+$0xFFFFFFA0] =	vst v8;
	v8 =	vmov v10  }
0x14e: {  	v10 =	vld [tilespmem:s26+$0x0];
	[tilespmem:s23+$0xFFFFFFB0] =	vst v11  }
0x14f: {  	v15 =	vld [tilespmem:s26+$0x10];
	[tilespmem:s23+$0xFFFFFFC0] =	vst v14  }
0x150: {  	v18 =	vld [tilespmem:s26+$0x20];
	[tilespmem:s23+$0xFFFFFFD0] =	vst v16  }
.Ltmp3:
0x151: {  	v13 =	vld [tilespmem:s26+$0x30];
	[tilespmem:s23+$0xFFFFFFE0] =	vst v17;
	(pc) =	sbr.rel @p0 .LBB2_9-.Ltmp3, $4  }
0x152: {  	v11 =	vld [tilespmem:s26+$0x40];
	[tilespmem:s23+$0xFFFFFFF0] =	vst v9;
	s23 =	smov.u32 s26  }
0x153: {  	v16 =	vmul.f32 v10, v5;
	v12 =	vld [tilespmem:s26+$0x50]  }
0x154: {  	v14 =	vmul.f32 v15, v5;
	v10 =	vld [tilespmem:s26+$0x60]  }
0x155: {  	v9 =	vld [tilespmem:s25+$0xFFFFFFF0];
	[tilespmem:s26+$0x0] =	vst v16;
	v15 =	vmul.f32 v18, v5;
	s25 =	sadd.s32 $0x20, s25  }
0x156: {  	[tilespmem:s23+$0x10] =	vst v14;
	v13 =	vmul.f32 v13, v5  }
0x157: {  	[tilespmem:s23+$0x20] =	vst v15;
	v11 =	vmul.f32 v11, v5  }
0x158: {  	[tilespmem:s23+$0x30] =	vst v13;
	v12 =	vmul.f32 v12, v5  }
0x159: {  	[tilespmem:s23+$0x40] =	vst v11;
	v5 =	vmul.f32 v10, v5  }
0x15a: {  	v6 =	vmul.f32 v6, v9;
	[tilespmem:s23+$0x50] =	vst v12  }
0x15b: {  	v7 =	vmul.f32 v7, v9;
	[tilespmem:s23+$0x60] =	vst v5  }
0x15c: {  	v2 =	vmul.f32 v2, v9;
	[tilespmem:s23+$0xFFFFFF80] =	vst v6  }
0x15d: {  	v0 =	vmul.f32 v0, v9;
	[tilespmem:s23+$0xFFFFFF90] =	vst v7  }
0x15e: {  	v1 =	vmul.f32 v1, v9;
	[tilespmem:s23+$0xFFFFFFB0] =	vst v2  }
0x15f: {  	v5 =	vmul.f32 v8, v9;
	[tilespmem:s23+$0xFFFFFFC0] =	vst v0  }
0x160: {  	v2 =	vmul.f32 v3, v9;
	[tilespmem:s23+$0xFFFFFFD0] =	vst v1  }
0x161: {  	v0 =	vmul.f32 v4, v9;
	[tilespmem:s23+$0xFFFFFFA0] =	vst v5  }
0x162: {  	[tilespmem:s23+$0xFFFFFFE0] =	vst v2  }
0x163: {  	[tilespmem:s23+$0xFFFFFFF0] =	vst v0  }
0x164: {  	[spmem:s2] =	stream.indirect.scatter.add.f32 [tilespmem:s16], [sflag:$0x7], $0x80, s3, s11, $0xb8;
	[tilespmem:$0x1D700] =	vst v63  }
0x165: {  	_ =	swait.ge [sflag:s31], $0x4000  }
0x166: {  	s25 =	rddreg [dreg:$0x15]  }
0x167: {  	s23 =	sadd.s32 s10, s25  }
0x168: {  	[sflag:s31] =	ssyncset.done $0x0;
	s24 =	sshrl.u32 s23, $0x3  }
0x169: {  	[sflag:s31] =	ssyncadd.s32 $0xFFFFC000;
	s23 =	sshll.u32 s23, $0x1;
	s25 =	sadd.s32 s5, s24  }
0x16a: {  	[tilespmem:s4], [sflag:$0x1] =	stream.linear.gather [hbm4b:s25+s4], $0x80, $0x38;
	[tilespmem:$0x1D700] =	vst v63  }
0x16b: {  	s24 =	sadd.s32 s6, s24;
	s23 =	sand.u32 $0x1FFFFE00, s23  }
0x16c: {  	[tilespmem:s3], [sflag:$0x1] =	stream.linear.gather [hbm4b:s24+s4], $0x80, $0x38;
	[tilespmem:$0x1D700] =	vst v63  }
0x16d: {  	s23 =	sadd.s32 s7, s23  }
0x16e: {  	[tilespmem:s8], [sflag:$0x1] =	stream.linear.gather [hbm4b:s23+s4], $0x800, $0x38;
	[tilespmem:$0x1D700] =	vst v63  }
0x16f: {  	_ =	swait.ge [sflag:s22], $0x80  }
0x170: {  	[sflag:s22] =	ssyncset.done $0x0  }
0x171: {  	[sflag:s22] =	ssyncadd.s32 $0xFFFFFF80  }
0x172: {  	_ =	swait.ge [sflag:s22], $0x80  }
0x173: {  	[sflag:s22] =	ssyncset.done $0x0  }
0x174: {  	[sflag:s22] =	ssyncadd.s32 $0xFFFFFF80  }
0x175: {  	_ =	swait.ge [sflag:s22], $0x800  }
0x176: {  	[sflag:s22] =	ssyncset.done $0x0  }
0x177: {  	[sflag:s22] =	ssyncadd.s32 $0xFFFFF800  }
0x178: {  	[tilespmem:s16], [sflag:$0x5] =	stream.indirect.gather [hbm4b:s1+s11], $0x80, s17, s11, $0xb8;
	[tilespmem:$0x1D700] =	vst v63  }
0x179: {  	_ =	swait.ge [sflag:s20], $0x4000  }
0x17a: {  	[sflag:s20] =	ssyncset.done $0x0  }
0x17b: {  	s26 =	simm.s32 $0xB10;
	[sflag:s20] =	ssyncadd.s32 $0xFFFFC000  }
0x17c: {  	s23 =	simm.s32 $0x1B80;
	v5 =	vld [tilespmem:s26+$0x0]  }
0x17d: {  	v1 =	vld [tilespmem:s23+$0x70]  }
0x17e: {  	v6 =	vld [tilespmem:s23+$0xFFFFFF80]  }
0x17f: {  	v7 =	vld [tilespmem:s23+$0xFFFFFF90]  }
0x180: {  	v8 =	vld [tilespmem:s23+$0xFFFFFFA0]  }
0x181: {  	v2 =	vld [tilespmem:s23+$0xFFFFFFB0]  }
0x182: {  	v0 =	vld [tilespmem:s23+$0xFFFFFFC0]  }
0x183: {  	v3 =	vld [tilespmem:s23+$0xFFFFFFE0]  }
0x184: {  	v9 =	vld [tilespmem:s23+$0x0]  }
0x185: {  	v14 =	vld [tilespmem:s23+$0x10]  }
0x186: {  	v15 =	vld [tilespmem:s23+$0x20]  }
0x187: {  	v13 =	vld [tilespmem:s23+$0x30]  }
0x188: {  	v11 =	vld [tilespmem:s23+$0x40]  }
0x189: {  	v12 =	vld [tilespmem:s23+$0x50]  }
0x18a: {  	v10 =	vld [tilespmem:s23+$0x60];
	v4 =	vmul.f32 v1, v5  }
0x18b: {  	v1 =	vld [tilespmem:s23+$0xFFFFFFD0];
	v16 =	vmul.f32 v9, v5  }
0x18c: {  	v14 =	vmul.f32 v14, v5;
	v9 =	vld [tilespmem:s26+$0xFFFFFFF0];
	[tilespmem:s23+$0x70] =	vst v4  }
0x18d: {  	s25 =	simm.s32 $0xB30;
	s24 =	simm.s32 $0x0;
	v15 =	vmul.f32 v15, v5;
	s26 =	simm.s32 $0x1B80;
	v4 =	vld [tilespmem:s23+$0xFFFFFFF0];
	[tilespmem:s23+$0x0] =	vst v16  }
.LBB2_11:
0x18e: {  	v16 =	vld [tilespmem:s25+$0x0];
	[tilespmem:s23+$0x10] =	vst v14;
	v13 =	vmul.f32 v13, v5;
	s26 =	sadd.s32 $0x100, s26  }
0x18f: {  	s24 =	sadd.s32 $0x2, s24;
	v14 =	vld [tilespmem:s26+$0x70];
	[tilespmem:s23+$0x20] =	vst v15;
	v11 =	vmul.f32 v11, v5  }
0x190: {  	p0 =	slt.u32 s24, $0x7E;
	v15 =	vld [tilespmem:s26+$0xFFFFFF80];
	[tilespmem:s23+$0x30] =	vst v13;
	v12 =	vmul.f32 v12, v5  }
0x191: {  	v13 =	vld [tilespmem:s26+$0xFFFFFF90];
	[tilespmem:s23+$0x40] =	vst v11;
	v17 =	vmul.f32 v10, v5  }
0x192: {  	v10 =	vld [tilespmem:s26+$0xFFFFFFA0];
	v18 =	vmul.f32 v6, v9;
	v7 =	vmul.f32 v7, v9;
	[tilespmem:s23+$0x50] =	vst v12  }
0x193: {  	v8 =	vmul.f32 v8, v9;
	v11 =	vmul.f32 v2, v9;
	v2 =	vld [tilespmem:s26+$0xFFFFFFB0];
	[tilespmem:s23+$0x60] =	vst v17;
	v5 =	vmov v16  }
0x194: {  	v12 =	vmul.f32 v14, v5;
	[tilespmem:s23+$0xFFFFFF80] =	vst v18;
	v14 =	vmul.f32 v0, v9;
	v0 =	vld [tilespmem:s26+$0xFFFFFFC0]  }
0x195: {  	v16 =	vmul.f32 v1, v9;
	v17 =	vmul.f32 v3, v9;
	[tilespmem:s23+$0xFFFFFF90] =	vst v7;
	v1 =	vld [tilespmem:s26+$0xFFFFFFD0];
	v6 =	vmov v15  }
0x196: {  	v9 =	vmul.f32 v4, v9;
	v3 =	vld [tilespmem:s26+$0xFFFFFFE0];
	[tilespmem:s26+$0x70] =	vst v12;
	v7 =	vmov v13  }
0x197: {  	v4 =	vld [tilespmem:s26+$0xFFFFFFF0];
	[tilespmem:s23+$0xFFFFFFA0] =	vst v8;
	v8 =	vmov v10  }
0x198: {  	v10 =	vld [tilespmem:s26+$0x0];
	[tilespmem:s23+$0xFFFFFFB0] =	vst v11  }
0x199: {  	v15 =	vld [tilespmem:s26+$0x10];
	[tilespmem:s23+$0xFFFFFFC0] =	vst v14  }
0x19a: {  	v18 =	vld [tilespmem:s26+$0x20];
	[tilespmem:s23+$0xFFFFFFD0] =	vst v16  }
.Ltmp4:
0x19b: {  	v13 =	vld [tilespmem:s26+$0x30];
	[tilespmem:s23+$0xFFFFFFE0] =	vst v17;
	(pc) =	sbr.rel @p0 .LBB2_11-.Ltmp4, $4  }
0x19c: {  	v11 =	vld [tilespmem:s26+$0x40];
	[tilespmem:s23+$0xFFFFFFF0] =	vst v9;
	s23 =	smov.u32 s26  }
0x19d: {  	v16 =	vmul.f32 v10, v5;
	v12 =	vld [tilespmem:s26+$0x50]  }
0x19e: {  	v14 =	vmul.f32 v15, v5;
	v10 =	vld [tilespmem:s26+$0x60]  }
0x19f: {  	v9 =	vld [tilespmem:s25+$0xFFFFFFF0];
	[tilespmem:s26+$0x0] =	vst v16;
	v15 =	vmul.f32 v18, v5;
	s25 =	sadd.s32 $0x20, s25  }
0x1a0: {  	[tilespmem:s23+$0x10] =	vst v14;
	v13 =	vmul.f32 v13, v5  }
0x1a1: {  	[tilespmem:s23+$0x20] =	vst v15;
	v11 =	vmul.f32 v11, v5  }
0x1a2: {  	[tilespmem:s23+$0x30] =	vst v13;
	v12 =	vmul.f32 v12, v5  }
0x1a3: {  	[tilespmem:s23+$0x40] =	vst v11;
	v5 =	vmul.f32 v10, v5  }
0x1a4: {  	v6 =	vmul.f32 v6, v9;
	[tilespmem:s23+$0x50] =	vst v12  }
0x1a5: {  	v7 =	vmul.f32 v7, v9;
	[tilespmem:s23+$0x60] =	vst v5  }
0x1a6: {  	v2 =	vmul.f32 v2, v9;
	[tilespmem:s23+$0xFFFFFF80] =	vst v6  }
0x1a7: {  	v0 =	vmul.f32 v0, v9;
	[tilespmem:s23+$0xFFFFFF90] =	vst v7  }
0x1a8: {  	v1 =	vmul.f32 v1, v9;
	[tilespmem:s23+$0xFFFFFFB0] =	vst v2  }
0x1a9: {  	v5 =	vmul.f32 v8, v9;
	[tilespmem:s23+$0xFFFFFFC0] =	vst v0  }
0x1aa: {  	v2 =	vmul.f32 v3, v9;
	[tilespmem:s23+$0xFFFFFFD0] =	vst v1  }
0x1ab: {  	v0 =	vmul.f32 v4, v9;
	[tilespmem:s23+$0xFFFFFFA0] =	vst v5  }
0x1ac: {  	[tilespmem:s23+$0xFFFFFFE0] =	vst v2  }
0x1ad: {  	[tilespmem:s23+$0xFFFFFFF0] =	vst v0  }
0x1ae: {  	[spmem:s2] =	stream.indirect.scatter.add.f32 [tilespmem:s12], [sflag:$0x6], $0x80, s13, s11, $0xb8;
	[tilespmem:$0x1D700] =	vst v63  }
0x1af: {  	_ =	swait.ge [sflag:s21], $0x4000  }
0x1b0: {  	s25 =	rddreg [dreg:$0x16]  }
0x1b1: {  	s23 =	sadd.s32 s10, s25  }
0x1b2: {  	[sflag:s21] =	ssyncset.done $0x0;
	s24 =	sshrl.u32 s23, $0x3  }
0x1b3: {  	[sflag:s21] =	ssyncadd.s32 $0xFFFFC000;
	s23 =	sshll.u32 s23, $0x1;
	s25 =	sadd.s32 s5, s24  }
0x1b4: {  	[tilespmem:s11], [sflag:$0x2] =	stream.linear.gather [hbm4b:s25+s4], $0x80, $0x38;
	[tilespmem:$0x1D700] =	vst v63  }
0x1b5: {  	s24 =	sadd.s32 s6, s24;
	s23 =	sand.u32 $0x1FFFFF00, s23  }
0x1b6: {  	[tilespmem:s13], [sflag:$0x2] =	stream.linear.gather [hbm4b:s24+s4], $0x80, $0x38;
	[tilespmem:$0x1D700] =	vst v63  }
0x1b7: {  	s23 =	sadd.s32 s7, s23  }
0x1b8: {  	[tilespmem:s14], [sflag:$0x2] =	stream.linear.gather [hbm4b:s23+s4], $0x800, $0x38;
	[tilespmem:$0x1D700] =	vst v63  }
0x1b9: {  	_ =	swait.ge [sflag:s9], $0x80  }
0x1ba: {  	[sflag:s9] =	ssyncset.done $0x0  }
0x1bb: {  	[sflag:s9] =	ssyncadd.s32 $0xFFFFFF80  }
0x1bc: {  	_ =	swait.ge [sflag:s9], $0x80  }
0x1bd: {  	[sflag:s9] =	ssyncset.done $0x0  }
0x1be: {  	[sflag:s9] =	ssyncadd.s32 $0xFFFFFF80  }
0x1bf: {  	_ =	swait.ge [sflag:s9], $0x800  }
0x1c0: {  	[sflag:s9] =	ssyncset.done $0x0  }
0x1c1: {  	[sflag:s9] =	ssyncadd.s32 $0xFFFFF800  }
0x1c2: {  	[tilespmem:s12], [sflag:$0x4] =	stream.indirect.gather [hbm4b:s1+s11], $0x80, s4, s11, $0xb8;
	[tilespmem:$0x1D700] =	vst v63  }
0x1c3: {  	_ =	swait.ge [sflag:s30], $0x4000  }
0x1c4: {  	[sflag:s30] =	ssyncset.done $0x0  }
0x1c5: {  	s26 =	simm.s32 $0x1310;
	[sflag:s30] =	ssyncadd.s32 $0xFFFFC000  }
0x1c6: {  	s23 =	simm.s32 $0x5B80;
	v5 =	vld [tilespmem:s26+$0x0]  }
0x1c7: {  	v1 =	vld [tilespmem:s23+$0x70]  }
0x1c8: {  	v6 =	vld [tilespmem:s23+$0xFFFFFF80]  }
0x1c9: {  	v7 =	vld [tilespmem:s23+$0xFFFFFF90]  }
0x1ca: {  	v8 =	vld [tilespmem:s23+$0xFFFFFFA0]  }
0x1cb: {  	v2 =	vld [tilespmem:s23+$0xFFFFFFB0]  }
0x1cc: {  	v0 =	vld [tilespmem:s23+$0xFFFFFFC0]  }
0x1cd: {  	v3 =	vld [tilespmem:s23+$0xFFFFFFE0]  }
0x1ce: {  	v9 =	vld [tilespmem:s23+$0x0]  }
0x1cf: {  	v14 =	vld [tilespmem:s23+$0x10]  }
0x1d0: {  	v15 =	vld [tilespmem:s23+$0x20]  }
0x1d1: {  	v13 =	vld [tilespmem:s23+$0x30]  }
0x1d2: {  	v11 =	vld [tilespmem:s23+$0x40]  }
0x1d3: {  	v12 =	vld [tilespmem:s23+$0x50]  }
0x1d4: {  	v10 =	vld [tilespmem:s23+$0x60];
	v4 =	vmul.f32 v1, v5  }
0x1d5: {  	v1 =	vld [tilespmem:s23+$0xFFFFFFD0];
	v16 =	vmul.f32 v9, v5  }
0x1d6: {  	v14 =	vmul.f32 v14, v5;
	v9 =	vld [tilespmem:s26+$0xFFFFFFF0];
	[tilespmem:s23+$0x70] =	vst v4  }
0x1d7: {  	s25 =	simm.s32 $0x1330;
	s24 =	simm.s32 $0x0;
	v15 =	vmul.f32 v15, v5;
	s26 =	simm.s32 $0x5B80;
	v4 =	vld [tilespmem:s23+$0xFFFFFFF0];
	[tilespmem:s23+$0x0] =	vst v16  }
.LBB2_13:
0x1d8: {  	v16 =	vld [tilespmem:s25+$0x0];
	[tilespmem:s23+$0x10] =	vst v14;
	v13 =	vmul.f32 v13, v5;
	s26 =	sadd.s32 $0x100, s26  }
0x1d9: {  	s24 =	sadd.s32 $0x2, s24;
	v14 =	vld [tilespmem:s26+$0x70];
	[tilespmem:s23+$0x20] =	vst v15;
	v11 =	vmul.f32 v11, v5  }
0x1da: {  	p0 =	slt.u32 s24, $0x7E;
	v15 =	vld [tilespmem:s26+$0xFFFFFF80];
	[tilespmem:s23+$0x30] =	vst v13;
	v12 =	vmul.f32 v12, v5  }
0x1db: {  	v13 =	vld [tilespmem:s26+$0xFFFFFF90];
	[tilespmem:s23+$0x40] =	vst v11;
	v17 =	vmul.f32 v10, v5  }
0x1dc: {  	v10 =	vld [tilespmem:s26+$0xFFFFFFA0];
	v18 =	vmul.f32 v6, v9;
	v7 =	vmul.f32 v7, v9;
	[tilespmem:s23+$0x50] =	vst v12  }
0x1dd: {  	v8 =	vmul.f32 v8, v9;
	v11 =	vmul.f32 v2, v9;
	v2 =	vld [tilespmem:s26+$0xFFFFFFB0];
	[tilespmem:s23+$0x60] =	vst v17;
	v5 =	vmov v16  }
0x1de: {  	v12 =	vmul.f32 v14, v5;
	[tilespmem:s23+$0xFFFFFF80] =	vst v18;
	v14 =	vmul.f32 v0, v9;
	v0 =	vld [tilespmem:s26+$0xFFFFFFC0]  }
0x1df: {  	v16 =	vmul.f32 v1, v9;
	v17 =	vmul.f32 v3, v9;
	[tilespmem:s23+$0xFFFFFF90] =	vst v7;
	v1 =	vld [tilespmem:s26+$0xFFFFFFD0];
	v6 =	vmov v15  }
0x1e0: {  	v9 =	vmul.f32 v4, v9;
	v3 =	vld [tilespmem:s26+$0xFFFFFFE0];
	[tilespmem:s26+$0x70] =	vst v12;
	v7 =	vmov v13  }
0x1e1: {  	v4 =	vld [tilespmem:s26+$0xFFFFFFF0];
	[tilespmem:s23+$0xFFFFFFA0] =	vst v8;
	v8 =	vmov v10  }
0x1e2: {  	v10 =	vld [tilespmem:s26+$0x0];
	[tilespmem:s23+$0xFFFFFFB0] =	vst v11  }
0x1e3: {  	v15 =	vld [tilespmem:s26+$0x10];
	[tilespmem:s23+$0xFFFFFFC0] =	vst v14  }
0x1e4: {  	v18 =	vld [tilespmem:s26+$0x20];
	[tilespmem:s23+$0xFFFFFFD0] =	vst v16  }
.Ltmp5:
0x1e5: {  	v13 =	vld [tilespmem:s26+$0x30];
	[tilespmem:s23+$0xFFFFFFE0] =	vst v17;
	(pc) =	sbr.rel @p0 .LBB2_13-.Ltmp5, $4  }
0x1e6: {  	v11 =	vld [tilespmem:s26+$0x40];
	[tilespmem:s23+$0xFFFFFFF0] =	vst v9;
	s23 =	smov.u32 s26  }
0x1e7: {  	v16 =	vmul.f32 v10, v5;
	v12 =	vld [tilespmem:s26+$0x50]  }
0x1e8: {  	v14 =	vmul.f32 v15, v5;
	v10 =	vld [tilespmem:s26+$0x60]  }
0x1e9: {  	v9 =	vld [tilespmem:s25+$0xFFFFFFF0];
	[tilespmem:s26+$0x0] =	vst v16;
	v15 =	vmul.f32 v18, v5;
	s25 =	sadd.s32 $0x20, s25  }
0x1ea: {  	[tilespmem:s23+$0x10] =	vst v14;
	v13 =	vmul.f32 v13, v5  }
0x1eb: {  	[tilespmem:s23+$0x20] =	vst v15;
	v11 =	vmul.f32 v11, v5  }
0x1ec: {  	[tilespmem:s23+$0x30] =	vst v13;
	v12 =	vmul.f32 v12, v5  }
0x1ed: {  	[tilespmem:s23+$0x40] =	vst v11;
	v5 =	vmul.f32 v10, v5  }
0x1ee: {  	v6 =	vmul.f32 v6, v9;
	[tilespmem:s23+$0x50] =	vst v12  }
0x1ef: {  	v7 =	vmul.f32 v7, v9;
	[tilespmem:s23+$0x60] =	vst v5  }
0x1f0: {  	v2 =	vmul.f32 v2, v9;
	[tilespmem:s23+$0xFFFFFF80] =	vst v6  }
0x1f1: {  	v0 =	vmul.f32 v0, v9;
	[tilespmem:s23+$0xFFFFFF90] =	vst v7  }
0x1f2: {  	v1 =	vmul.f32 v1, v9;
	[tilespmem:s23+$0xFFFFFFB0] =	vst v2  }
0x1f3: {  	v5 =	vmul.f32 v8, v9;
	[tilespmem:s23+$0xFFFFFFC0] =	vst v0  }
0x1f4: {  	v2 =	vmul.f32 v3, v9;
	[tilespmem:s23+$0xFFFFFFD0] =	vst v1  }
0x1f5: {  	v0 =	vmul.f32 v4, v9;
	[tilespmem:s23+$0xFFFFFFA0] =	vst v5  }
0x1f6: {  	[tilespmem:s23+$0xFFFFFFE0] =	vst v2  }
0x1f7: {  	[tilespmem:s23+$0xFFFFFFF0] =	vst v0  }
0x1f8: {  	[spmem:s2] =	stream.indirect.scatter.add.f32 [tilespmem:s16], [sflag:$0x7], $0x80, s18, s11, $0xb8;
	[tilespmem:$0x1D700] =	vst v63  }
0x1f9: {  	s10 =	sadd.s32 s10, s28;
	_ =	swait.ge [sflag:s31], $0x4000  }
0x1fa: {  	s25 =	sshrl.u32 s10, $0x3;
	[sflag:s31] =	ssyncset.done $0x0  }
0x1fb: {  	s24 =	sadd.s32 s5, s25;
	[sflag:s31] =	ssyncadd.s32 $0xFFFFC000  }
0x1fc: {  	[tilespmem:s17], [sflag:$0x3] =	stream.linear.gather [hbm4b:s24+s4], $0x80, $0x38;
	[tilespmem:$0x1D700] =	vst v63  }
0x1fd: {  	s10 =	sshll.u32 s10, $0x1;
	s23 =	sadd.s32 s6, s25  }
0x1fe: {  	[tilespmem:s18], [sflag:$0x3] =	stream.linear.gather [hbm4b:s23+s4], $0x80, $0x38;
	[tilespmem:$0x1D700] =	vst v63  }
0x1ff: {  	s10 =	sadd.s32 s7, s10  }
0x200: {  	[tilespmem:s19], [sflag:$0x3] =	stream.linear.gather [hbm4b:s10+s4], $0x800, $0x38;
	[tilespmem:$0x1D700] =	vst v63  }
0x201: {  	_ =	swait.ge [sflag:s15], $0x80  }
0x202: {  	[sflag:s15] =	ssyncset.done $0x0  }
0x203: {  	[sflag:s15] =	ssyncadd.s32 $0xFFFFFF80  }
0x204: {  	_ =	swait.ge [sflag:s15], $0x80  }
0x205: {  	[sflag:s15] =	ssyncset.done $0x0  }
0x206: {  	[sflag:s15] =	ssyncadd.s32 $0xFFFFFF80  }
0x207: {  	_ =	swait.ge [sflag:s15], $0x800  }
0x208: {  	[sflag:s15] =	ssyncset.done $0x0  }
0x209: {  	[sflag:s15] =	ssyncadd.s32 $0xFFFFF800  }
0x20a: {  	[tilespmem:s16], [sflag:$0x5] =	stream.indirect.gather [hbm4b:s1+s11], $0x80, s11, s11, $0xb8;
	[tilespmem:$0x1D700] =	vst v63  }
0x20b: {  	_ =	swait.ge [sflag:s20], $0x4000  }
0x20c: {  	[sflag:s20] =	ssyncset.done $0x0  }
0x20d: {  	s26 =	simm.s32 $0x310;
	[sflag:s20] =	ssyncadd.s32 $0xFFFFC000  }
0x20e: {  	s10 =	simm.s32 $0x1B80;
	v5 =	vld [tilespmem:s26+$0x0]  }
0x20f: {  	v1 =	vld [tilespmem:s10+$0x70]  }
0x210: {  	v6 =	vld [tilespmem:s10+$0xFFFFFF80]  }
0x211: {  	v7 =	vld [tilespmem:s10+$0xFFFFFF90]  }
0x212: {  	v8 =	vld [tilespmem:s10+$0xFFFFFFA0]  }
0x213: {  	v2 =	vld [tilespmem:s10+$0xFFFFFFB0]  }
0x214: {  	v0 =	vld [tilespmem:s10+$0xFFFFFFC0]  }
0x215: {  	v3 =	vld [tilespmem:s10+$0xFFFFFFE0]  }
0x216: {  	v9 =	vld [tilespmem:s10+$0x0]  }
0x217: {  	v14 =	vld [tilespmem:s10+$0x10]  }
0x218: {  	v15 =	vld [tilespmem:s10+$0x20]  }
0x219: {  	v13 =	vld [tilespmem:s10+$0x30]  }
0x21a: {  	v11 =	vld [tilespmem:s10+$0x40]  }
0x21b: {  	v12 =	vld [tilespmem:s10+$0x50]  }
0x21c: {  	v10 =	vld [tilespmem:s10+$0x60];
	v4 =	vmul.f32 v1, v5  }
0x21d: {  	v1 =	vld [tilespmem:s10+$0xFFFFFFD0];
	v16 =	vmul.f32 v9, v5  }
0x21e: {  	v14 =	vmul.f32 v14, v5;
	v9 =	vld [tilespmem:s26+$0xFFFFFFF0];
	[tilespmem:s10+$0x70] =	vst v4  }
0x21f: {  	s25 =	simm.s32 $0x1B80;
	s24 =	simm.s32 $0x330;
	s23 =	simm.s32 $0x0;
	v15 =	vmul.f32 v15, v5;
	v4 =	vld [tilespmem:s10+$0xFFFFFFF0];
	[tilespmem:s10+$0x0] =	vst v16  }
.LBB2_15:
0x220: {  	v16 =	vld [tilespmem:s24+$0x0];
	[tilespmem:s10+$0x10] =	vst v14;
	v13 =	vmul.f32 v13, v5;
	s25 =	sadd.s32 $0x100, s25  }
0x221: {  	s23 =	sadd.s32 $0x2, s23;
	v14 =	vld [tilespmem:s25+$0x70];
	[tilespmem:s10+$0x20] =	vst v15;
	v11 =	vmul.f32 v11, v5  }
0x222: {  	p0 =	slt.u32 s23, $0x7E;
	v15 =	vld [tilespmem:s25+$0xFFFFFF80];
	[tilespmem:s10+$0x30] =	vst v13;
	v12 =	vmul.f32 v12, v5  }
0x223: {  	v13 =	vld [tilespmem:s25+$0xFFFFFF90];
	[tilespmem:s10+$0x40] =	vst v11;
	v17 =	vmul.f32 v10, v5  }
0x224: {  	v10 =	vld [tilespmem:s25+$0xFFFFFFA0];
	v18 =	vmul.f32 v6, v9;
	v7 =	vmul.f32 v7, v9;
	[tilespmem:s10+$0x50] =	vst v12  }
0x225: {  	v8 =	vmul.f32 v8, v9;
	v11 =	vmul.f32 v2, v9;
	v2 =	vld [tilespmem:s25+$0xFFFFFFB0];
	[tilespmem:s10+$0x60] =	vst v17;
	v5 =	vmov v16  }
0x226: {  	v12 =	vmul.f32 v14, v5;
	[tilespmem:s10+$0xFFFFFF80] =	vst v18;
	v14 =	vmul.f32 v0, v9;
	v0 =	vld [tilespmem:s25+$0xFFFFFFC0]  }
0x227: {  	v16 =	vmul.f32 v1, v9;
	v17 =	vmul.f32 v3, v9;
	[tilespmem:s10+$0xFFFFFF90] =	vst v7;
	v1 =	vld [tilespmem:s25+$0xFFFFFFD0];
	v6 =	vmov v15  }
0x228: {  	v9 =	vmul.f32 v4, v9;
	v3 =	vld [tilespmem:s25+$0xFFFFFFE0];
	[tilespmem:s25+$0x70] =	vst v12;
	v7 =	vmov v13  }
0x229: {  	v4 =	vld [tilespmem:s25+$0xFFFFFFF0];
	[tilespmem:s10+$0xFFFFFFA0] =	vst v8;
	v8 =	vmov v10  }
0x22a: {  	v10 =	vld [tilespmem:s25+$0x0];
	[tilespmem:s10+$0xFFFFFFB0] =	vst v11  }
0x22b: {  	v15 =	vld [tilespmem:s25+$0x10];
	[tilespmem:s10+$0xFFFFFFC0] =	vst v14  }
0x22c: {  	v18 =	vld [tilespmem:s25+$0x20];
	[tilespmem:s10+$0xFFFFFFD0] =	vst v16  }
.Ltmp6:
0x22d: {  	v13 =	vld [tilespmem:s25+$0x30];
	[tilespmem:s10+$0xFFFFFFE0] =	vst v17;
	(pc) =	sbr.rel @p0 .LBB2_15-.Ltmp6, $4  }
0x22e: {  	v11 =	vld [tilespmem:s25+$0x40];
	[tilespmem:s10+$0xFFFFFFF0] =	vst v9;
	s10 =	smov.u32 s25  }
0x22f: {  	v16 =	vmul.f32 v10, v5;
	v12 =	vld [tilespmem:s25+$0x50]  }
0x230: {  	v14 =	vmul.f32 v15, v5;
	v10 =	vld [tilespmem:s25+$0x60]  }
0x231: {  	v9 =	vld [tilespmem:s24+$0xFFFFFFF0];
	[tilespmem:s25+$0x0] =	vst v16;
	v15 =	vmul.f32 v18, v5;
	s24 =	sadd.s32 $0x20, s24  }
0x232: {  	[tilespmem:s10+$0x10] =	vst v14;
	v13 =	vmul.f32 v13, v5  }
0x233: {  	[tilespmem:s10+$0x20] =	vst v15;
	v11 =	vmul.f32 v11, v5  }
0x234: {  	[tilespmem:s10+$0x30] =	vst v13;
	v12 =	vmul.f32 v12, v5  }
0x235: {  	[tilespmem:s10+$0x40] =	vst v11;
	v5 =	vmul.f32 v10, v5  }
0x236: {  	v6 =	vmul.f32 v6, v9;
	[tilespmem:s10+$0x50] =	vst v12  }
0x237: {  	v7 =	vmul.f32 v7, v9;
	[tilespmem:s10+$0x60] =	vst v5  }
0x238: {  	v2 =	vmul.f32 v2, v9;
	[tilespmem:s10+$0xFFFFFF80] =	vst v6  }
0x239: {  	v0 =	vmul.f32 v0, v9;
	[tilespmem:s10+$0xFFFFFF90] =	vst v7  }
0x23a: {  	v1 =	vmul.f32 v1, v9;
	[tilespmem:s10+$0xFFFFFFB0] =	vst v2  }
0x23b: {  	v5 =	vmul.f32 v8, v9;
	[tilespmem:s10+$0xFFFFFFC0] =	vst v0  }
0x23c: {  	v2 =	vmul.f32 v3, v9;
	[tilespmem:s10+$0xFFFFFFD0] =	vst v1  }
0x23d: {  	s25 =	smul.u32 $0x6, s0;
	v0 =	vmul.f32 v4, v9;
	[tilespmem:s10+$0xFFFFFFA0] =	vst v5  }
0x23e: {  	[tilespmem:s10+$0xFFFFFFE0] =	vst v2  }
0x23f: {  	[tilespmem:s10+$0xFFFFFFF0] =	vst v0;
	s10 =	smin.u32 s25, $0x47  }
0x240: {  	[spmem:s2] =	stream.indirect.scatter.add.f32 [tilespmem:s12], [sflag:$0x6], $0x80, s3, s11, $0xb8;
	[tilespmem:$0x1D700] =	vst v63  }
0x241: {  	s10 =	sshll.u32 s10, $0x7  }
0x242: {  	_ =	swait.ge [sflag:s21], $0x4000;
	s10 =	sadd.s32 s10, s29  }
0x243: {  	[sflag:s21] =	ssyncset.done $0x0;
	s23 =	sshrl.u32 s10, $0x3  }
0x244: {  	s10 =	sshll.u32 s10, $0x1;
	[sflag:s21] =	ssyncadd.s32 $0xFFFFC000;
	s24 =	sadd.s32 s5, s23  }
0x245: {  	[tilespmem:s4], [sflag:$0x1] =	stream.linear.gather [hbm4b:s24+s4], $0x80, $0x38;
	[tilespmem:$0x1D700] =	vst v63  }
0x246: {  	s23 =	sadd.s32 s6, s23;
	s10 =	sand.u32 $0x1FFF00, s10  }
0x247: {  	[tilespmem:s3], [sflag:$0x1] =	stream.linear.gather [hbm4b:s23+s4], $0x80, $0x38;
	[tilespmem:$0x1D700] =	vst v63  }
0x248: {  	s10 =	sadd.s32 s7, s10  }
0x249: {  	[tilespmem:s8], [sflag:$0x1] =	stream.linear.gather [hbm4b:s10+s4], $0x800, $0x38;
	[tilespmem:$0x1D700] =	vst v63  }
0x24a: {  	_ =	swait.ge [sflag:s22], $0x80  }
0x24b: {  	[sflag:s22] =	ssyncset.done $0x0  }
0x24c: {  	[sflag:s22] =	ssyncadd.s32 $0xFFFFFF80  }
0x24d: {  	_ =	swait.ge [sflag:s22], $0x80  }
0x24e: {  	[sflag:s22] =	ssyncset.done $0x0  }
0x24f: {  	[sflag:s22] =	ssyncadd.s32 $0xFFFFFF80  }
0x250: {  	_ =	swait.ge [sflag:s22], $0x800  }
0x251: {  	[sflag:s22] =	ssyncset.done $0x0  }
0x252: {  	[sflag:s22] =	ssyncadd.s32 $0xFFFFF800  }
0x253: {  	[tilespmem:s12], [sflag:$0x4] =	stream.indirect.gather [hbm4b:s1+s11], $0x80, s17, s11, $0xb8;
	[tilespmem:$0x1D700] =	vst v63  }
0x254: {  	_ =	swait.ge [sflag:s30], $0x4000  }
0x255: {  	[sflag:s30] =	ssyncset.done $0x0  }
0x256: {  	s26 =	simm.s32 $0xB10;
	[sflag:s30] =	ssyncadd.s32 $0xFFFFC000  }
0x257: {  	s10 =	simm.s32 $0x5B80;
	v5 =	vld [tilespmem:s26+$0x0]  }
0x258: {  	v1 =	vld [tilespmem:s10+$0x70]  }
0x259: {  	v6 =	vld [tilespmem:s10+$0xFFFFFF80]  }
0x25a: {  	v7 =	vld [tilespmem:s10+$0xFFFFFF90]  }
0x25b: {  	v8 =	vld [tilespmem:s10+$0xFFFFFFA0]  }
0x25c: {  	v2 =	vld [tilespmem:s10+$0xFFFFFFB0]  }
0x25d: {  	v0 =	vld [tilespmem:s10+$0xFFFFFFC0]  }
0x25e: {  	v3 =	vld [tilespmem:s10+$0xFFFFFFE0]  }
0x25f: {  	v9 =	vld [tilespmem:s10+$0x0]  }
0x260: {  	v14 =	vld [tilespmem:s10+$0x10]  }
0x261: {  	v15 =	vld [tilespmem:s10+$0x20]  }
0x262: {  	v13 =	vld [tilespmem:s10+$0x30]  }
0x263: {  	v11 =	vld [tilespmem:s10+$0x40]  }
0x264: {  	v12 =	vld [tilespmem:s10+$0x50]  }
0x265: {  	v10 =	vld [tilespmem:s10+$0x60];
	v4 =	vmul.f32 v1, v5  }
0x266: {  	v1 =	vld [tilespmem:s10+$0xFFFFFFD0];
	v16 =	vmul.f32 v9, v5  }
0x267: {  	v14 =	vmul.f32 v14, v5;
	v9 =	vld [tilespmem:s26+$0xFFFFFFF0];
	[tilespmem:s10+$0x70] =	vst v4  }
0x268: {  	s25 =	simm.s32 $0x5B80;
	s24 =	simm.s32 $0xB30;
	s23 =	simm.s32 $0x0;
	v15 =	vmul.f32 v15, v5;
	v4 =	vld [tilespmem:s10+$0xFFFFFFF0];
	[tilespmem:s10+$0x0] =	vst v16  }
.LBB2_17:
0x269: {  	v16 =	vld [tilespmem:s24+$0x0];
	[tilespmem:s10+$0x10] =	vst v14;
	v13 =	vmul.f32 v13, v5;
	s25 =	sadd.s32 $0x100, s25  }
0x26a: {  	s23 =	sadd.s32 $0x2, s23;
	v14 =	vld [tilespmem:s25+$0x70];
	[tilespmem:s10+$0x20] =	vst v15;
	v11 =	vmul.f32 v11, v5  }
0x26b: {  	p0 =	slt.u32 s23, $0x7E;
	v15 =	vld [tilespmem:s25+$0xFFFFFF80];
	[tilespmem:s10+$0x30] =	vst v13;
	v12 =	vmul.f32 v12, v5  }
0x26c: {  	v13 =	vld [tilespmem:s25+$0xFFFFFF90];
	[tilespmem:s10+$0x40] =	vst v11;
	v17 =	vmul.f32 v10, v5  }
0x26d: {  	v10 =	vld [tilespmem:s25+$0xFFFFFFA0];
	v18 =	vmul.f32 v6, v9;
	v7 =	vmul.f32 v7, v9;
	[tilespmem:s10+$0x50] =	vst v12  }
0x26e: {  	v8 =	vmul.f32 v8, v9;
	v11 =	vmul.f32 v2, v9;
	v2 =	vld [tilespmem:s25+$0xFFFFFFB0];
	[tilespmem:s10+$0x60] =	vst v17;
	v5 =	vmov v16  }
0x26f: {  	v12 =	vmul.f32 v14, v5;
	[tilespmem:s10+$0xFFFFFF80] =	vst v18;
	v14 =	vmul.f32 v0, v9;
	v0 =	vld [tilespmem:s25+$0xFFFFFFC0]  }
0x270: {  	v16 =	vmul.f32 v1, v9;
	v17 =	vmul.f32 v3, v9;
	[tilespmem:s10+$0xFFFFFF90] =	vst v7;
	v1 =	vld [tilespmem:s25+$0xFFFFFFD0];
	v6 =	vmov v15  }
0x271: {  	v9 =	vmul.f32 v4, v9;
	v3 =	vld [tilespmem:s25+$0xFFFFFFE0];
	[tilespmem:s25+$0x70] =	vst v12;
	v7 =	vmov v13  }
0x272: {  	v4 =	vld [tilespmem:s25+$0xFFFFFFF0];
	[tilespmem:s10+$0xFFFFFFA0] =	vst v8;
	v8 =	vmov v10  }
0x273: {  	v10 =	vld [tilespmem:s25+$0x0];
	[tilespmem:s10+$0xFFFFFFB0] =	vst v11  }
0x274: {  	v15 =	vld [tilespmem:s25+$0x10];
	[tilespmem:s10+$0xFFFFFFC0] =	vst v14  }
0x275: {  	v18 =	vld [tilespmem:s25+$0x20];
	[tilespmem:s10+$0xFFFFFFD0] =	vst v16  }
.Ltmp7:
0x276: {  	v13 =	vld [tilespmem:s25+$0x30];
	[tilespmem:s10+$0xFFFFFFE0] =	vst v17;
	(pc) =	sbr.rel @p0 .LBB2_17-.Ltmp7, $4  }
0x277: {  	v11 =	vld [tilespmem:s25+$0x40];
	[tilespmem:s10+$0xFFFFFFF0] =	vst v9;
	s10 =	smov.u32 s25  }
0x278: {  	v16 =	vmul.f32 v10, v5;
	v12 =	vld [tilespmem:s25+$0x50]  }
0x279: {  	v14 =	vmul.f32 v15, v5;
	v10 =	vld [tilespmem:s25+$0x60]  }
0x27a: {  	v9 =	vld [tilespmem:s24+$0xFFFFFFF0];
	[tilespmem:s25+$0x0] =	vst v16;
	v15 =	vmul.f32 v18, v5;
	s24 =	sadd.s32 $0x20, s24  }
0x27b: {  	[tilespmem:s10+$0x10] =	vst v14;
	v13 =	vmul.f32 v13, v5  }
0x27c: {  	[tilespmem:s10+$0x20] =	vst v15;
	v11 =	vmul.f32 v11, v5  }
0x27d: {  	[tilespmem:s10+$0x30] =	vst v13;
	v12 =	vmul.f32 v12, v5  }
0x27e: {  	[tilespmem:s10+$0x40] =	vst v11;
	v60 =	vmul.f32 v10, v5  }
0x27f: {  	v6 =	vmul.f32 v6, v9;
	[tilespmem:s10+$0x50] =	vst v12  }
0x280: {  	v7 =	vmul.f32 v7, v9;
	[tilespmem:s10+$0x60] =	vst v60  }
0x281: {  	v61 =	vmul.f32 v8, v9;
	[tilespmem:s10+$0xFFFFFF80] =	vst v6  }
0x282: {  	v2 =	vmul.f32 v2, v9;
	[tilespmem:s10+$0xFFFFFF90] =	vst v7  }
0x283: {  	s0 =	sadd.s32 $0x1, s0;
	v0 =	vmul.f32 v0, v9;
	[tilespmem:s10+$0xFFFFFFA0] =	vst v61  }
0x284: {  	p0 =	sne.s32 s0, $0xD;
	v1 =	vmul.f32 v1, v9;
	[tilespmem:s10+$0xFFFFFFB0] =	vst v2  }
.Ltmp8:
0x285: {  	v62 =	vmul.f32 v3, v9;
	[tilespmem:s10+$0xFFFFFFC0] =	vst v0;
	(pc) =	sbr.rel @p0 .LBB2_6-.Ltmp8, $4  }
0x286: {  	v63 =	vmul.f32 v4, v9;
	[tilespmem:s10+$0xFFFFFFD0] =	vst v1  }
0x287: {  	[tilespmem:s10+$0xFFFFFFE0] =	vst v62  }
0x288: {  	[tilespmem:s10+$0xFFFFFFF0] =	vst v63  }
0x289: {  	[spmem:s2] =	stream.indirect.scatter.add.f32 [tilespmem:s16], [sflag:$0x7], $0x80, s13, s11, $0xb8;
	[tilespmem:$0x1D700] =	vst v63  }
0x28a: {  	_ =	swait.ge [sflag:s31], $0x4000  }
0x28b: {  	[sflag:s31] =	ssyncset.done $0x0  }
0x28c: {  	[sflag:s31] =	ssyncadd.s32 $0xFFFFC000  }
0x28d: {  	_ =	swait.ge [sflag:s20], $0x4000  }
0x28e: {  	[sflag:s20] =	ssyncset.done $0x0  }
0x28f: {  	[sflag:s20] =	ssyncadd.s32 $0xFFFFC000  }
0x290: {  	_ =	swait.ge [sflag:s9], $0x80  }
0x291: {  	[sflag:s9] =	ssyncset.done $0x0  }
0x292: {  	[sflag:s9] =	ssyncadd.s32 $0xFFFFFF80  }
0x293: {  	_ =	swait.ge [sflag:s9], $0x80  }
0x294: {  	[sflag:s9] =	ssyncset.done $0x0  }
0x295: {  	[sflag:s9] =	ssyncadd.s32 $0xFFFFFF80  }
0x296: {  	_ =	swait.ge [sflag:s9], $0x800  }
0x297: {  	[sflag:s9] =	ssyncset.done $0x0  }
0x298: {  	[sflag:s9] =	ssyncadd.s32 $0xFFFFF800  }
0x299: {  	[bflag:$0x0] =	sbarrier.arrive $0xFFFF  }
0x29a: {  	s23 =	rddreg [dreg:$0x6]  }
0x29b: {  	s0 =	rddreg [dreg:$0x17]  }
0x29c: {  	s10 =	rddreg [dreg:$0x1a]  }
0x29d: {  	[hbm:s0], [sflag:s23] =	dma.local [spmem:s10], $0x2780  }
0x29e: {  	s10 =	simm.s32 $0x8  }
0x29f: {  	_ =	swait.ge [sflag:s10], $0x2780  }
0x2a0: {  	s24 =	rddreg [dreg:$0x19]  }
0x2a1: {  	s26 =	rddreg [dreg:$0x18];
	s24 =	sadd.s32 $0x1, s24  }
0x2a2: {  	p0 =	sne.s32 s24, s26  }
.Ltmp9:
0x2a3: {  	_ = 	snop;
	(pc) =	sbr.rel @p0 .LBB2_1-.Ltmp9, $3  }
0x2a4: {  	_ =	sdelay $0x1  }
0x2a5: {  	[sflag:s10] =	ssyncset.done $0x0  }
0x2a6: {  	[sflag:s10] =	ssyncadd.s32 $0xFFFFD880  }
0x2a7: {  	_ =	sfence.sel $0x180000  }
0x2a8: {  	[bflag:$0x0] =	sbarrier.arrive $0xFFFF  }
0x2a9: {  	_ =	strace $0x90000047  }
0x2aa: {  	s0 =	stileid.u32;
	[bflag:$0x2] =	sbarrier.arrive $0xFFFF  }
0x2ab: {  	p0 =	sne.s32 s0, $0x0;
	s0 =	rddreg [dreg:$0x3]  }
0x2ac: {  	s0 =	sadd.s32 @!p0 $0x100000, s0  }
0x2ad: {  	[sflag:s0] =	ssyncadd.tile.s32 @!p0 $0x1;
	_ =	shalt  }
.Lfunc_end2:
_tile_overlayer_lowered:
.L_overlay_start_2:
0x2ae: {  	(tag) =	ssettag $0x2  }
0x2af: {  	s0 =	rddreg [dreg:$0x0];
	s2 =	stileid.u32  }
0x2b0: {  	s1 =	rddreg [dreg:$0x1];
	p0 =	sne.s32 s2, $0x0  }
0x2b1: {  	s3 =	rddreg [dreg:$0x2];
	[bflag:$0x3] =	sbarrier.arrive $0xFFFF;
	s2 =	simm.s32 @!p0 $0x1C08  }
0x2b2: {  	[timem:s3], [sflag:s2] =	dma.local @!p0 [hbm:s0], s1  }
0x2b3: {  	s0 =	simm.s32 @!p0 $0x8  }
0x2b4: {  	_ =	swait.ge @!p0 [sflag:s0], s1  }
0x2b5: {  	s1 =	ssub.s32 @!p0 $0x0, s1;
	[sflag:s0] =	ssyncset.done @!p0 $0x0  }
0x2b6: {  	[sflag:s0] =	ssyncadd.s32 @!p0 s1  }
0x2b7: {  	[bflag:$0x3] =	sbarrier.arrive $0xFFFF  }
0x2b8: {  	_ =	shalt  }

</sc_bundles>
